<compile_context>
chip_gen: v7x
topology: tpu7x:2x2x1
jax: 0.10.2.dev20260603
libtpu: 0.0.44.dev20260713+nightly
codegen_flags: <defaults>
</compile_context>

<pallas_src>
import functools

import jax
import jax.numpy as jnp
from jax import lax
from jax.experimental import pallas as pl
from jax.experimental.pallas import tpu as pltpu
from jax.experimental.pallas import tpu_sc as plsc

N = 10000
E = 160000
D = 256
DH = 128
NC = 2
NS = 16
CHUNK = 128
NCHUNK = E // CHUNK
ZC = 400
NZC = N // ZC

_mesh = plsc.VectorSubcoreMesh(core_axis_name="c", subcore_axis_name="s",
                               num_cores=NC, num_subcores=NS)


_DEG_SCRATCH = [
    pltpu.VMEM_SHARED((N, DH), jnp.float32),
    pltpu.VMEM((CHUNK,), jnp.int32),
    pltpu.VMEM((CHUNK, DH), jnp.float32),
]


def _sc_degree_body(dst_hbm, ones_hbm, zeros8_hbm, out_hbm, acc, dstbuf, onesbuf):
    c = lax.axis_index("c")
    s = lax.axis_index("s")
    w = s * NC + c
    zcnt = 1 + (s < NZC - NS).astype(jnp.int32)

    def zbody(k, _):
        j = s + k * NS
        pltpu.sync_copy(zeros8_hbm, acc.at[pl.ds(j * ZC, ZC)])
        return _

    lax.fori_loop(0, zcnt, zbody, None)
    pltpu.sync_copy(ones_hbm, onesbuf)
    plsc.subcore_barrier()
    cnt = 39 + (w < NCHUNK - 39 * 32).astype(jnp.int32)

    def body(k, _):
        base = (w + k * (NC * NS)) * CHUNK
        pltpu.sync_copy(dst_hbm.at[pl.ds(base, CHUNK)], dstbuf)
        pltpu.sync_copy(onesbuf, acc.at[dstbuf], add=True)
        return _

    lax.fori_loop(0, cnt, body, None)
    plsc.subcore_barrier()

    def dbody(k, _):
        j = s + k * NS
        pltpu.sync_copy(acc.at[pl.ds(j * ZC, ZC)],
                        out_hbm.at[pl.ds(c * N + j * ZC, ZC)])
        return _

    lax.fori_loop(0, zcnt, dbody, None)


_sc_degree = functools.partial(
    pl.kernel,
    out_type=jax.ShapeDtypeStruct((NC * N, DH), jnp.float32),
    mesh=_mesh,
    scratch_types=_DEG_SCRATCH,
)(_sc_degree_body)


_AGG_SCRATCH = [
    pltpu.VMEM_SHARED((N, DH), jnp.float32),
    pltpu.VMEM((CHUNK,), jnp.int32),
    pltpu.VMEM((CHUNK,), jnp.int32),
    pltpu.VMEM((CHUNK,), jnp.int32),
    pltpu.VMEM((CHUNK, DH), jnp.float32),
    pltpu.SemaphoreType.DMA,
]


def _sc_aggregate_body(xs_hbm, src_hbm, dst_hbm, zeros_hbm, out_hbm,
                       acc, srcbuf, adjbuf, dstbuf, rows, sem):
    c = lax.axis_index("c")
    s = lax.axis_index("s")
    off = c * N
    zcnt = 1 + (s < NZC - NS).astype(jnp.int32)

    def zbody(k, _):
        j = s + k * NS
        pltpu.sync_copy(zeros_hbm, acc.at[pl.ds(j * ZC, ZC)])
        return _

    lax.fori_loop(0, zcnt, zbody, None)
    plsc.subcore_barrier()
    cnt = 78 + (s < NCHUNK - 78 * NS).astype(jnp.int32)

    def body(k, _):
        base = (s + k * NS) * CHUNK
        pltpu.sync_copy(src_hbm.at[pl.ds(base, CHUNK)], srcbuf)
        pltpu.sync_copy(dst_hbm.at[pl.ds(base, CHUNK)], dstbuf)
        for t in range(CHUNK // 16):
            adjbuf[pl.ds(t * 16, 16)] = srcbuf[pl.ds(t * 16, 16)] + off
        pltpu.async_copy(xs_hbm.at[adjbuf], rows, sem).wait()
        pltpu.sync_copy(rows, acc.at[dstbuf], add=True)
        return _

    lax.fori_loop(0, cnt, body, None)
    plsc.subcore_barrier()

    def dbody(k, _):
        j = s + k * NS
        pltpu.sync_copy(acc.at[pl.ds(j * ZC, ZC)],
                        out_hbm.at[pl.ds(c * N + j * ZC, ZC)])
        return _

    lax.fori_loop(0, zcnt, dbody, None)


_sc_aggregate = functools.partial(
    pl.kernel,
    out_type=jax.ShapeDtypeStruct((NC * N, DH), jnp.float32),
    mesh=_mesh,
    scratch_types=_AGG_SCRATCH,
)(_sc_aggregate_body)


_R = 1000


def _mm1_body(x_ref, w_ref, parts_ref, xs_ref, dinv_ref):
    p0 = parts_ref[0, :, 0:1]
    p1 = parts_ref[1, :, 0:1]
    dinv = lax.rsqrt(p0 + p1 + 1.0)
    dinv_ref[...] = dinv
    y = jnp.dot(x_ref[...], w_ref[...], preferred_element_type=jnp.float32)
    y = y * dinv
    xs_ref[0] = y[:, :DH]
    xs_ref[1] = y[:, DH:]


def _mm_mid_body(agg_ref, xsp_ref, dinv_ref, b_ref, w_ref, xs_ref):
    dinv = dinv_ref[...]
    h = jnp.concatenate([agg_ref[0] + xsp_ref[0], agg_ref[1] + xsp_ref[1]], axis=1)
    h = jnp.maximum(dinv * h + b_ref[...], 0.0)
    y = jnp.dot(h, w_ref[...], preferred_element_type=jnp.float32) * dinv
    xs_ref[0] = y[:, :DH]
    xs_ref[1] = y[:, DH:]


def _final_body(agg_ref, xsp_ref, dinv_ref, b_ref, out_ref):
    dinv = dinv_ref[...]
    h = jnp.concatenate([agg_ref[0] + xsp_ref[0], agg_ref[1] + xsp_ref[1]], axis=1)
    out_ref[...] = dinv * h + b_ref[...]


def _mm1(x, W1, parts):
    return pl.pallas_call(
        _mm1_body,
        grid=(N // _R,),
        in_specs=[
            pl.BlockSpec((_R, D), lambda i: (i, 0)),
            pl.BlockSpec((D, D), lambda i: (0, 0)),
            pl.BlockSpec((NC, _R, DH), lambda i: (0, i, 0)),
        ],
        out_specs=[
            pl.BlockSpec((NC, _R, DH), lambda i: (0, i, 0)),
            pl.BlockSpec((_R, 1), lambda i: (i, 0)),
        ],
        out_shape=[
            jax.ShapeDtypeStruct((NC, N, DH), jnp.float32),
            jax.ShapeDtypeStruct((N, 1), jnp.float32),
        ],
    )(x, W1, parts)


def _mm_mid(agg, xsp, dinv, b, W):
    return pl.pallas_call(
        _mm_mid_body,
        grid=(N // _R,),
        in_specs=[
            pl.BlockSpec((NC, _R, DH), lambda i: (0, i, 0)),
            pl.BlockSpec((NC, _R, DH), lambda i: (0, i, 0)),
            pl.BlockSpec((_R, 1), lambda i: (i, 0)),
            pl.BlockSpec((1, D), lambda i: (0, 0)),
            pl.BlockSpec((D, D), lambda i: (0, 0)),
        ],
        out_specs=pl.BlockSpec((NC, _R, DH), lambda i: (0, i, 0)),
        out_shape=jax.ShapeDtypeStruct((NC, N, DH), jnp.float32),
    )(agg, xsp, dinv, b, W)


def _final(agg, xsp, dinv, b):
    return pl.pallas_call(
        _final_body,
        grid=(N // _R,),
        in_specs=[
            pl.BlockSpec((NC, _R, DH), lambda i: (0, i, 0)),
            pl.BlockSpec((NC, _R, DH), lambda i: (0, i, 0)),
            pl.BlockSpec((_R, 1), lambda i: (i, 0)),
            pl.BlockSpec((1, D), lambda i: (0, 0)),
        ],
        out_specs=pl.BlockSpec((_R, D), lambda i: (i, 0)),
        out_shape=jax.ShapeDtypeStruct((N, D), jnp.float32),
    )(agg, xsp, dinv, b)


def kernel(x, edge_index, W1, b1, W2, b2, W3, b3):
    src = edge_index[0].astype(jnp.int32)
    dst = edge_index[1].astype(jnp.int32)
    ones128 = jnp.ones((CHUNK, DH), jnp.float32)
    zeros128 = jnp.zeros((ZC, DH), jnp.float32)

    parts = _sc_degree(dst, ones128, zeros128).reshape(NC, N, DH)
    xs1, dinv = _mm1(x, W1, parts)
    agg1 = _sc_aggregate(xs1.reshape(NC * N, DH), src, dst, zeros128)
    xs2 = _mm_mid(agg1.reshape(NC, N, DH), xs1, dinv, b1.reshape(1, D), W2)
    agg2 = _sc_aggregate(xs2.reshape(NC * N, DH), src, dst, zeros128)
    xs3 = _mm_mid(agg2.reshape(NC, N, DH), xs2, dinv, b2.reshape(1, D), W3)
    agg3 = _sc_aggregate(xs3.reshape(NC * N, DH), src, dst, zeros128)
    return _final(agg3.reshape(NC, N, DH), xs3, dinv, b3.reshape(1, D))

# --- scband reference (transcript-rebuilt; emitter-appended) ---
"""Pipeline reference for scband-gnn-12000138625448 (READ-ONLY COPY).

The authoritative reference and input builder live on the scoring server;
editing this copy changes nothing except your own understanding.
"""

import jax, jax.numpy as jnp
import numpy as np

N_NODES = 10000
N_EDGES = 160000
D_IN = 256
D_HID = 256
D_OUT = 256


def setup_inputs(seed: int = 0) -> dict:
    key = jax.random.key(seed)
    ks = jax.random.split(key, 8)
    x = jax.random.normal(ks[0], (N_NODES, D_IN), dtype=jnp.float32)
    edge_index = jax.random.randint(ks[1], (2, N_EDGES), 0, N_NODES, dtype=jnp.int64)
    # GCN stack: layer_sizes = [256, 256, 256, 256] -> 3 GCNConv layers
    s1 = 1.0 / np.sqrt(D_IN)
    s2 = 1.0 / np.sqrt(D_HID)
    W1 = jax.random.uniform(ks[2], (D_IN, D_HID), jnp.float32, -s1, s1)
    b1 = jnp.zeros((D_HID,), jnp.float32)
    W2 = jax.random.uniform(ks[3], (D_HID, D_HID), jnp.float32, -s2, s2)
    b2 = jnp.zeros((D_HID,), jnp.float32)
    W3 = jax.random.uniform(ks[4], (D_HID, D_OUT), jnp.float32, -s2, s2)
    b3 = jnp.zeros((D_OUT,), jnp.float32)
    return {"x": x, "edge_index": edge_index, "W1": W1, "b1": b1, "W2": W2, "b2": b2, "W3": W3, "b3": b3}


def _gcn_conv(x, src, dst, norm, W, b):
    # x' = scatter_add(norm * (x W)[src] -> dst) + b
    xw = x @ W
    msg = xw[src] * norm[:, None]
    out = jnp.zeros((x.shape[0], W.shape[1]), dtype=x.dtype).at[dst].add(msg)
    return out + b


def reference(x, edge_index, W1, b1, W2, b2, W3, b3):
    n = x.shape[0]
    # add self-loops (GCNConv default)
    loop = jnp.arange(n, dtype=edge_index.dtype)
    src = jnp.concatenate([edge_index[0], loop])
    dst = jnp.concatenate([edge_index[1], loop])
    # symmetric normalization D^{-1/2} A_hat D^{-1/2}
    deg = jnp.zeros((n,), dtype=x.dtype).at[dst].add(1.0)
    dinv = jnp.where(deg > 0, jax.lax.rsqrt(deg), 0.0)
    norm = dinv[src] * dinv[dst]
    h = _gcn_conv(x, src, dst, norm, W1, b1)
    h = jax.nn.relu(h)
    h = _gcn_conv(h, src, dst, norm, W2, b2)
    h = jax.nn.relu(h)
    h = _gcn_conv(h, src, dst, norm, W3, b3)
    return h

if __name__ == "__main__":
    import jax
    _d = setup_inputs()
    print(jax.jit(kernel)(*tuple(_d.values())))

</pallas_src>

<mosaic_0001>
#map = affine_map<(d0, d1) -> (0, 0)>
#map1 = affine_map<(d0, d1) -> (0)>
module attributes {stable_mosaic.version = 14 : i64} {
  func.func @_sc_aggregate_body(%arg0: i32, %arg1: i32, %arg2: memref<20000x128xf32, #tpu.memory_space<hbm>>, %arg3: memref<160000xi32, #tpu.memory_space<hbm>>, %arg4: memref<160000xi32, #tpu.memory_space<hbm>>, %arg5: memref<400x128xf32, #tpu.memory_space<hbm>>, %arg6: memref<20000x128xf32, #tpu.memory_space<hbm>>, %arg7: memref<10000x128xf32, #tpu.memory_space<vmem_shared>>, %arg8: memref<128xi32, #tpu.memory_space<vmem>>, %arg9: memref<128xi32, #tpu.memory_space<vmem>>, %arg10: memref<128xi32, #tpu.memory_space<vmem>>, %arg11: memref<128x128xf32, #tpu.memory_space<vmem>>, %arg12: memref<!tpu.dma_semaphore, #tpu.memory_space<semaphore_mem>>) attributes {dimension_semantics = [#tpu.dimension_semantics<core_parallel>, #tpu.dimension_semantics<subcore_parallel>], iteration_bounds = array<i64: 2, 16>, scalar_prefetch = 0 : i64, scratch_operands = 6 : i64, tpu.core_type = #tpu.core_type<sc_vector_subcore>, window_params = [{transform_indices = #map}, {transform_indices = #map1}, {transform_indices = #map1}, {transform_indices = #map}, {transform_indices = #map}]} {
    %mul3A = arith.constant 10000 : i32
    %mul3A_0 = arith.muli %arg0, %mul3A : i32
    %lt3A = arith.constant 9 : i32
    %lt3A_1 = arith.cmpi slt, %arg1, %lt3A : i32
    %convert_element_type3A = arith.extui %lt3A_1 : i1 to i32
    %add3A = arith.constant 1 : i32
    %add3A_2 = arith.addi %add3A, %convert_element_type3A : i32
    %while3A = arith.constant 0 : i32
    %while3A_3 = arith.subi %add3A_2, %while3A : i32
    %while3A_4 = arith.addi %while3A, %while3A_3 : i32
    %while3A_5 = arith.constant 1 : i32
    %while3A_6 = arith.divsi %while3A_3, %while3A_5 : i32
    %while3A_7 = arith.muli %while3A_6, %while3A_5 : i32
    %while3A_8 = arith.addi %while3A, %while3A_7 : i32
    %while3A_9 = arith.constant 1 : i32
    scf.for %while3A_35 = %while3A to %while3A_8 step %while3A_9  : i32 {
      %mul3A_36 = arith.constant 16 : i32
      %mul3A_37 = arith.muli %while3A_35, %mul3A_36 : i32
      %add3A_38 = arith.addi %arg1, %mul3A_37 : i32
      %mul3A_39 = arith.constant 400 : i32
      %mul3A_40 = arith.muli %add3A_38, %mul3A_39 : i32
      "tpu.region"() ({
        %run_scoped3A = tpu.sem_alloc : memref<!tpu.dma_semaphore, #tpu.memory_space<semaphore_mem>>
        %dma_start3A = arith.constant 0 : i32
        %dma_start3A_41 = tpu.memref_slice %arg7[%mul3A_40, %dma_start3A] : memref<10000x128xf32, #tpu.memory_space<vmem_shared>> -> memref<400x128xf32, #tpu.memory_space<vmem_shared>>
        tpu.enqueue_dma source(%arg5 : memref<400x128xf32, #tpu.memory_space<hbm>>) target(%dma_start3A_41 : memref<400x128xf32, #tpu.memory_space<vmem_shared>>) target_semaphore(%run_scoped3A : memref<!tpu.dma_semaphore, #tpu.memory_space<semaphore_mem>>)
        %dma_wait3A = arith.constant 0 : i32
        %dma_wait3A_42 = tpu.memref_slice %arg7[%mul3A_40, %dma_wait3A] : memref<10000x128xf32, #tpu.memory_space<vmem_shared>> -> memref<400x128xf32, #tpu.memory_space<vmem_shared>>
        tpu.wait_dma2 semaphore(%run_scoped3A : memref<!tpu.dma_semaphore, #tpu.memory_space<semaphore_mem>>) src(%arg5 : memref<400x128xf32, #tpu.memory_space<hbm>>) dst(%dma_wait3A_42 : memref<400x128xf32, #tpu.memory_space<vmem_shared>>)
        tpu.yield
      }) : () -> ()
    }
    %while3A_10 = arith.constant 1 : i32
    scf.for %while3A_35 = %while3A_8 to %while3A_4 step %while3A_10  : i32 {
      %mul3A_36 = arith.constant 16 : i32
      %mul3A_37 = arith.muli %while3A_35, %mul3A_36 : i32
      %add3A_38 = arith.addi %arg1, %mul3A_37 : i32
      %mul3A_39 = arith.constant 400 : i32
      %mul3A_40 = arith.muli %add3A_38, %mul3A_39 : i32
      "tpu.region"() ({
        %run_scoped3A = tpu.sem_alloc : memref<!tpu.dma_semaphore, #tpu.memory_space<semaphore_mem>>
        %dma_start3A = arith.constant 0 : i32
        %dma_start3A_41 = tpu.memref_slice %arg7[%mul3A_40, %dma_start3A] : memref<10000x128xf32, #tpu.memory_space<vmem_shared>> -> memref<400x128xf32, #tpu.memory_space<vmem_shared>>
        tpu.enqueue_dma source(%arg5 : memref<400x128xf32, #tpu.memory_space<hbm>>) target(%dma_start3A_41 : memref<400x128xf32, #tpu.memory_space<vmem_shared>>) target_semaphore(%run_scoped3A : memref<!tpu.dma_semaphore, #tpu.memory_space<semaphore_mem>>)
        %dma_wait3A = arith.constant 0 : i32
        %dma_wait3A_42 = tpu.memref_slice %arg7[%mul3A_40, %dma_wait3A] : memref<10000x128xf32, #tpu.memory_space<vmem_shared>> -> memref<400x128xf32, #tpu.memory_space<vmem_shared>>
        tpu.wait_dma2 semaphore(%run_scoped3A : memref<!tpu.dma_semaphore, #tpu.memory_space<semaphore_mem>>) src(%arg5 : memref<400x128xf32, #tpu.memory_space<hbm>>) dst(%dma_wait3A_42 : memref<400x128xf32, #tpu.memory_space<vmem_shared>>)
        tpu.yield
      }) : () -> ()
    }
    %barrier3A = arith.constant 0 : index
    tpu.barrier barrier_id(%barrier3A)
    %lt3A_11 = arith.constant 2 : i32
    %lt3A_12 = arith.cmpi slt, %arg1, %lt3A_11 : i32
    %convert_element_type3A_13 = arith.extui %lt3A_12 : i1 to i32
    %add3A_14 = arith.constant 78 : i32
    %add3A_15 = arith.addi %add3A_14, %convert_element_type3A_13 : i32
    %while3A_16 = arith.constant 0 : i32
    %while3A_17 = arith.subi %add3A_15, %while3A_16 : i32
    %while3A_18 = arith.addi %while3A_16, %while3A_17 : i32
    %while3A_19 = arith.constant 1 : i32
    %while3A_20 = arith.divsi %while3A_17, %while3A_19 : i32
    %while3A_21 = arith.muli %while3A_20, %while3A_19 : i32
    %while3A_22 = arith.addi %while3A_16, %while3A_21 : i32
    %while3A_23 = arith.constant 1 : i32
    scf.for %while3A_35 = %while3A_16 to %while3A_22 step %while3A_23  : i32 {
      %mul3A_36 = arith.constant 16 : i32
      %mul3A_37 = arith.muli %while3A_35, %mul3A_36 : i32
      %add3A_38 = arith.addi %arg1, %mul3A_37 : i32
      %mul3A_39 = arith.constant 128 : i32
      %mul3A_40 = arith.muli %add3A_38, %mul3A_39 : i32
      "tpu.region"() ({
        %run_scoped3A = tpu.sem_alloc : memref<!tpu.dma_semaphore, #tpu.memory_space<semaphore_mem>>
        %dma_start3A_115 = tpu.memref_slice %arg3[%mul3A_40] : memref<160000xi32, #tpu.memory_space<hbm>> -> memref<128xi32, #tpu.memory_space<hbm>>
        %dma_start3A_116 = tpu.memref_slice %arg3[%mul3A_40] : memref<160000xi32, #tpu.memory_space<hbm>> -> memref<128xi32, #tpu.memory_space<hbm>>
        tpu.enqueue_dma source(%dma_start3A_116 : memref<128xi32, #tpu.memory_space<hbm>>) target(%arg8 : memref<128xi32, #tpu.memory_space<vmem>>) target_semaphore(%run_scoped3A : memref<!tpu.dma_semaphore, #tpu.memory_space<semaphore_mem>>)
        %dma_wait3A_117 = tpu.memref_slice %arg3[%mul3A_40] : memref<160000xi32, #tpu.memory_space<hbm>> -> memref<128xi32, #tpu.memory_space<hbm>>
        %dma_wait3A_118 = tpu.memref_slice %arg3[%mul3A_40] : memref<160000xi32, #tpu.memory_space<hbm>> -> memref<128xi32, #tpu.memory_space<hbm>>
        tpu.wait_dma2 semaphore(%run_scoped3A : memref<!tpu.dma_semaphore, #tpu.memory_space<semaphore_mem>>) src(%dma_wait3A_118 : memref<128xi32, #tpu.memory_space<hbm>>) dst(%arg8 : memref<128xi32, #tpu.memory_space<vmem>>)
        tpu.yield
      }) : () -> ()
      "tpu.region"() ({
        %run_scoped3A = tpu.sem_alloc : memref<!tpu.dma_semaphore, #tpu.memory_space<semaphore_mem>>
        %dma_start3A_115 = tpu.memref_slice %arg4[%mul3A_40] : memref<160000xi32, #tpu.memory_space<hbm>> -> memref<128xi32, #tpu.memory_space<hbm>>
        %dma_start3A_116 = tpu.memref_slice %arg4[%mul3A_40] : memref<160000xi32, #tpu.memory_space<hbm>> -> memref<128xi32, #tpu.memory_space<hbm>>
        tpu.enqueue_dma source(%dma_start3A_116 : memref<128xi32, #tpu.memory_space<hbm>>) target(%arg10 : memref<128xi32, #tpu.memory_space<vmem>>) target_semaphore(%run_scoped3A : memref<!tpu.dma_semaphore, #tpu.memory_space<semaphore_mem>>)
        %dma_wait3A_117 = tpu.memref_slice %arg4[%mul3A_40] : memref<160000xi32, #tpu.memory_space<hbm>> -> memref<128xi32, #tpu.memory_space<hbm>>
        %dma_wait3A_118 = tpu.memref_slice %arg4[%mul3A_40] : memref<160000xi32, #tpu.memory_space<hbm>> -> memref<128xi32, #tpu.memory_space<hbm>>
        tpu.wait_dma2 semaphore(%run_scoped3A : memref<!tpu.dma_semaphore, #tpu.memory_space<semaphore_mem>>) src(%dma_wait3A_118 : memref<128xi32, #tpu.memory_space<hbm>>) dst(%arg10 : memref<128xi32, #tpu.memory_space<vmem>>)
        tpu.yield
      }) : () -> ()
      %get3A = arith.constant 0 : index
      %get3A_41 = tpu.vector_load %arg8[%get3A] {strides = array<i32>} : memref<128xi32, #tpu.memory_space<vmem>>, vector<16xi32>,
      %get3A_42 = vector.shape_cast %get3A_41 : vector<16xi32> to vector<16xi32>
      %add3A_43 = vector.broadcast %mul3A_0 : i32 to vector<16xi32>
      %add3A_44 = arith.addi %get3A_42, %add3A_43 : vector<16xi32>
      %swap3A = arith.constant 0 : index
      %swap3A_45 = tpu.vector_load %arg9[%swap3A] {strides = array<i32>} : memref<128xi32, #tpu.memory_space<vmem>>, vector<16xi32>,
      %swap3A_46 = vector.shape_cast %swap3A_45 : vector<16xi32> to vector<16xi32>
      %swap3A_47 = vector.shape_cast %add3A_44 : vector<16xi32> to vector<16xi32>
      tpu.vector_store %arg9[%swap3A], %swap3A_47 {strides = array<i32>} : memref<128xi32, #tpu.memory_space<vmem>>, vector<16xi32>,
      %get3A_48 = arith.constant 16 : index
      %get3A_49 = tpu.vector_load %arg8[%get3A_48] {strides = array<i32>} : memref<128xi32, #tpu.memory_space<vmem>>, vector<16xi32>,
      %get3A_50 = vector.shape_cast %get3A_49 : vector<16xi32> to vector<16xi32>
      %add3A_51 = vector.broadcast %mul3A_0 : i32 to vector<16xi32>
      %add3A_52 = arith.addi %get3A_50, %add3A_51 : vector<16xi32>
      %swap3A_53 = arith.constant 16 : index
      %swap3A_54 = tpu.vector_load %arg9[%swap3A_53] {strides = array<i32>} : memref<128xi32, #tpu.memory_space<vmem>>, vector<16xi32>,
      %swap3A_55 = vector.shape_cast %swap3A_54 : vector<16xi32> to vector<16xi32>
      %swap3A_56 = vector.shape_cast %add3A_52 : vector<16xi32> to vector<16xi32>
      tpu.vector_store %arg9[%swap3A_53], %swap3A_56 {strides = array<i32>} : memref<128xi32, #tpu.memory_space<vmem>>, vector<16xi32>,
      %get3A_57 = arith.constant 32 : index
      %get3A_58 = tpu.vector_load %arg8[%get3A_57] {strides = array<i32>} : memref<128xi32, #tpu.memory_space<vmem>>, vector<16xi32>,
      %get3A_59 = vector.shape_cast %get3A_58 : vector<16xi32> to vector<16xi32>
      %add3A_60 = vector.broadcast %mul3A_0 : i32 to vector<16xi32>
      %add3A_61 = arith.addi %get3A_59, %add3A_60 : vector<16xi32>
      %swap3A_62 = arith.constant 32 : index
      %swap3A_63 = tpu.vector_load %arg9[%swap3A_62] {strides = array<i32>} : memref<128xi32, #tpu.memory_space<vmem>>, vector<16xi32>,
      %swap3A_64 = vector.shape_cast %swap3A_63 : vector<16xi32> to vector<16xi32>
      %swap3A_65 = vector.shape_cast %add3A_61 : vector<16xi32> to vector<16xi32>
      tpu.vector_store %arg9[%swap3A_62], %swap3A_65 {strides = array<i32>} : memref<128xi32, #tpu.memory_space<vmem>>, vector<16xi32>,
      %get3A_66 = arith.constant 48 : index
      %get3A_67 = tpu.vector_load %arg8[%get3A_66] {strides = array<i32>} : memref<128xi32, #tpu.memory_space<vmem>>, vector<16xi32>,
      %get3A_68 = vector.shape_cast %get3A_67 : vector<16xi32> to vector<16xi32>
      %add3A_69 = vector.broadcast %mul3A_0 : i32 to vector<16xi32>
      %add3A_70 = arith.addi %get3A_68, %add3A_69 : vector<16xi32>
      %swap3A_71 = arith.constant 48 : index
      %swap3A_72 = tpu.vector_load %arg9[%swap3A_71] {strides = array<i32>} : memref<128xi32, #tpu.memory_space<vmem>>, vector<16xi32>,
      %swap3A_73 = vector.shape_cast %swap3A_72 : vector<16xi32> to vector<16xi32>
      %swap3A_74 = vector.shape_cast %add3A_70 : vector<16xi32> to vector<16xi32>
      tpu.vector_store %arg9[%swap3A_71], %swap3A_74 {strides = array<i32>} : memref<128xi32, #tpu.memory_space<vmem>>, vector<16xi32>,
      %get3A_75 = arith.constant 64 : index
      %get3A_76 = tpu.vector_load %arg8[%get3A_75] {strides = array<i32>} : memref<128xi32, #tpu.memory_space<vmem>>, vector<16xi32>,
      %get3A_77 = vector.shape_cast %get3A_76 : vector<16xi32> to vector<16xi32>
      %add3A_78 = vector.broadcast %mul3A_0 : i32 to vector<16xi32>
      %add3A_79 = arith.addi %get3A_77, %add3A_78 : vector<16xi32>
      %swap3A_80 = arith.constant 64 : index
      %swap3A_81 = tpu.vector_load %arg9[%swap3A_80] {strides = array<i32>} : memref<128xi32, #tpu.memory_space<vmem>>, vector<16xi32>,
      %swap3A_82 = vector.shape_cast %swap3A_81 : vector<16xi32> to vector<16xi32>
      %swap3A_83 = vector.shape_cast %add3A_79 : vector<16xi32> to vector<16xi32>
      tpu.vector_store %arg9[%swap3A_80], %swap3A_83 {strides = array<i32>} : memref<128xi32, #tpu.memory_space<vmem>>, vector<16xi32>,
      %get3A_84 = arith.constant 80 : index
      %get3A_85 = tpu.vector_load %arg8[%get3A_84] {strides = array<i32>} : memref<128xi32, #tpu.memory_space<vmem>>, vector<16xi32>,
      %get3A_86 = vector.shape_cast %get3A_85 : vector<16xi32> to vector<16xi32>
      %add3A_87 = vector.broadcast %mul3A_0 : i32 to vector<16xi32>
      %add3A_88 = arith.addi %get3A_86, %add3A_87 : vector<16xi32>
      %swap3A_89 = arith.constant 80 : index
      %swap3A_90 = tpu.vector_load %arg9[%swap3A_89] {strides = array<i32>} : memref<128xi32, #tpu.memory_space<vmem>>, vector<16xi32>,
      %swap3A_91 = vector.shape_cast %swap3A_90 : vector<16xi32> to vector<16xi32>
      %swap3A_92 = vector.shape_cast %add3A_88 : vector<16xi32> to vector<16xi32>
      tpu.vector_store %arg9[%swap3A_89], %swap3A_92 {strides = array<i32>} : memref<128xi32, #tpu.memory_space<vmem>>, vector<16xi32>,
      %get3A_93 = arith.constant 96 : index
      %get3A_94 = tpu.vector_load %arg8[%get3A_93] {strides = array<i32>} : memref<128xi32, #tpu.memory_space<vmem>>, vector<16xi32>,
      %get3A_95 = vector.shape_cast %get3A_94 : vector<16xi32> to vector<16xi32>
      %add3A_96 = vector.broadcast %mul3A_0 : i32 to vector<16xi32>
      %add3A_97 = arith.addi %get3A_95, %add3A_96 : vector<16xi32>
      %swap3A_98 = arith.constant 96 : index
      %swap3A_99 = tpu.vector_load %arg9[%swap3A_98] {strides = array<i32>} : memref<128xi32, #tpu.memory_space<vmem>>, vector<16xi32>,
      %swap3A_100 = vector.shape_cast %swap3A_99 : vector<16xi32> to vector<16xi32>
      %swap3A_101 = vector.shape_cast %add3A_97 : vector<16xi32> to vector<16xi32>
      tpu.vector_store %arg9[%swap3A_98], %swap3A_101 {strides = array<i32>} : memref<128xi32, #tpu.memory_space<vmem>>, vector<16xi32>,
      %get3A_102 = arith.constant 112 : index
      %get3A_103 = tpu.vector_load %arg8[%get3A_102] {strides = array<i32>} : memref<128xi32, #tpu.memory_space<vmem>>, vector<16xi32>,
      %get3A_104 = vector.shape_cast %get3A_103 : vector<16xi32> to vector<16xi32>
      %add3A_105 = vector.broadcast %mul3A_0 : i32 to vector<16xi32>
      %add3A_106 = arith.addi %get3A_104, %add3A_105 : vector<16xi32>
      %swap3A_107 = arith.constant 112 : index
      %swap3A_108 = tpu.vector_load %arg9[%swap3A_107] {strides = array<i32>} : memref<128xi32, #tpu.memory_space<vmem>>, vector<16xi32>,
      %swap3A_109 = vector.shape_cast %swap3A_108 : vector<16xi32> to vector<16xi32>
      %swap3A_110 = vector.shape_cast %add3A_106 : vector<16xi32> to vector<16xi32>
      tpu.vector_store %arg9[%swap3A_107], %swap3A_110 {strides = array<i32>} : memref<128xi32, #tpu.memory_space<vmem>>, vector<16xi32>,
      %dma_start3A = arith.constant 0 : i32
      %dma_start3A_111 = arith.constant 0 : i32
      %dma_start3A_112 = tpu.memref_slice %arg2[%dma_start3A, %dma_start3A_111] : memref<20000x128xf32, #tpu.memory_space<hbm>> -> memref<20000x128xf32, #tpu.memory_space<hbm>>
      tpu.enqueue_indirect_dma source(%dma_start3A_112 : memref<20000x128xf32, #tpu.memory_space<hbm>>) target(%arg11 : memref<128x128xf32, #tpu.memory_space<vmem>>) offsets(%arg9 : memref<128xi32, #tpu.memory_space<vmem>>) semaphore(%arg12 : memref<!tpu.dma_semaphore, #tpu.memory_space<semaphore_mem>>)
      %dma_wait3A = arith.constant 0 : i32
      %dma_wait3A_113 = arith.constant 0 : i32
      %dma_wait3A_114 = tpu.memref_slice %arg2[%dma_wait3A, %dma_wait3A_113] : memref<20000x128xf32, #tpu.memory_space<hbm>> -> memref<20000x128xf32, #tpu.memory_space<hbm>>
      tpu.wait_indirect_dma semaphore(%arg12 : memref<!tpu.dma_semaphore, #tpu.memory_space<semaphore_mem>>) src(%dma_wait3A_114 : memref<20000x128xf32, #tpu.memory_space<hbm>>) dst(%arg11 : memref<128x128xf32, #tpu.memory_space<vmem>>)
      "tpu.region"() ({
        %run_scoped3A = tpu.sem_alloc : memref<!tpu.dma_semaphore, #tpu.memory_space<semaphore_mem>>
        %dma_start3A_115 = arith.constant 0 : i32
        %dma_start3A_116 = arith.constant 0 : i32
        %dma_start3A_117 = tpu.memref_slice %arg7[%dma_start3A_115, %dma_start3A_116] : memref<10000x128xf32, #tpu.memory_space<vmem_shared>> -> memref<10000x128xf32, #tpu.memory_space<vmem_shared>>
        tpu.enqueue_indirect_dma source(%arg11 : memref<128x128xf32, #tpu.memory_space<vmem>>) target(%dma_start3A_117 : memref<10000x128xf32, #tpu.memory_space<vmem_shared>>) offsets(%arg10 : memref<128xi32, #tpu.memory_space<vmem>>) semaphore(%run_scoped3A : memref<!tpu.dma_semaphore, #tpu.memory_space<semaphore_mem>>) {add = true}
        %dma_wait3A_118 = arith.constant 0 : i32
        %dma_wait3A_119 = arith.constant 0 : i32
        %dma_wait3A_120 = tpu.memref_slice %arg7[%dma_wait3A_118, %dma_wait3A_119] : memref<10000x128xf32, #tpu.memory_space<vmem_shared>> -> memref<10000x128xf32, #tpu.memory_space<vmem_shared>>
        tpu.wait_indirect_dma semaphore(%run_scoped3A : memref<!tpu.dma_semaphore, #tpu.memory_space<semaphore_mem>>) src(%arg11 : memref<128x128xf32, #tpu.memory_space<vmem>>) dst(%dma_wait3A_120 : memref<10000x128xf32, #tpu.memory_space<vmem_shared>>)
        tpu.yield
      }) : () -> ()
    }
    %while3A_24 = arith.constant 1 : i32
    scf.for %while3A_35 = %while3A_22 to %while3A_18 step %while3A_24  : i32 {
      %mul3A_36 = arith.constant 16 : i32
      %mul3A_37 = arith.muli %while3A_35, %mul3A_36 : i32
      %add3A_38 = arith.addi %arg1, %mul3A_37 : i32
      %mul3A_39 = arith.constant 128 : i32
      %mul3A_40 = arith.muli %add3A_38, %mul3A_39 : i32
      "tpu.region"() ({
        %run_scoped3A = tpu.sem_alloc : memref<!tpu.dma_semaphore, #tpu.memory_space<semaphore_mem>>
        %dma_start3A_115 = tpu.memref_slice %arg3[%mul3A_40] : memref<160000xi32, #tpu.memory_space<hbm>> -> memref<128xi32, #tpu.memory_space<hbm>>
        %dma_start3A_116 = tpu.memref_slice %arg3[%mul3A_40] : memref<160000xi32, #tpu.memory_space<hbm>> -> memref<128xi32, #tpu.memory_space<hbm>>
        tpu.enqueue_dma source(%dma_start3A_116 : memref<128xi32, #tpu.memory_space<hbm>>) target(%arg8 : memref<128xi32, #tpu.memory_space<vmem>>) target_semaphore(%run_scoped3A : memref<!tpu.dma_semaphore, #tpu.memory_space<semaphore_mem>>)
        %dma_wait3A_117 = tpu.memref_slice %arg3[%mul3A_40] : memref<160000xi32, #tpu.memory_space<hbm>> -> memref<128xi32, #tpu.memory_space<hbm>>
        %dma_wait3A_118 = tpu.memref_slice %arg3[%mul3A_40] : memref<160000xi32, #tpu.memory_space<hbm>> -> memref<128xi32, #tpu.memory_space<hbm>>
        tpu.wait_dma2 semaphore(%run_scoped3A : memref<!tpu.dma_semaphore, #tpu.memory_space<semaphore_mem>>) src(%dma_wait3A_118 : memref<128xi32, #tpu.memory_space<hbm>>) dst(%arg8 : memref<128xi32, #tpu.memory_space<vmem>>)
        tpu.yield
      }) : () -> ()
      "tpu.region"() ({
        %run_scoped3A = tpu.sem_alloc : memref<!tpu.dma_semaphore, #tpu.memory_space<semaphore_mem>>
        %dma_start3A_115 = tpu.memref_slice %arg4[%mul3A_40] : memref<160000xi32, #tpu.memory_space<hbm>> -> memref<128xi32, #tpu.memory_space<hbm>>
        %dma_start3A_116 = tpu.memref_slice %arg4[%mul3A_40] : memref<160000xi32, #tpu.memory_space<hbm>> -> memref<128xi32, #tpu.memory_space<hbm>>
        tpu.enqueue_dma source(%dma_start3A_116 : memref<128xi32, #tpu.memory_space<hbm>>) target(%arg10 : memref<128xi32, #tpu.memory_space<vmem>>) target_semaphore(%run_scoped3A : memref<!tpu.dma_semaphore, #tpu.memory_space<semaphore_mem>>)
        %dma_wait3A_117 = tpu.memref_slice %arg4[%mul3A_40] : memref<160000xi32, #tpu.memory_space<hbm>> -> memref<128xi32, #tpu.memory_space<hbm>>
        %dma_wait3A_118 = tpu.memref_slice %arg4[%mul3A_40] : memref<160000xi32, #tpu.memory_space<hbm>> -> memref<128xi32, #tpu.memory_space<hbm>>
        tpu.wait_dma2 semaphore(%run_scoped3A : memref<!tpu.dma_semaphore, #tpu.memory_space<semaphore_mem>>) src(%dma_wait3A_118 : memref<128xi32, #tpu.memory_space<hbm>>) dst(%arg10 : memref<128xi32, #tpu.memory_space<vmem>>)
        tpu.yield
      }) : () -> ()
      %get3A = arith.constant 0 : index
      %get3A_41 = tpu.vector_load %arg8[%get3A] {strides = array<i32>} : memref<128xi32, #tpu.memory_space<vmem>>, vector<16xi32>,
      %get3A_42 = vector.shape_cast %get3A_41 : vector<16xi32> to vector<16xi32>
      %add3A_43 = vector.broadcast %mul3A_0 : i32 to vector<16xi32>
      %add3A_44 = arith.addi %get3A_42, %add3A_43 : vector<16xi32>
      %swap3A = arith.constant 0 : index
      %swap3A_45 = tpu.vector_load %arg9[%swap3A] {strides = array<i32>} : memref<128xi32, #tpu.memory_space<vmem>>, vector<16xi32>,
      %swap3A_46 = vector.shape_cast %swap3A_45 : vector<16xi32> to vector<16xi32>
      %swap3A_47 = vector.shape_cast %add3A_44 : vector<16xi32> to vector<16xi32>
      tpu.vector_store %arg9[%swap3A], %swap3A_47 {strides = array<i32>} : memref<128xi32, #tpu.memory_space<vmem>>, vector<16xi32>,
      %get3A_48 = arith.constant 16 : index
      %get3A_49 = tpu.vector_load %arg8[%get3A_48] {strides = array<i32>} : memref<128xi32, #tpu.memory_space<vmem>>, vector<16xi32>,
      %get3A_50 = vector.shape_cast %get3A_49 : vector<16xi32> to vector<16xi32>
      %add3A_51 = vector.broadcast %mul3A_0 : i32 to vector<16xi32>
      %add3A_52 = arith.addi %get3A_50, %add3A_51 : vector<16xi32>
      %swap3A_53 = arith.constant 16 : index
      %swap3A_54 = tpu.vector_load %arg9[%swap3A_53] {strides = array<i32>} : memref<128xi32, #tpu.memory_space<vmem>>, vector<16xi32>,
      %swap3A_55 = vector.shape_cast %swap3A_54 : vector<16xi32> to vector<16xi32>
      %swap3A_56 = vector.shape_cast %add3A_52 : vector<16xi32> to vector<16xi32>
      tpu.vector_store %arg9[%swap3A_53], %swap3A_56 {strides = array<i32>} : memref<128xi32, #tpu.memory_space<vmem>>, vector<16xi32>,
      %get3A_57 = arith.constant 32 : index
      %get3A_58 = tpu.vector_load %arg8[%get3A_57] {strides = array<i32>} : memref<128xi32, #tpu.memory_space<vmem>>, vector<16xi32>,
      %get3A_59 = vector.shape_cast %get3A_58 : vector<16xi32> to vector<16xi32>
      %add3A_60 = vector.broadcast %mul3A_0 : i32 to vector<16xi32>
      %add3A_61 = arith.addi %get3A_59, %add3A_60 : vector<16xi32>
      %swap3A_62 = arith.constant 32 : index
      %swap3A_63 = tpu.vector_load %arg9[%swap3A_62] {strides = array<i32>} : memref<128xi32, #tpu.memory_space<vmem>>, vector<16xi32>,
      %swap3A_64 = vector.shape_cast %swap3A_63 : vector<16xi32> to vector<16xi32>
      %swap3A_65 = vector.shape_cast %add3A_61 : vector<16xi32> to vector<16xi32>
      tpu.vector_store %arg9[%swap3A_62], %swap3A_65 {strides = array<i32>} : memref<128xi32, #tpu.memory_space<vmem>>, vector<16xi32>,
      %get3A_66 = arith.constant 48 : index
      %get3A_67 = tpu.vector_load %arg8[%get3A_66] {strides = array<i32>} : memref<128xi32, #tpu.memory_space<vmem>>, vector<16xi32>,
      %get3A_68 = vector.shape_cast %get3A_67 : vector<16xi32> to vector<16xi32>
      %add3A_69 = vector.broadcast %mul3A_0 : i32 to vector<16xi32>
      %add3A_70 = arith.addi %get3A_68, %add3A_69 : vector<16xi32>
      %swap3A_71 = arith.constant 48 : index
      %swap3A_72 = tpu.vector_load %arg9[%swap3A_71] {strides = array<i32>} : memref<128xi32, #tpu.memory_space<vmem>>, vector<16xi32>,
      %swap3A_73 = vector.shape_cast %swap3A_72 : vector<16xi32> to vector<16xi32>
      %swap3A_74 = vector.shape_cast %add3A_70 : vector<16xi32> to vector<16xi32>
      tpu.vector_store %arg9[%swap3A_71], %swap3A_74 {strides = array<i32>} : memref<128xi32, #tpu.memory_space<vmem>>, vector<16xi32>,
      %get3A_75 = arith.constant 64 : index
      %get3A_76 = tpu.vector_load %arg8[%get3A_75] {strides = array<i32>} : memref<128xi32, #tpu.memory_space<vmem>>, vector<16xi32>,
      %get3A_77 = vector.shape_cast %get3A_76 : vector<16xi32> to vector<16xi32>
      %add3A_78 = vector.broadcast %mul3A_0 : i32 to vector<16xi32>
      %add3A_79 = arith.addi %get3A_77, %add3A_78 : vector<16xi32>
      %swap3A_80 = arith.constant 64 : index
      %swap3A_81 = tpu.vector_load %arg9[%swap3A_80] {strides = array<i32>} : memref<128xi32, #tpu.memory_space<vmem>>, vector<16xi32>,
      %swap3A_82 = vector.shape_cast %swap3A_81 : vector<16xi32> to vector<16xi32>
      %swap3A_83 = vector.shape_cast %add3A_79 : vector<16xi32> to vector<16xi32>
      tpu.vector_store %arg9[%swap3A_80], %swap3A_83 {strides = array<i32>} : memref<128xi32, #tpu.memory_space<vmem>>, vector<16xi32>,
      %get3A_84 = arith.constant 80 : index
      %get3A_85 = tpu.vector_load %arg8[%get3A_84] {strides = array<i32>} : memref<128xi32, #tpu.memory_space<vmem>>, vector<16xi32>,
      %get3A_86 = vector.shape_cast %get3A_85 : vector<16xi32> to vector<16xi32>
      %add3A_87 = vector.broadcast %mul3A_0 : i32 to vector<16xi32>
      %add3A_88 = arith.addi %get3A_86, %add3A_87 : vector<16xi32>
      %swap3A_89 = arith.constant 80 : index
      %swap3A_90 = tpu.vector_load %arg9[%swap3A_89] {strides = array<i32>} : memref<128xi32, #tpu.memory_space<vmem>>, vector<16xi32>,
      %swap3A_91 = vector.shape_cast %swap3A_90 : vector<16xi32> to vector<16xi32>
      %swap3A_92 = vector.shape_cast %add3A_88 : vector<16xi32> to vector<16xi32>
      tpu.vector_store %arg9[%swap3A_89], %swap3A_92 {strides = array<i32>} : memref<128xi32, #tpu.memory_space<vmem>>, vector<16xi32>,
      %get3A_93 = arith.constant 96 : index
      %get3A_94 = tpu.vector_load %arg8[%get3A_93] {strides = array<i32>} : memref<128xi32, #tpu.memory_space<vmem>>, vector<16xi32>,
      %get3A_95 = vector.shape_cast %get3A_94 : vector<16xi32> to vector<16xi32>
      %add3A_96 = vector.broadcast %mul3A_0 : i32 to vector<16xi32>
      %add3A_97 = arith.addi %get3A_95, %add3A_96 : vector<16xi32>
      %swap3A_98 = arith.constant 96 : index
      %swap3A_99 = tpu.vector_load %arg9[%swap3A_98] {strides = array<i32>} : memref<128xi32, #tpu.memory_space<vmem>>, vector<16xi32>,
      %swap3A_100 = vector.shape_cast %swap3A_99 : vector<16xi32> to vector<16xi32>
      %swap3A_101 = vector.shape_cast %add3A_97 : vector<16xi32> to vector<16xi32>
      tpu.vector_store %arg9[%swap3A_98], %swap3A_101 {strides = array<i32>} : memref<128xi32, #tpu.memory_space<vmem>>, vector<16xi32>,
      %get3A_102 = arith.constant 112 : index
      %get3A_103 = tpu.vector_load %arg8[%get3A_102] {strides = array<i32>} : memref<128xi32, #tpu.memory_space<vmem>>, vector<16xi32>,
      %get3A_104 = vector.shape_cast %get3A_103 : vector<16xi32> to vector<16xi32>
      %add3A_105 = vector.broadcast %mul3A_0 : i32 to vector<16xi32>
      %add3A_106 = arith.addi %get3A_104, %add3A_105 : vector<16xi32>
      %swap3A_107 = arith.constant 112 : index
      %swap3A_108 = tpu.vector_load %arg9[%swap3A_107] {strides = array<i32>} : memref<128xi32, #tpu.memory_space<vmem>>, vector<16xi32>,
      %swap3A_109 = vector.shape_cast %swap3A_108 : vector<16xi32> to vector<16xi32>
      %swap3A_110 = vector.shape_cast %add3A_106 : vector<16xi32> to vector<16xi32>
      tpu.vector_store %arg9[%swap3A_107], %swap3A_110 {strides = array<i32>} : memref<128xi32, #tpu.memory_space<vmem>>, vector<16xi32>,
      %dma_start3A = arith.constant 0 : i32
      %dma_start3A_111 = arith.constant 0 : i32
      %dma_start3A_112 = tpu.memref_slice %arg2[%dma_start3A, %dma_start3A_111] : memref<20000x128xf32, #tpu.memory_space<hbm>> -> memref<20000x128xf32, #tpu.memory_space<hbm>>
      tpu.enqueue_indirect_dma source(%dma_start3A_112 : memref<20000x128xf32, #tpu.memory_space<hbm>>) target(%arg11 : memref<128x128xf32, #tpu.memory_space<vmem>>) offsets(%arg9 : memref<128xi32, #tpu.memory_space<vmem>>) semaphore(%arg12 : memref<!tpu.dma_semaphore, #tpu.memory_space<semaphore_mem>>)
      %dma_wait3A = arith.constant 0 : i32
      %dma_wait3A_113 = arith.constant 0 : i32
      %dma_wait3A_114 = tpu.memref_slice %arg2[%dma_wait3A, %dma_wait3A_113] : memref<20000x128xf32, #tpu.memory_space<hbm>> -> memref<20000x128xf32, #tpu.memory_space<hbm>>
      tpu.wait_indirect_dma semaphore(%arg12 : memref<!tpu.dma_semaphore, #tpu.memory_space<semaphore_mem>>) src(%dma_wait3A_114 : memref<20000x128xf32, #tpu.memory_space<hbm>>) dst(%arg11 : memref<128x128xf32, #tpu.memory_space<vmem>>)
      "tpu.region"() ({
        %run_scoped3A = tpu.sem_alloc : memref<!tpu.dma_semaphore, #tpu.memory_space<semaphore_mem>>
        %dma_start3A_115 = arith.constant 0 : i32
        %dma_start3A_116 = arith.constant 0 : i32
        %dma_start3A_117 = tpu.memref_slice %arg7[%dma_start3A_115, %dma_start3A_116] : memref<10000x128xf32, #tpu.memory_space<vmem_shared>> -> memref<10000x128xf32, #tpu.memory_space<vmem_shared>>
        tpu.enqueue_indirect_dma source(%arg11 : memref<128x128xf32, #tpu.memory_space<vmem>>) target(%dma_start3A_117 : memref<10000x128xf32, #tpu.memory_space<vmem_shared>>) offsets(%arg10 : memref<128xi32, #tpu.memory_space<vmem>>) semaphore(%run_scoped3A : memref<!tpu.dma_semaphore, #tpu.memory_space<semaphore_mem>>) {add = true}
        %dma_wait3A_118 = arith.constant 0 : i32
        %dma_wait3A_119 = arith.constant 0 : i32
        %dma_wait3A_120 = tpu.memref_slice %arg7[%dma_wait3A_118, %dma_wait3A_119] : memref<10000x128xf32, #tpu.memory_space<vmem_shared>> -> memref<10000x128xf32, #tpu.memory_space<vmem_shared>>
        tpu.wait_indirect_dma semaphore(%run_scoped3A : memref<!tpu.dma_semaphore, #tpu.memory_space<semaphore_mem>>) src(%arg11 : memref<128x128xf32, #tpu.memory_space<vmem>>) dst(%dma_wait3A_120 : memref<10000x128xf32, #tpu.memory_space<vmem_shared>>)
        tpu.yield
      }) : () -> ()
    }
    %barrier3A_25 = arith.constant 0 : index
    tpu.barrier barrier_id(%barrier3A_25)
    %while3A_26 = arith.constant 0 : i32
    %while3A_27 = arith.subi %add3A_2, %while3A_26 : i32
    %while3A_28 = arith.addi %while3A_26, %while3A_27 : i32
    %while3A_29 = arith.constant 1 : i32
    %while3A_30 = arith.divsi %while3A_27, %while3A_29 : i32
    %while3A_31 = arith.muli %while3A_30, %while3A_29 : i32
    %while3A_32 = arith.addi %while3A_26, %while3A_31 : i32
    %while3A_33 = arith.constant 1 : i32
    scf.for %while3A_35 = %while3A_26 to %while3A_32 step %while3A_33  : i32 {
      %mul3A_36 = arith.constant 16 : i32
      %mul3A_37 = arith.muli %while3A_35, %mul3A_36 : i32
      %add3A_38 = arith.addi %arg1, %mul3A_37 : i32
      %mul3A_39 = arith.constant 400 : i32
      %mul3A_40 = arith.muli %add3A_38, %mul3A_39 : i32
      %mul3A_41 = arith.constant 10000 : i32
      %mul3A_42 = arith.muli %arg0, %mul3A_41 : i32
      %mul3A_43 = arith.constant 400 : i32
      %mul3A_44 = arith.muli %add3A_38, %mul3A_43 : i32
      %add3A_45 = arith.addi %mul3A_42, %mul3A_44 : i32
      "tpu.region"() ({
        %run_scoped3A = tpu.sem_alloc : memref<!tpu.dma_semaphore, #tpu.memory_space<semaphore_mem>>
        %dma_start3A = arith.constant 0 : i32
        %dma_start3A_46 = tpu.memref_slice %arg6[%add3A_45, %dma_start3A] : memref<20000x128xf32, #tpu.memory_space<hbm>> -> memref<400x128xf32, #tpu.memory_space<hbm>>
        %dma_start3A_47 = arith.constant 0 : i32
        %dma_start3A_48 = tpu.memref_slice %arg7[%mul3A_40, %dma_start3A_47] : memref<10000x128xf32, #tpu.memory_space<vmem_shared>> -> memref<400x128xf32, #tpu.memory_space<vmem_shared>>
        tpu.enqueue_dma source(%dma_start3A_48 : memref<400x128xf32, #tpu.memory_space<vmem_shared>>) target(%dma_start3A_46 : memref<400x128xf32, #tpu.memory_space<hbm>>) target_semaphore(%run_scoped3A : memref<!tpu.dma_semaphore, #tpu.memory_space<semaphore_mem>>)
        %dma_wait3A = arith.constant 0 : i32
        %dma_wait3A_49 = tpu.memref_slice %arg6[%add3A_45, %dma_wait3A] : memref<20000x128xf32, #tpu.memory_space<hbm>> -> memref<400x128xf32, #tpu.memory_space<hbm>>
        %dma_wait3A_50 = arith.constant 0 : i32
        %dma_wait3A_51 = tpu.memref_slice %arg7[%mul3A_40, %dma_wait3A_50] : memref<10000x128xf32, #tpu.memory_space<vmem_shared>> -> memref<400x128xf32, #tpu.memory_space<vmem_shared>>
        tpu.wait_dma2 semaphore(%run_scoped3A : memref<!tpu.dma_semaphore, #tpu.memory_space<semaphore_mem>>) src(%dma_wait3A_51 : memref<400x128xf32, #tpu.memory_space<vmem_shared>>) dst(%dma_wait3A_49 : memref<400x128xf32, #tpu.memory_space<hbm>>)
        tpu.yield
      }) : () -> ()
    }
    %while3A_34 = arith.constant 1 : i32
    scf.for %while3A_35 = %while3A_32 to %while3A_28 step %while3A_34  : i32 {
      %mul3A_36 = arith.constant 16 : i32
      %mul3A_37 = arith.muli %while3A_35, %mul3A_36 : i32
      %add3A_38 = arith.addi %arg1, %mul3A_37 : i32
      %mul3A_39 = arith.constant 400 : i32
      %mul3A_40 = arith.muli %add3A_38, %mul3A_39 : i32
      %mul3A_41 = arith.constant 10000 : i32
      %mul3A_42 = arith.muli %arg0, %mul3A_41 : i32
      %mul3A_43 = arith.constant 400 : i32
      %mul3A_44 = arith.muli %add3A_38, %mul3A_43 : i32
      %add3A_45 = arith.addi %mul3A_42, %mul3A_44 : i32
      "tpu.region"() ({
        %run_scoped3A = tpu.sem_alloc : memref<!tpu.dma_semaphore, #tpu.memory_space<semaphore_mem>>
        %dma_start3A = arith.constant 0 : i32
        %dma_start3A_46 = tpu.memref_slice %arg6[%add3A_45, %dma_start3A] : memref<20000x128xf32, #tpu.memory_space<hbm>> -> memref<400x128xf32, #tpu.memory_space<hbm>>
        %dma_start3A_47 = arith.constant 0 : i32
        %dma_start3A_48 = tpu.memref_slice %arg7[%mul3A_40, %dma_start3A_47] : memref<10000x128xf32, #tpu.memory_space<vmem_shared>> -> memref<400x128xf32, #tpu.memory_space<vmem_shared>>
        tpu.enqueue_dma source(%dma_start3A_48 : memref<400x128xf32, #tpu.memory_space<vmem_shared>>) target(%dma_start3A_46 : memref<400x128xf32, #tpu.memory_space<hbm>>) target_semaphore(%run_scoped3A : memref<!tpu.dma_semaphore, #tpu.memory_space<semaphore_mem>>)
        %dma_wait3A = arith.constant 0 : i32
        %dma_wait3A_49 = tpu.memref_slice %arg6[%add3A_45, %dma_wait3A] : memref<20000x128xf32, #tpu.memory_space<hbm>> -> memref<400x128xf32, #tpu.memory_space<hbm>>
        %dma_wait3A_50 = arith.constant 0 : i32
        %dma_wait3A_51 = tpu.memref_slice %arg7[%mul3A_40, %dma_wait3A_50] : memref<10000x128xf32, #tpu.memory_space<vmem_shared>> -> memref<400x128xf32, #tpu.memory_space<vmem_shared>>
        tpu.wait_dma2 semaphore(%run_scoped3A : memref<!tpu.dma_semaphore, #tpu.memory_space<semaphore_mem>>) src(%dma_wait3A_51 : memref<400x128xf32, #tpu.memory_space<vmem_shared>>) dst(%dma_wait3A_49 : memref<400x128xf32, #tpu.memory_space<hbm>>)
        tpu.yield
      }) : () -> ()
    }
    return
  }
}

#map = affine_map<(d0, d1) -> (0)>
#map1 = affine_map<(d0, d1) -> (0, 0)>
module attributes {stable_mosaic.version = 14 : i64} {
  func.func @_sc_degree_body(%arg0: i32, %arg1: i32, %arg2: memref<160000xi32, #tpu.memory_space<hbm>>, %arg3: memref<128x128xf32, #tpu.memory_space<hbm>>, %arg4: memref<400x128xf32, #tpu.memory_space<hbm>>, %arg5: memref<20000x128xf32, #tpu.memory_space<hbm>>, %arg6: memref<10000x128xf32, #tpu.memory_space<vmem_shared>>, %arg7: memref<128xi32, #tpu.memory_space<vmem>>, %arg8: memref<128x128xf32, #tpu.memory_space<vmem>>) attributes {dimension_semantics = [#tpu.dimension_semantics<core_parallel>, #tpu.dimension_semantics<subcore_parallel>], iteration_bounds = array<i64: 2, 16>, scalar_prefetch = 0 : i64, scratch_operands = 3 : i64, tpu.core_type = #tpu.core_type<sc_vector_subcore>, window_params = [{transform_indices = #map}, {transform_indices = #map1}, {transform_indices = #map1}, {transform_indices = #map1}]} {
    %mul3A = arith.constant 2 : i32
    %mul3A_0 = arith.muli %arg1, %mul3A : i32
    %add3A = arith.addi %mul3A_0, %arg0 : i32
    %lt3A = arith.constant 9 : i32
    %lt3A_1 = arith.cmpi slt, %arg1, %lt3A : i32
    %convert_element_type3A = arith.extui %lt3A_1 : i1 to i32
    %add3A_2 = arith.constant 1 : i32
    %add3A_3 = arith.addi %add3A_2, %convert_element_type3A : i32
    %while3A = arith.constant 0 : i32
    %while3A_4 = arith.subi %add3A_3, %while3A : i32
    %while3A_5 = arith.addi %while3A, %while3A_4 : i32
    %while3A_6 = arith.constant 1 : i32
    %while3A_7 = arith.divsi %while3A_4, %while3A_6 : i32
    %while3A_8 = arith.muli %while3A_7, %while3A_6 : i32
    %while3A_9 = arith.addi %while3A, %while3A_8 : i32
    %while3A_10 = arith.constant 1 : i32
    scf.for %while3A_36 = %while3A to %while3A_9 step %while3A_10  : i32 {
      %mul3A_37 = arith.constant 16 : i32
      %mul3A_38 = arith.muli %while3A_36, %mul3A_37 : i32
      %add3A_39 = arith.addi %arg1, %mul3A_38 : i32
      %mul3A_40 = arith.constant 400 : i32
      %mul3A_41 = arith.muli %add3A_39, %mul3A_40 : i32
      "tpu.region"() ({
        %run_scoped3A = tpu.sem_alloc : memref<!tpu.dma_semaphore, #tpu.memory_space<semaphore_mem>>
        %dma_start3A = arith.constant 0 : i32
        %dma_start3A_42 = tpu.memref_slice %arg6[%mul3A_41, %dma_start3A] : memref<10000x128xf32, #tpu.memory_space<vmem_shared>> -> memref<400x128xf32, #tpu.memory_space<vmem_shared>>
        tpu.enqueue_dma source(%arg4 : memref<400x128xf32, #tpu.memory_space<hbm>>) target(%dma_start3A_42 : memref<400x128xf32, #tpu.memory_space<vmem_shared>>) target_semaphore(%run_scoped3A : memref<!tpu.dma_semaphore, #tpu.memory_space<semaphore_mem>>)
        %dma_wait3A = arith.constant 0 : i32
        %dma_wait3A_43 = tpu.memref_slice %arg6[%mul3A_41, %dma_wait3A] : memref<10000x128xf32, #tpu.memory_space<vmem_shared>> -> memref<400x128xf32, #tpu.memory_space<vmem_shared>>
        tpu.wait_dma2 semaphore(%run_scoped3A : memref<!tpu.dma_semaphore, #tpu.memory_space<semaphore_mem>>) src(%arg4 : memref<400x128xf32, #tpu.memory_space<hbm>>) dst(%dma_wait3A_43 : memref<400x128xf32, #tpu.memory_space<vmem_shared>>)
        tpu.yield
      }) : () -> ()
    }
    %while3A_11 = arith.constant 1 : i32
    scf.for %while3A_36 = %while3A_9 to %while3A_5 step %while3A_11  : i32 {
      %mul3A_37 = arith.constant 16 : i32
      %mul3A_38 = arith.muli %while3A_36, %mul3A_37 : i32
      %add3A_39 = arith.addi %arg1, %mul3A_38 : i32
      %mul3A_40 = arith.constant 400 : i32
      %mul3A_41 = arith.muli %add3A_39, %mul3A_40 : i32
      "tpu.region"() ({
        %run_scoped3A = tpu.sem_alloc : memref<!tpu.dma_semaphore, #tpu.memory_space<semaphore_mem>>
        %dma_start3A = arith.constant 0 : i32
        %dma_start3A_42 = tpu.memref_slice %arg6[%mul3A_41, %dma_start3A] : memref<10000x128xf32, #tpu.memory_space<vmem_shared>> -> memref<400x128xf32, #tpu.memory_space<vmem_shared>>
        tpu.enqueue_dma source(%arg4 : memref<400x128xf32, #tpu.memory_space<hbm>>) target(%dma_start3A_42 : memref<400x128xf32, #tpu.memory_space<vmem_shared>>) target_semaphore(%run_scoped3A : memref<!tpu.dma_semaphore, #tpu.memory_space<semaphore_mem>>)
        %dma_wait3A = arith.constant 0 : i32
        %dma_wait3A_43 = tpu.memref_slice %arg6[%mul3A_41, %dma_wait3A] : memref<10000x128xf32, #tpu.memory_space<vmem_shared>> -> memref<400x128xf32, #tpu.memory_space<vmem_shared>>
        tpu.wait_dma2 semaphore(%run_scoped3A : memref<!tpu.dma_semaphore, #tpu.memory_space<semaphore_mem>>) src(%arg4 : memref<400x128xf32, #tpu.memory_space<hbm>>) dst(%dma_wait3A_43 : memref<400x128xf32, #tpu.memory_space<vmem_shared>>)
        tpu.yield
      }) : () -> ()
    }
    "tpu.region"() ({
      %run_scoped3A = tpu.sem_alloc : memref<!tpu.dma_semaphore, #tpu.memory_space<semaphore_mem>>
      tpu.enqueue_dma source(%arg3 : memref<128x128xf32, #tpu.memory_space<hbm>>) target(%arg8 : memref<128x128xf32, #tpu.memory_space<vmem>>) target_semaphore(%run_scoped3A : memref<!tpu.dma_semaphore, #tpu.memory_space<semaphore_mem>>)
      tpu.wait_dma2 semaphore(%run_scoped3A : memref<!tpu.dma_semaphore, #tpu.memory_space<semaphore_mem>>) src(%arg3 : memref<128x128xf32, #tpu.memory_space<hbm>>) dst(%arg8 : memref<128x128xf32, #tpu.memory_space<vmem>>)
      tpu.yield
    }) : () -> ()
    %barrier3A = arith.constant 0 : index
    tpu.barrier barrier_id(%barrier3A)
    %lt3A_12 = arith.constant 2 : i32
    %lt3A_13 = arith.cmpi slt, %add3A, %lt3A_12 : i32
    %convert_element_type3A_14 = arith.extui %lt3A_13 : i1 to i32
    %add3A_15 = arith.constant 39 : i32
    %add3A_16 = arith.addi %add3A_15, %convert_element_type3A_14 : i32
    %while3A_17 = arith.constant 0 : i32
    %while3A_18 = arith.subi %add3A_16, %while3A_17 : i32
    %while3A_19 = arith.addi %while3A_17, %while3A_18 : i32
    %while3A_20 = arith.constant 1 : i32
    %while3A_21 = arith.divsi %while3A_18, %while3A_20 : i32
    %while3A_22 = arith.muli %while3A_21, %while3A_20 : i32
    %while3A_23 = arith.addi %while3A_17, %while3A_22 : i32
    %while3A_24 = arith.constant 1 : i32
    scf.for %while3A_36 = %while3A_17 to %while3A_23 step %while3A_24  : i32 {
      %mul3A_37 = arith.constant 32 : i32
      %mul3A_38 = arith.muli %while3A_36, %mul3A_37 : i32
      %add3A_39 = arith.addi %add3A, %mul3A_38 : i32
      %mul3A_40 = arith.constant 128 : i32
      %mul3A_41 = arith.muli %add3A_39, %mul3A_40 : i32
      "tpu.region"() ({
        %run_scoped3A = tpu.sem_alloc : memref<!tpu.dma_semaphore, #tpu.memory_space<semaphore_mem>>
        %dma_start3A = tpu.memref_slice %arg2[%mul3A_41] : memref<160000xi32, #tpu.memory_space<hbm>> -> memref<128xi32, #tpu.memory_space<hbm>>
        %dma_start3A_42 = tpu.memref_slice %arg2[%mul3A_41] : memref<160000xi32, #tpu.memory_space<hbm>> -> memref<128xi32, #tpu.memory_space<hbm>>
        tpu.enqueue_dma source(%dma_start3A_42 : memref<128xi32, #tpu.memory_space<hbm>>) target(%arg7 : memref<128xi32, #tpu.memory_space<vmem>>) target_semaphore(%run_scoped3A : memref<!tpu.dma_semaphore, #tpu.memory_space<semaphore_mem>>)
        %dma_wait3A = tpu.memref_slice %arg2[%mul3A_41] : memref<160000xi32, #tpu.memory_space<hbm>> -> memref<128xi32, #tpu.memory_space<hbm>>
        %dma_wait3A_43 = tpu.memref_slice %arg2[%mul3A_41] : memref<160000xi32, #tpu.memory_space<hbm>> -> memref<128xi32, #tpu.memory_space<hbm>>
        tpu.wait_dma2 semaphore(%run_scoped3A : memref<!tpu.dma_semaphore, #tpu.memory_space<semaphore_mem>>) src(%dma_wait3A_43 : memref<128xi32, #tpu.memory_space<hbm>>) dst(%arg7 : memref<128xi32, #tpu.memory_space<vmem>>)
        tpu.yield
      }) : () -> ()
      "tpu.region"() ({
        %run_scoped3A = tpu.sem_alloc : memref<!tpu.dma_semaphore, #tpu.memory_space<semaphore_mem>>
        %dma_start3A = arith.constant 0 : i32
        %dma_start3A_42 = arith.constant 0 : i32
        %dma_start3A_43 = tpu.memref_slice %arg6[%dma_start3A, %dma_start3A_42] : memref<10000x128xf32, #tpu.memory_space<vmem_shared>> -> memref<10000x128xf32, #tpu.memory_space<vmem_shared>>
        tpu.enqueue_indirect_dma source(%arg8 : memref<128x128xf32, #tpu.memory_space<vmem>>) target(%dma_start3A_43 : memref<10000x128xf32, #tpu.memory_space<vmem_shared>>) offsets(%arg7 : memref<128xi32, #tpu.memory_space<vmem>>) semaphore(%run_scoped3A : memref<!tpu.dma_semaphore, #tpu.memory_space<semaphore_mem>>) {add = true}
        %dma_wait3A = arith.constant 0 : i32
        %dma_wait3A_44 = arith.constant 0 : i32
        %dma_wait3A_45 = tpu.memref_slice %arg6[%dma_wait3A, %dma_wait3A_44] : memref<10000x128xf32, #tpu.memory_space<vmem_shared>> -> memref<10000x128xf32, #tpu.memory_space<vmem_shared>>
        tpu.wait_indirect_dma semaphore(%run_scoped3A : memref<!tpu.dma_semaphore, #tpu.memory_space<semaphore_mem>>) src(%arg8 : memref<128x128xf32, #tpu.memory_space<vmem>>) dst(%dma_wait3A_45 : memref<10000x128xf32, #tpu.memory_space<vmem_shared>>)
        tpu.yield
      }) : () -> ()
    }
    %while3A_25 = arith.constant 1 : i32
    scf.for %while3A_36 = %while3A_23 to %while3A_19 step %while3A_25  : i32 {
      %mul3A_37 = arith.constant 32 : i32
      %mul3A_38 = arith.muli %while3A_36, %mul3A_37 : i32
      %add3A_39 = arith.addi %add3A, %mul3A_38 : i32
      %mul3A_40 = arith.constant 128 : i32
      %mul3A_41 = arith.muli %add3A_39, %mul3A_40 : i32
      "tpu.region"() ({
        %run_scoped3A = tpu.sem_alloc : memref<!tpu.dma_semaphore, #tpu.memory_space<semaphore_mem>>
        %dma_start3A = tpu.memref_slice %arg2[%mul3A_41] : memref<160000xi32, #tpu.memory_space<hbm>> -> memref<128xi32, #tpu.memory_space<hbm>>
        %dma_start3A_42 = tpu.memref_slice %arg2[%mul3A_41] : memref<160000xi32, #tpu.memory_space<hbm>> -> memref<128xi32, #tpu.memory_space<hbm>>
        tpu.enqueue_dma source(%dma_start3A_42 : memref<128xi32, #tpu.memory_space<hbm>>) target(%arg7 : memref<128xi32, #tpu.memory_space<vmem>>) target_semaphore(%run_scoped3A : memref<!tpu.dma_semaphore, #tpu.memory_space<semaphore_mem>>)
        %dma_wait3A = tpu.memref_slice %arg2[%mul3A_41] : memref<160000xi32, #tpu.memory_space<hbm>> -> memref<128xi32, #tpu.memory_space<hbm>>
        %dma_wait3A_43 = tpu.memref_slice %arg2[%mul3A_41] : memref<160000xi32, #tpu.memory_space<hbm>> -> memref<128xi32, #tpu.memory_space<hbm>>
        tpu.wait_dma2 semaphore(%run_scoped3A : memref<!tpu.dma_semaphore, #tpu.memory_space<semaphore_mem>>) src(%dma_wait3A_43 : memref<128xi32, #tpu.memory_space<hbm>>) dst(%arg7 : memref<128xi32, #tpu.memory_space<vmem>>)
        tpu.yield
      }) : () -> ()
      "tpu.region"() ({
        %run_scoped3A = tpu.sem_alloc : memref<!tpu.dma_semaphore, #tpu.memory_space<semaphore_mem>>
        %dma_start3A = arith.constant 0 : i32
        %dma_start3A_42 = arith.constant 0 : i32
        %dma_start3A_43 = tpu.memref_slice %arg6[%dma_start3A, %dma_start3A_42] : memref<10000x128xf32, #tpu.memory_space<vmem_shared>> -> memref<10000x128xf32, #tpu.memory_space<vmem_shared>>
        tpu.enqueue_indirect_dma source(%arg8 : memref<128x128xf32, #tpu.memory_space<vmem>>) target(%dma_start3A_43 : memref<10000x128xf32, #tpu.memory_space<vmem_shared>>) offsets(%arg7 : memref<128xi32, #tpu.memory_space<vmem>>) semaphore(%run_scoped3A : memref<!tpu.dma_semaphore, #tpu.memory_space<semaphore_mem>>) {add = true}
        %dma_wait3A = arith.constant 0 : i32
        %dma_wait3A_44 = arith.constant 0 : i32
        %dma_wait3A_45 = tpu.memref_slice %arg6[%dma_wait3A, %dma_wait3A_44] : memref<10000x128xf32, #tpu.memory_space<vmem_shared>> -> memref<10000x128xf32, #tpu.memory_space<vmem_shared>>
        tpu.wait_indirect_dma semaphore(%run_scoped3A : memref<!tpu.dma_semaphore, #tpu.memory_space<semaphore_mem>>) src(%arg8 : memref<128x128xf32, #tpu.memory_space<vmem>>) dst(%dma_wait3A_45 : memref<10000x128xf32, #tpu.memory_space<vmem_shared>>)
        tpu.yield
      }) : () -> ()
    }
    %barrier3A_26 = arith.constant 0 : index
    tpu.barrier barrier_id(%barrier3A_26)
    %while3A_27 = arith.constant 0 : i32
    %while3A_28 = arith.subi %add3A_3, %while3A_27 : i32
    %while3A_29 = arith.addi %while3A_27, %while3A_28 : i32
    %while3A_30 = arith.constant 1 : i32
    %while3A_31 = arith.divsi %while3A_28, %while3A_30 : i32
    %while3A_32 = arith.muli %while3A_31, %while3A_30 : i32
    %while3A_33 = arith.addi %while3A_27, %while3A_32 : i32
    %while3A_34 = arith.constant 1 : i32
    scf.for %while3A_36 = %while3A_27 to %while3A_33 step %while3A_34  : i32 {
      %mul3A_37 = arith.constant 16 : i32
      %mul3A_38 = arith.muli %while3A_36, %mul3A_37 : i32
      %add3A_39 = arith.addi %arg1, %mul3A_38 : i32
      %mul3A_40 = arith.constant 400 : i32
      %mul3A_41 = arith.muli %add3A_39, %mul3A_40 : i32
      %mul3A_42 = arith.constant 10000 : i32
      %mul3A_43 = arith.muli %arg0, %mul3A_42 : i32
      %mul3A_44 = arith.constant 400 : i32
      %mul3A_45 = arith.muli %add3A_39, %mul3A_44 : i32
      %add3A_46 = arith.addi %mul3A_43, %mul3A_45 : i32
      "tpu.region"() ({
        %run_scoped3A = tpu.sem_alloc : memref<!tpu.dma_semaphore, #tpu.memory_space<semaphore_mem>>
        %dma_start3A = arith.constant 0 : i32
        %dma_start3A_47 = tpu.memref_slice %arg5[%add3A_46, %dma_start3A] : memref<20000x128xf32, #tpu.memory_space<hbm>> -> memref<400x128xf32, #tpu.memory_space<hbm>>
        %dma_start3A_48 = arith.constant 0 : i32
        %dma_start3A_49 = tpu.memref_slice %arg6[%mul3A_41, %dma_start3A_48] : memref<10000x128xf32, #tpu.memory_space<vmem_shared>> -> memref<400x128xf32, #tpu.memory_space<vmem_shared>>
        tpu.enqueue_dma source(%dma_start3A_49 : memref<400x128xf32, #tpu.memory_space<vmem_shared>>) target(%dma_start3A_47 : memref<400x128xf32, #tpu.memory_space<hbm>>) target_semaphore(%run_scoped3A : memref<!tpu.dma_semaphore, #tpu.memory_space<semaphore_mem>>)
        %dma_wait3A = arith.constant 0 : i32
        %dma_wait3A_50 = tpu.memref_slice %arg5[%add3A_46, %dma_wait3A] : memref<20000x128xf32, #tpu.memory_space<hbm>> -> memref<400x128xf32, #tpu.memory_space<hbm>>
        %dma_wait3A_51 = arith.constant 0 : i32
        %dma_wait3A_52 = tpu.memref_slice %arg6[%mul3A_41, %dma_wait3A_51] : memref<10000x128xf32, #tpu.memory_space<vmem_shared>> -> memref<400x128xf32, #tpu.memory_space<vmem_shared>>
        tpu.wait_dma2 semaphore(%run_scoped3A : memref<!tpu.dma_semaphore, #tpu.memory_space<semaphore_mem>>) src(%dma_wait3A_52 : memref<400x128xf32, #tpu.memory_space<vmem_shared>>) dst(%dma_wait3A_50 : memref<400x128xf32, #tpu.memory_space<hbm>>)
        tpu.yield
      }) : () -> ()
    }
    %while3A_35 = arith.constant 1 : i32
    scf.for %while3A_36 = %while3A_33 to %while3A_29 step %while3A_35  : i32 {
      %mul3A_37 = arith.constant 16 : i32
      %mul3A_38 = arith.muli %while3A_36, %mul3A_37 : i32
      %add3A_39 = arith.addi %arg1, %mul3A_38 : i32
      %mul3A_40 = arith.constant 400 : i32
      %mul3A_41 = arith.muli %add3A_39, %mul3A_40 : i32
      %mul3A_42 = arith.constant 10000 : i32
      %mul3A_43 = arith.muli %arg0, %mul3A_42 : i32
      %mul3A_44 = arith.constant 400 : i32
      %mul3A_45 = arith.muli %add3A_39, %mul3A_44 : i32
      %add3A_46 = arith.addi %mul3A_43, %mul3A_45 : i32
      "tpu.region"() ({
        %run_scoped3A = tpu.sem_alloc : memref<!tpu.dma_semaphore, #tpu.memory_space<semaphore_mem>>
        %dma_start3A = arith.constant 0 : i32
        %dma_start3A_47 = tpu.memref_slice %arg5[%add3A_46, %dma_start3A] : memref<20000x128xf32, #tpu.memory_space<hbm>> -> memref<400x128xf32, #tpu.memory_space<hbm>>
        %dma_start3A_48 = arith.constant 0 : i32
        %dma_start3A_49 = tpu.memref_slice %arg6[%mul3A_41, %dma_start3A_48] : memref<10000x128xf32, #tpu.memory_space<vmem_shared>> -> memref<400x128xf32, #tpu.memory_space<vmem_shared>>
        tpu.enqueue_dma source(%dma_start3A_49 : memref<400x128xf32, #tpu.memory_space<vmem_shared>>) target(%dma_start3A_47 : memref<400x128xf32, #tpu.memory_space<hbm>>) target_semaphore(%run_scoped3A : memref<!tpu.dma_semaphore, #tpu.memory_space<semaphore_mem>>)
        %dma_wait3A = arith.constant 0 : i32
        %dma_wait3A_50 = tpu.memref_slice %arg5[%add3A_46, %dma_wait3A] : memref<20000x128xf32, #tpu.memory_space<hbm>> -> memref<400x128xf32, #tpu.memory_space<hbm>>
        %dma_wait3A_51 = arith.constant 0 : i32
        %dma_wait3A_52 = tpu.memref_slice %arg6[%mul3A_41, %dma_wait3A_51] : memref<10000x128xf32, #tpu.memory_space<vmem_shared>> -> memref<400x128xf32, #tpu.memory_space<vmem_shared>>
        tpu.wait_dma2 semaphore(%run_scoped3A : memref<!tpu.dma_semaphore, #tpu.memory_space<semaphore_mem>>) src(%dma_wait3A_52 : memref<400x128xf32, #tpu.memory_space<vmem_shared>>) dst(%dma_wait3A_50 : memref<400x128xf32, #tpu.memory_space<hbm>>)
        tpu.yield
      }) : () -> ()
    }
    return
  }
}

#map = affine_map<(d0, d1) -> (0, 0)>
#map1 = affine_map<(d0, d1) -> (0)>
module attributes {stable_mosaic.version = 14 : i64} {
  func.func @_sc_aggregate_body(%arg0: i32, %arg1: i32, %arg2: memref<20000x128xf32, #tpu.memory_space<hbm>>, %arg3: memref<160000xi32, #tpu.memory_space<hbm>>, %arg4: memref<160000xi32, #tpu.memory_space<hbm>>, %arg5: memref<400x128xf32, #tpu.memory_space<hbm>>, %arg6: memref<20000x128xf32, #tpu.memory_space<hbm>>, %arg7: memref<10000x128xf32, #tpu.memory_space<vmem_shared>>, %arg8: memref<128xi32, #tpu.memory_space<vmem>>, %arg9: memref<128xi32, #tpu.memory_space<vmem>>, %arg10: memref<128xi32, #tpu.memory_space<vmem>>, %arg11: memref<128x128xf32, #tpu.memory_space<vmem>>, %arg12: memref<!tpu.dma_semaphore, #tpu.memory_space<semaphore_mem>>) attributes {dimension_semantics = [#tpu.dimension_semantics<core_parallel>, #tpu.dimension_semantics<subcore_parallel>], iteration_bounds = array<i64: 2, 16>, scalar_prefetch = 0 : i64, scratch_operands = 6 : i64, tpu.core_type = #tpu.core_type<sc_vector_subcore>, window_params = [{transform_indices = #map}, {transform_indices = #map1}, {transform_indices = #map1}, {transform_indices = #map}, {transform_indices = #map}]} {
    %mul3A = arith.constant 10000 : i32
    %mul3A_0 = arith.muli %arg0, %mul3A : i32
    %lt3A = arith.constant 9 : i32
    %lt3A_1 = arith.cmpi slt, %arg1, %lt3A : i32
    %convert_element_type3A = arith.extui %lt3A_1 : i1 to i32
    %add3A = arith.constant 1 : i32
    %add3A_2 = arith.addi %add3A, %convert_element_type3A : i32
    %while3A = arith.constant 0 : i32
    %while3A_3 = arith.subi %add3A_2, %while3A : i32
    %while3A_4 = arith.addi %while3A, %while3A_3 : i32
    %while3A_5 = arith.constant 1 : i32
    %while3A_6 = arith.divsi %while3A_3, %while3A_5 : i32
    %while3A_7 = arith.muli %while3A_6, %while3A_5 : i32
    %while3A_8 = arith.addi %while3A, %while3A_7 : i32
    %while3A_9 = arith.constant 1 : i32
    scf.for %while3A_35 = %while3A to %while3A_8 step %while3A_9  : i32 {
      %mul3A_36 = arith.constant 16 : i32
      %mul3A_37 = arith.muli %while3A_35, %mul3A_36 : i32
      %add3A_38 = arith.addi %arg1, %mul3A_37 : i32
      %mul3A_39 = arith.constant 400 : i32
      %mul3A_40 = arith.muli %add3A_38, %mul3A_39 : i32
      "tpu.region"() ({
        %run_scoped3A = tpu.sem_alloc : memref<!tpu.dma_semaphore, #tpu.memory_space<semaphore_mem>>
        %dma_start3A = arith.constant 0 : i32
        %dma_start3A_41 = tpu.memref_slice %arg7[%mul3A_40, %dma_start3A] : memref<10000x128xf32, #tpu.memory_space<vmem_shared>> -> memref<400x128xf32, #tpu.memory_space<vmem_shared>>
        tpu.enqueue_dma source(%arg5 : memref<400x128xf32, #tpu.memory_space<hbm>>) target(%dma_start3A_41 : memref<400x128xf32, #tpu.memory_space<vmem_shared>>) target_semaphore(%run_scoped3A : memref<!tpu.dma_semaphore, #tpu.memory_space<semaphore_mem>>)
        %dma_wait3A = arith.constant 0 : i32
        %dma_wait3A_42 = tpu.memref_slice %arg7[%mul3A_40, %dma_wait3A] : memref<10000x128xf32, #tpu.memory_space<vmem_shared>> -> memref<400x128xf32, #tpu.memory_space<vmem_shared>>
        tpu.wait_dma2 semaphore(%run_scoped3A : memref<!tpu.dma_semaphore, #tpu.memory_space<semaphore_mem>>) src(%arg5 : memref<400x128xf32, #tpu.memory_space<hbm>>) dst(%dma_wait3A_42 : memref<400x128xf32, #tpu.memory_space<vmem_shared>>)
        tpu.yield
      }) : () -> ()
    }
    %while3A_10 = arith.constant 1 : i32
    scf.for %while3A_35 = %while3A_8 to %while3A_4 step %while3A_10  : i32 {
      %mul3A_36 = arith.constant 16 : i32
      %mul3A_37 = arith.muli %while3A_35, %mul3A_36 : i32
      %add3A_38 = arith.addi %arg1, %mul3A_37 : i32
      %mul3A_39 = arith.constant 400 : i32
      %mul3A_40 = arith.muli %add3A_38, %mul3A_39 : i32
      "tpu.region"() ({
        %run_scoped3A = tpu.sem_alloc : memref<!tpu.dma_semaphore, #tpu.memory_space<semaphore_mem>>
        %dma_start3A = arith.constant 0 : i32
        %dma_start3A_41 = tpu.memref_slice %arg7[%mul3A_40, %dma_start3A] : memref<10000x128xf32, #tpu.memory_space<vmem_shared>> -> memref<400x128xf32, #tpu.memory_space<vmem_shared>>
        tpu.enqueue_dma source(%arg5 : memref<400x128xf32, #tpu.memory_space<hbm>>) target(%dma_start3A_41 : memref<400x128xf32, #tpu.memory_space<vmem_shared>>) target_semaphore(%run_scoped3A : memref<!tpu.dma_semaphore, #tpu.memory_space<semaphore_mem>>)
        %dma_wait3A = arith.constant 0 : i32
        %dma_wait3A_42 = tpu.memref_slice %arg7[%mul3A_40, %dma_wait3A] : memref<10000x128xf32, #tpu.memory_space<vmem_shared>> -> memref<400x128xf32, #tpu.memory_space<vmem_shared>>
        tpu.wait_dma2 semaphore(%run_scoped3A : memref<!tpu.dma_semaphore, #tpu.memory_space<semaphore_mem>>) src(%arg5 : memref<400x128xf32, #tpu.memory_space<hbm>>) dst(%dma_wait3A_42 : memref<400x128xf32, #tpu.memory_space<vmem_shared>>)
        tpu.yield
      }) : () -> ()
    }
    %barrier3A = arith.constant 0 : index
    tpu.barrier barrier_id(%barrier3A)
    %lt3A_11 = arith.constant 2 : i32
    %lt3A_12 = arith.cmpi slt, %arg1, %lt3A_11 : i32
    %convert_element_type3A_13 = arith.extui %lt3A_12 : i1 to i32
    %add3A_14 = arith.constant 78 : i32
    %add3A_15 = arith.addi %add3A_14, %convert_element_type3A_13 : i32
    %while3A_16 = arith.constant 0 : i32
    %while3A_17 = arith.subi %add3A_15, %while3A_16 : i32
    %while3A_18 = arith.addi %while3A_16, %while3A_17 : i32
    %while3A_19 = arith.constant 1 : i32
    %while3A_20 = arith.divsi %while3A_17, %while3A_19 : i32
    %while3A_21 = arith.muli %while3A_20, %while3A_19 : i32
    %while3A_22 = arith.addi %while3A_16, %while3A_21 : i32
    %while3A_23 = arith.constant 1 : i32
    scf.for %while3A_35 = %while3A_16 to %while3A_22 step %while3A_23  : i32 {
      %mul3A_36 = arith.constant 16 : i32
      %mul3A_37 = arith.muli %while3A_35, %mul3A_36 : i32
      %add3A_38 = arith.addi %arg1, %mul3A_37 : i32
      %mul3A_39 = arith.constant 128 : i32
      %mul3A_40 = arith.muli %add3A_38, %mul3A_39 : i32
      "tpu.region"() ({
        %run_scoped3A = tpu.sem_alloc : memref<!tpu.dma_semaphore, #tpu.memory_space<semaphore_mem>>
        %dma_start3A_115 = tpu.memref_slice %arg3[%mul3A_40] : memref<160000xi32, #tpu.memory_space<hbm>> -> memref<128xi32, #tpu.memory_space<hbm>>
        %dma_start3A_116 = tpu.memref_slice %arg3[%mul3A_40] : memref<160000xi32, #tpu.memory_space<hbm>> -> memref<128xi32, #tpu.memory_space<hbm>>
        tpu.enqueue_dma source(%dma_start3A_116 : memref<128xi32, #tpu.memory_space<hbm>>) target(%arg8 : memref<128xi32, #tpu.memory_space<vmem>>) target_semaphore(%run_scoped3A : memref<!tpu.dma_semaphore, #tpu.memory_space<semaphore_mem>>)
        %dma_wait3A_117 = tpu.memref_slice %arg3[%mul3A_40] : memref<160000xi32, #tpu.memory_space<hbm>> -> memref<128xi32, #tpu.memory_space<hbm>>
        %dma_wait3A_118 = tpu.memref_slice %arg3[%mul3A_40] : memref<160000xi32, #tpu.memory_space<hbm>> -> memref<128xi32, #tpu.memory_space<hbm>>
        tpu.wait_dma2 semaphore(%run_scoped3A : memref<!tpu.dma_semaphore, #tpu.memory_space<semaphore_mem>>) src(%dma_wait3A_118 : memref<128xi32, #tpu.memory_space<hbm>>) dst(%arg8 : memref<128xi32, #tpu.memory_space<vmem>>)
        tpu.yield
      }) : () -> ()
      "tpu.region"() ({
        %run_scoped3A = tpu.sem_alloc : memref<!tpu.dma_semaphore, #tpu.memory_space<semaphore_mem>>
        %dma_start3A_115 = tpu.memref_slice %arg4[%mul3A_40] : memref<160000xi32, #tpu.memory_space<hbm>> -> memref<128xi32, #tpu.memory_space<hbm>>
        %dma_start3A_116 = tpu.memref_slice %arg4[%mul3A_40] : memref<160000xi32, #tpu.memory_space<hbm>> -> memref<128xi32, #tpu.memory_space<hbm>>
        tpu.enqueue_dma source(%dma_start3A_116 : memref<128xi32, #tpu.memory_space<hbm>>) target(%arg10 : memref<128xi32, #tpu.memory_space<vmem>>) target_semaphore(%run_scoped3A : memref<!tpu.dma_semaphore, #tpu.memory_space<semaphore_mem>>)
        %dma_wait3A_117 = tpu.memref_slice %arg4[%mul3A_40] : memref<160000xi32, #tpu.memory_space<hbm>> -> memref<128xi32, #tpu.memory_space<hbm>>
        %dma_wait3A_118 = tpu.memref_slice %arg4[%mul3A_40] : memref<160000xi32, #tpu.memory_space<hbm>> -> memref<128xi32, #tpu.memory_space<hbm>>
        tpu.wait_dma2 semaphore(%run_scoped3A : memref<!tpu.dma_semaphore, #tpu.memory_space<semaphore_mem>>) src(%dma_wait3A_118 : memref<128xi32, #tpu.memory_space<hbm>>) dst(%arg10 : memref<128xi32, #tpu.memory_space<vmem>>)
        tpu.yield
      }) : () -> ()
      %get3A = arith.constant 0 : index
      %get3A_41 = tpu.vector_load %arg8[%get3A] {strides = array<i32>} : memref<128xi32, #tpu.memory_space<vmem>>, vector<16xi32>,
      %get3A_42 = vector.shape_cast %get3A_41 : vector<16xi32> to vector<16xi32>
      %add3A_43 = vector.broadcast %mul3A_0 : i32 to vector<16xi32>
      %add3A_44 = arith.addi %get3A_42, %add3A_43 : vector<16xi32>
      %swap3A = arith.constant 0 : index
      %swap3A_45 = tpu.vector_load %arg9[%swap3A] {strides = array<i32>} : memref<128xi32, #tpu.memory_space<vmem>>, vector<16xi32>,
      %swap3A_46 = vector.shape_cast %swap3A_45 : vector<16xi32> to vector<16xi32>
      %swap3A_47 = vector.shape_cast %add3A_44 : vector<16xi32> to vector<16xi32>
      tpu.vector_store %arg9[%swap3A], %swap3A_47 {strides = array<i32>} : memref<128xi32, #tpu.memory_space<vmem>>, vector<16xi32>,
      %get3A_48 = arith.constant 16 : index
      %get3A_49 = tpu.vector_load %arg8[%get3A_48] {strides = array<i32>} : memref<128xi32, #tpu.memory_space<vmem>>, vector<16xi32>,
      %get3A_50 = vector.shape_cast %get3A_49 : vector<16xi32> to vector<16xi32>
      %add3A_51 = vector.broadcast %mul3A_0 : i32 to vector<16xi32>
      %add3A_52 = arith.addi %get3A_50, %add3A_51 : vector<16xi32>
      %swap3A_53 = arith.constant 16 : index
      %swap3A_54 = tpu.vector_load %arg9[%swap3A_53] {strides = array<i32>} : memref<128xi32, #tpu.memory_space<vmem>>, vector<16xi32>,
      %swap3A_55 = vector.shape_cast %swap3A_54 : vector<16xi32> to vector<16xi32>
      %swap3A_56 = vector.shape_cast %add3A_52 : vector<16xi32> to vector<16xi32>
      tpu.vector_store %arg9[%swap3A_53], %swap3A_56 {strides = array<i32>} : memref<128xi32, #tpu.memory_space<vmem>>, vector<16xi32>,
      %get3A_57 = arith.constant 32 : index
      %get3A_58 = tpu.vector_load %arg8[%get3A_57] {strides = array<i32>} : memref<128xi32, #tpu.memory_space<vmem>>, vector<16xi32>,
      %get3A_59 = vector.shape_cast %get3A_58 : vector<16xi32> to vector<16xi32>
      %add3A_60 = vector.broadcast %mul3A_0 : i32 to vector<16xi32>
      %add3A_61 = arith.addi %get3A_59, %add3A_60 : vector<16xi32>
      %swap3A_62 = arith.constant 32 : index
      %swap3A_63 = tpu.vector_load %arg9[%swap3A_62] {strides = array<i32>} : memref<128xi32, #tpu.memory_space<vmem>>, vector<16xi32>,
      %swap3A_64 = vector.shape_cast %swap3A_63 : vector<16xi32> to vector<16xi32>
      %swap3A_65 = vector.shape_cast %add3A_61 : vector<16xi32> to vector<16xi32>
      tpu.vector_store %arg9[%swap3A_62], %swap3A_65 {strides = array<i32>} : memref<128xi32, #tpu.memory_space<vmem>>, vector<16xi32>,
      %get3A_66 = arith.constant 48 : index
      %get3A_67 = tpu.vector_load %arg8[%get3A_66] {strides = array<i32>} : memref<128xi32, #tpu.memory_space<vmem>>, vector<16xi32>,
      %get3A_68 = vector.shape_cast %get3A_67 : vector<16xi32> to vector<16xi32>
      %add3A_69 = vector.broadcast %mul3A_0 : i32 to vector<16xi32>
      %add3A_70 = arith.addi %get3A_68, %add3A_69 : vector<16xi32>
      %swap3A_71 = arith.constant 48 : index
      %swap3A_72 = tpu.vector_load %arg9[%swap3A_71] {strides = array<i32>} : memref<128xi32, #tpu.memory_space<vmem>>, vector<16xi32>,
      %swap3A_73 = vector.shape_cast %swap3A_72 : vector<16xi32> to vector<16xi32>
      %swap3A_74 = vector.shape_cast %add3A_70 : vector<16xi32> to vector<16xi32>
      tpu.vector_store %arg9[%swap3A_71], %swap3A_74 {strides = array<i32>} : memref<128xi32, #tpu.memory_space<vmem>>, vector<16xi32>,
      %get3A_75 = arith.constant 64 : index
      %get3A_76 = tpu.vector_load %arg8[%get3A_75] {strides = array<i32>} : memref<128xi32, #tpu.memory_space<vmem>>, vector<16xi32>,
      %get3A_77 = vector.shape_cast %get3A_76 : vector<16xi32> to vector<16xi32>
      %add3A_78 = vector.broadcast %mul3A_0 : i32 to vector<16xi32>
      %add3A_79 = arith.addi %get3A_77, %add3A_78 : vector<16xi32>
      %swap3A_80 = arith.constant 64 : index
      %swap3A_81 = tpu.vector_load %arg9[%swap3A_80] {strides = array<i32>} : memref<128xi32, #tpu.memory_space<vmem>>, vector<16xi32>,
      %swap3A_82 = vector.shape_cast %swap3A_81 : vector<16xi32> to vector<16xi32>
      %swap3A_83 = vector.shape_cast %add3A_79 : vector<16xi32> to vector<16xi32>
      tpu.vector_store %arg9[%swap3A_80], %swap3A_83 {strides = array<i32>} : memref<128xi32, #tpu.memory_space<vmem>>, vector<16xi32>,
      %get3A_84 = arith.constant 80 : index
      %get3A_85 = tpu.vector_load %arg8[%get3A_84] {strides = array<i32>} : memref<128xi32, #tpu.memory_space<vmem>>, vector<16xi32>,
      %get3A_86 = vector.shape_cast %get3A_85 : vector<16xi32> to vector<16xi32>
      %add3A_87 = vector.broadcast %mul3A_0 : i32 to vector<16xi32>
      %add3A_88 = arith.addi %get3A_86, %add3A_87 : vector<16xi32>
      %swap3A_89 = arith.constant 80 : index
      %swap3A_90 = tpu.vector_load %arg9[%swap3A_89] {strides = array<i32>} : memref<128xi32, #tpu.memory_space<vmem>>, vector<16xi32>,
      %swap3A_91 = vector.shape_cast %swap3A_90 : vector<16xi32> to vector<16xi32>
      %swap3A_92 = vector.shape_cast %add3A_88 : vector<16xi32> to vector<16xi32>
      tpu.vector_store %arg9[%swap3A_89], %swap3A_92 {strides = array<i32>} : memref<128xi32, #tpu.memory_space<vmem>>, vector<16xi32>,
      %get3A_93 = arith.constant 96 : index
      %get3A_94 = tpu.vector_load %arg8[%get3A_93] {strides = array<i32>} : memref<128xi32, #tpu.memory_space<vmem>>, vector<16xi32>,
      %get3A_95 = vector.shape_cast %get3A_94 : vector<16xi32> to vector<16xi32>
      %add3A_96 = vector.broadcast %mul3A_0 : i32 to vector<16xi32>
      %add3A_97 = arith.addi %get3A_95, %add3A_96 : vector<16xi32>
      %swap3A_98 = arith.constant 96 : index
      %swap3A_99 = tpu.vector_load %arg9[%swap3A_98] {strides = array<i32>} : memref<128xi32, #tpu.memory_space<vmem>>, vector<16xi32>,
      %swap3A_100 = vector.shape_cast %swap3A_99 : vector<16xi32> to vector<16xi32>
      %swap3A_101 = vector.shape_cast %add3A_97 : vector<16xi32> to vector<16xi32>
      tpu.vector_store %arg9[%swap3A_98], %swap3A_101 {strides = array<i32>} : memref<128xi32, #tpu.memory_space<vmem>>, vector<16xi32>,
      %get3A_102 = arith.constant 112 : index
      %get3A_103 = tpu.vector_load %arg8[%get3A_102] {strides = array<i32>} : memref<128xi32, #tpu.memory_space<vmem>>, vector<16xi32>,
      %get3A_104 = vector.shape_cast %get3A_103 : vector<16xi32> to vector<16xi32>
      %add3A_105 = vector.broadcast %mul3A_0 : i32 to vector<16xi32>
      %add3A_106 = arith.addi %get3A_104, %add3A_105 : vector<16xi32>
      %swap3A_107 = arith.constant 112 : index
      %swap3A_108 = tpu.vector_load %arg9[%swap3A_107] {strides = array<i32>} : memref<128xi32, #tpu.memory_space<vmem>>, vector<16xi32>,
      %swap3A_109 = vector.shape_cast %swap3A_108 : vector<16xi32> to vector<16xi32>
      %swap3A_110 = vector.shape_cast %add3A_106 : vector<16xi32> to vector<16xi32>
      tpu.vector_store %arg9[%swap3A_107], %swap3A_110 {strides = array<i32>} : memref<128xi32, #tpu.memory_space<vmem>>, vector<16xi32>,
      %dma_start3A = arith.constant 0 : i32
      %dma_start3A_111 = arith.constant 0 : i32
      %dma_start3A_112 = tpu.memref_slice %arg2[%dma_start3A, %dma_start3A_111] : memref<20000x128xf32, #tpu.memory_space<hbm>> -> memref<20000x128xf32, #tpu.memory_space<hbm>>
      tpu.enqueue_indirect_dma source(%dma_start3A_112 : memref<20000x128xf32, #tpu.memory_space<hbm>>) target(%arg11 : memref<128x128xf32, #tpu.memory_space<vmem>>) offsets(%arg9 : memref<128xi32, #tpu.memory_space<vmem>>) semaphore(%arg12 : memref<!tpu.dma_semaphore, #tpu.memory_space<semaphore_mem>>)
      %dma_wait3A = arith.constant 0 : i32
      %dma_wait3A_113 = arith.constant 0 : i32
      %dma_wait3A_114 = tpu.memref_slice %arg2[%dma_wait3A, %dma_wait3A_113] : memref<20000x128xf32, #tpu.memory_space<hbm>> -> memref<20000x128xf32, #tpu.memory_space<hbm>>
      tpu.wait_indirect_dma semaphore(%arg12 : memref<!tpu.dma_semaphore, #tpu.memory_space<semaphore_mem>>) src(%dma_wait3A_114 : memref<20000x128xf32, #tpu.memory_space<hbm>>) dst(%arg11 : memref<128x128xf32, #tpu.memory_space<vmem>>)
      "tpu.region"() ({
        %run_scoped3A = tpu.sem_alloc : memref<!tpu.dma_semaphore, #tpu.memory_space<semaphore_mem>>
        %dma_start3A_115 = arith.constant 0 : i32
        %dma_start3A_116 = arith.constant 0 : i32
        %dma_start3A_117 = tpu.memref_slice %arg7[%dma_start3A_115, %dma_start3A_116] : memref<10000x128xf32, #tpu.memory_space<vmem_shared>> -> memref<10000x128xf32, #tpu.memory_space<vmem_shared>>
        tpu.enqueue_indirect_dma source(%arg11 : memref<128x128xf32, #tpu.memory_space<vmem>>) target(%dma_start3A_117 : memref<10000x128xf32, #tpu.memory_space<vmem_shared>>) offsets(%arg10 : memref<128xi32, #tpu.memory_space<vmem>>) semaphore(%run_scoped3A : memref<!tpu.dma_semaphore, #tpu.memory_space<semaphore_mem>>) {add = true}
        %dma_wait3A_118 = arith.constant 0 : i32
        %dma_wait3A_119 = arith.constant 0 : i32
        %dma_wait3A_120 = tpu.memref_slice %arg7[%dma_wait3A_118, %dma_wait3A_119] : memref<10000x128xf32, #tpu.memory_space<vmem_shared>> -> memref<10000x128xf32, #tpu.memory_space<vmem_shared>>
        tpu.wait_indirect_dma semaphore(%run_scoped3A : memref<!tpu.dma_semaphore, #tpu.memory_space<semaphore_mem>>) src(%arg11 : memref<128x128xf32, #tpu.memory_space<vmem>>) dst(%dma_wait3A_120 : memref<10000x128xf32, #tpu.memory_space<vmem_shared>>)
        tpu.yield
      }) : () -> ()
    }
    %while3A_24 = arith.constant 1 : i32
    scf.for %while3A_35 = %while3A_22 to %while3A_18 step %while3A_24  : i32 {
      %mul3A_36 = arith.constant 16 : i32
      %mul3A_37 = arith.muli %while3A_35, %mul3A_36 : i32
      %add3A_38 = arith.addi %arg1, %mul3A_37 : i32
      %mul3A_39 = arith.constant 128 : i32
      %mul3A_40 = arith.muli %add3A_38, %mul3A_39 : i32
      "tpu.region"() ({
        %run_scoped3A = tpu.sem_alloc : memref<!tpu.dma_semaphore, #tpu.memory_space<semaphore_mem>>
        %dma_start3A_115 = tpu.memref_slice %arg3[%mul3A_40] : memref<160000xi32, #tpu.memory_space<hbm>> -> memref<128xi32, #tpu.memory_space<hbm>>
        %dma_start3A_116 = tpu.memref_slice %arg3[%mul3A_40] : memref<160000xi32, #tpu.memory_space<hbm>> -> memref<128xi32, #tpu.memory_space<hbm>>
        tpu.enqueue_dma source(%dma_start3A_116 : memref<128xi32, #tpu.memory_space<hbm>>) target(%arg8 : memref<128xi32, #tpu.memory_space<vmem>>) target_semaphore(%run_scoped3A : memref<!tpu.dma_semaphore, #tpu.memory_space<semaphore_mem>>)
        %dma_wait3A_117 = tpu.memref_slice %arg3[%mul3A_40] : memref<160000xi32, #tpu.memory_space<hbm>> -> memref<128xi32, #tpu.memory_space<hbm>>
        %dma_wait3A_118 = tpu.memref_slice %arg3[%mul3A_40] : memref<160000xi32, #tpu.memory_space<hbm>> -> memref<128xi32, #tpu.memory_space<hbm>>
        tpu.wait_dma2 semaphore(%run_scoped3A : memref<!tpu.dma_semaphore, #tpu.memory_space<semaphore_mem>>) src(%dma_wait3A_118 : memref<128xi32, #tpu.memory_space<hbm>>) dst(%arg8 : memref<128xi32, #tpu.memory_space<vmem>>)
        tpu.yield
      }) : () -> ()
      "tpu.region"() ({
        %run_scoped3A = tpu.sem_alloc : memref<!tpu.dma_semaphore, #tpu.memory_space<semaphore_mem>>
        %dma_start3A_115 = tpu.memref_slice %arg4[%mul3A_40] : memref<160000xi32, #tpu.memory_space<hbm>> -> memref<128xi32, #tpu.memory_space<hbm>>
        %dma_start3A_116 = tpu.memref_slice %arg4[%mul3A_40] : memref<160000xi32, #tpu.memory_space<hbm>> -> memref<128xi32, #tpu.memory_space<hbm>>
        tpu.enqueue_dma source(%dma_start3A_116 : memref<128xi32, #tpu.memory_space<hbm>>) target(%arg10 : memref<128xi32, #tpu.memory_space<vmem>>) target_semaphore(%run_scoped3A : memref<!tpu.dma_semaphore, #tpu.memory_space<semaphore_mem>>)
        %dma_wait3A_117 = tpu.memref_slice %arg4[%mul3A_40] : memref<160000xi32, #tpu.memory_space<hbm>> -> memref<128xi32, #tpu.memory_space<hbm>>
        %dma_wait3A_118 = tpu.memref_slice %arg4[%mul3A_40] : memref<160000xi32, #tpu.memory_space<hbm>> -> memref<128xi32, #tpu.memory_space<hbm>>
        tpu.wait_dma2 semaphore(%run_scoped3A : memref<!tpu.dma_semaphore, #tpu.memory_space<semaphore_mem>>) src(%dma_wait3A_118 : memref<128xi32, #tpu.memory_space<hbm>>) dst(%arg10 : memref<128xi32, #tpu.memory_space<vmem>>)
        tpu.yield
      }) : () -> ()
      %get3A = arith.constant 0 : index
      %get3A_41 = tpu.vector_load %arg8[%get3A] {strides = array<i32>} : memref<128xi32, #tpu.memory_space<vmem>>, vector<16xi32>,
      %get3A_42 = vector.shape_cast %get3A_41 : vector<16xi32> to vector<16xi32>
      %add3A_43 = vector.broadcast %mul3A_0 : i32 to vector<16xi32>
      %add3A_44 = arith.addi %get3A_42, %add3A_43 : vector<16xi32>
      %swap3A = arith.constant 0 : index
      %swap3A_45 = tpu.vector_load %arg9[%swap3A] {strides = array<i32>} : memref<128xi32, #tpu.memory_space<vmem>>, vector<16xi32>,
      %swap3A_46 = vector.shape_cast %swap3A_45 : vector<16xi32> to vector<16xi32>
      %swap3A_47 = vector.shape_cast %add3A_44 : vector<16xi32> to vector<16xi32>
      tpu.vector_store %arg9[%swap3A], %swap3A_47 {strides = array<i32>} : memref<128xi32, #tpu.memory_space<vmem>>, vector<16xi32>,
      %get3A_48 = arith.constant 16 : index
      %get3A_49 = tpu.vector_load %arg8[%get3A_48] {strides = array<i32>} : memref<128xi32, #tpu.memory_space<vmem>>, vector<16xi32>,
      %get3A_50 = vector.shape_cast %get3A_49 : vector<16xi32> to vector<16xi32>
      %add3A_51 = vector.broadcast %mul3A_0 : i32 to vector<16xi32>
      %add3A_52 = arith.addi %get3A_50, %add3A_51 : vector<16xi32>
      %swap3A_53 = arith.constant 16 : index
      %swap3A_54 = tpu.vector_load %arg9[%swap3A_53] {strides = array<i32>} : memref<128xi32, #tpu.memory_space<vmem>>, vector<16xi32>,
      %swap3A_55 = vector.shape_cast %swap3A_54 : vector<16xi32> to vector<16xi32>
      %swap3A_56 = vector.shape_cast %add3A_52 : vector<16xi32> to vector<16xi32>
      tpu.vector_store %arg9[%swap3A_53], %swap3A_56 {strides = array<i32>} : memref<128xi32, #tpu.memory_space<vmem>>, vector<16xi32>,
      %get3A_57 = arith.constant 32 : index
      %get3A_58 = tpu.vector_load %arg8[%get3A_57] {strides = array<i32>} : memref<128xi32, #tpu.memory_space<vmem>>, vector<16xi32>,
      %get3A_59 = vector.shape_cast %get3A_58 : vector<16xi32> to vector<16xi32>
      %add3A_60 = vector.broadcast %mul3A_0 : i32 to vector<16xi32>
      %add3A_61 = arith.addi %get3A_59, %add3A_60 : vector<16xi32>
      %swap3A_62 = arith.constant 32 : index
      %swap3A_63 = tpu.vector_load %arg9[%swap3A_62] {strides = array<i32>} : memref<128xi32, #tpu.memory_space<vmem>>, vector<16xi32>,
      %swap3A_64 = vector.shape_cast %swap3A_63 : vector<16xi32> to vector<16xi32>
      %swap3A_65 = vector.shape_cast %add3A_61 : vector<16xi32> to vector<16xi32>
      tpu.vector_store %arg9[%swap3A_62], %swap3A_65 {strides = array<i32>} : memref<128xi32, #tpu.memory_space<vmem>>, vector<16xi32>,
      %get3A_66 = arith.constant 48 : index
      %get3A_67 = tpu.vector_load %arg8[%get3A_66] {strides = array<i32>} : memref<128xi32, #tpu.memory_space<vmem>>, vector<16xi32>,
      %get3A_68 = vector.shape_cast %get3A_67 : vector<16xi32> to vector<16xi32>
      %add3A_69 = vector.broadcast %mul3A_0 : i32 to vector<16xi32>
      %add3A_70 = arith.addi %get3A_68, %add3A_69 : vector<16xi32>
      %swap3A_71 = arith.constant 48 : index
      %swap3A_72 = tpu.vector_load %arg9[%swap3A_71] {strides = array<i32>} : memref<128xi32, #tpu.memory_space<vmem>>, vector<16xi32>,
      %swap3A_73 = vector.shape_cast %swap3A_72 : vector<16xi32> to vector<16xi32>
      %swap3A_74 = vector.shape_cast %add3A_70 : vector<16xi32> to vector<16xi32>
      tpu.vector_store %arg9[%swap3A_71], %swap3A_74 {strides = array<i32>} : memref<128xi32, #tpu.memory_space<vmem>>, vector<16xi32>,
      %get3A_75 = arith.constant 64 : index
      %get3A_76 = tpu.vector_load %arg8[%get3A_75] {strides = array<i32>} : memref<128xi32, #tpu.memory_space<vmem>>, vector<16xi32>,
      %get3A_77 = vector.shape_cast %get3A_76 : vector<16xi32> to vector<16xi32>
      %add3A_78 = vector.broadcast %mul3A_0 : i32 to vector<16xi32>
      %add3A_79 = arith.addi %get3A_77, %add3A_78 : vector<16xi32>
      %swap3A_80 = arith.constant 64 : index
      %swap3A_81 = tpu.vector_load %arg9[%swap3A_80] {strides = array<i32>} : memref<128xi32, #tpu.memory_space<vmem>>, vector<16xi32>,
      %swap3A_82 = vector.shape_cast %swap3A_81 : vector<16xi32> to vector<16xi32>
      %swap3A_83 = vector.shape_cast %add3A_79 : vector<16xi32> to vector<16xi32>
      tpu.vector_store %arg9[%swap3A_80], %swap3A_83 {strides = array<i32>} : memref<128xi32, #tpu.memory_space<vmem>>, vector<16xi32>,
      %get3A_84 = arith.constant 80 : index
      %get3A_85 = tpu.vector_load %arg8[%get3A_84] {strides = array<i32>} : memref<128xi32, #tpu.memory_space<vmem>>, vector<16xi32>,
      %get3A_86 = vector.shape_cast %get3A_85 : vector<16xi32> to vector<16xi32>
      %add3A_87 = vector.broadcast %mul3A_0 : i32 to vector<16xi32>
      %add3A_88 = arith.addi %get3A_86, %add3A_87 : vector<16xi32>
      %swap3A_89 = arith.constant 80 : index
      %swap3A_90 = tpu.vector_load %arg9[%swap3A_89] {strides = array<i32>} : memref<128xi32, #tpu.memory_space<vmem>>, vector<16xi32>,
      %swap3A_91 = vector.shape_cast %swap3A_90 : vector<16xi32> to vector<16xi32>
      %swap3A_92 = vector.shape_cast %add3A_88 : vector<16xi32> to vector<16xi32>
      tpu.vector_store %arg9[%swap3A_89], %swap3A_92 {strides = array<i32>} : memref<128xi32, #tpu.memory_space<vmem>>, vector<16xi32>,
      %get3A_93 = arith.constant 96 : index
      %get3A_94 = tpu.vector_load %arg8[%get3A_93] {strides = array<i32>} : memref<128xi32, #tpu.memory_space<vmem>>, vector<16xi32>,
      %get3A_95 = vector.shape_cast %get3A_94 : vector<16xi32> to vector<16xi32>
      %add3A_96 = vector.broadcast %mul3A_0 : i32 to vector<16xi32>
      %add3A_97 = arith.addi %get3A_95, %add3A_96 : vector<16xi32>
      %swap3A_98 = arith.constant 96 : index
      %swap3A_99 = tpu.vector_load %arg9[%swap3A_98] {strides = array<i32>} : memref<128xi32, #tpu.memory_space<vmem>>, vector<16xi32>,
      %swap3A_100 = vector.shape_cast %swap3A_99 : vector<16xi32> to vector<16xi32>
      %swap3A_101 = vector.shape_cast %add3A_97 : vector<16xi32> to vector<16xi32>
      tpu.vector_store %arg9[%swap3A_98], %swap3A_101 {strides = array<i32>} : memref<128xi32, #tpu.memory_space<vmem>>, vector<16xi32>,
      %get3A_102 = arith.constant 112 : index
      %get3A_103 = tpu.vector_load %arg8[%get3A_102] {strides = array<i32>} : memref<128xi32, #tpu.memory_space<vmem>>, vector<16xi32>,
      %get3A_104 = vector.shape_cast %get3A_103 : vector<16xi32> to vector<16xi32>
      %add3A_105 = vector.broadcast %mul3A_0 : i32 to vector<16xi32>
      %add3A_106 = arith.addi %get3A_104, %add3A_105 : vector<16xi32>
      %swap3A_107 = arith.constant 112 : index
      %swap3A_108 = tpu.vector_load %arg9[%swap3A_107] {strides = array<i32>} : memref<128xi32, #tpu.memory_space<vmem>>, vector<16xi32>,
      %swap3A_109 = vector.shape_cast %swap3A_108 : vector<16xi32> to vector<16xi32>
      %swap3A_110 = vector.shape_cast %add3A_106 : vector<16xi32> to vector<16xi32>
      tpu.vector_store %arg9[%swap3A_107], %swap3A_110 {strides = array<i32>} : memref<128xi32, #tpu.memory_space<vmem>>, vector<16xi32>,
      %dma_start3A = arith.constant 0 : i32
      %dma_start3A_111 = arith.constant 0 : i32
      %dma_start3A_112 = tpu.memref_slice %arg2[%dma_start3A, %dma_start3A_111] : memref<20000x128xf32, #tpu.memory_space<hbm>> -> memref<20000x128xf32, #tpu.memory_space<hbm>>
      tpu.enqueue_indirect_dma source(%dma_start3A_112 : memref<20000x128xf32, #tpu.memory_space<hbm>>) target(%arg11 : memref<128x128xf32, #tpu.memory_space<vmem>>) offsets(%arg9 : memref<128xi32, #tpu.memory_space<vmem>>) semaphore(%arg12 : memref<!tpu.dma_semaphore, #tpu.memory_space<semaphore_mem>>)
      %dma_wait3A = arith.constant 0 : i32
      %dma_wait3A_113 = arith.constant 0 : i32
      %dma_wait3A_114 = tpu.memref_slice %arg2[%dma_wait3A, %dma_wait3A_113] : memref<20000x128xf32, #tpu.memory_space<hbm>> -> memref<20000x128xf32, #tpu.memory_space<hbm>>
      tpu.wait_indirect_dma semaphore(%arg12 : memref<!tpu.dma_semaphore, #tpu.memory_space<semaphore_mem>>) src(%dma_wait3A_114 : memref<20000x128xf32, #tpu.memory_space<hbm>>) dst(%arg11 : memref<128x128xf32, #tpu.memory_space<vmem>>)
      "tpu.region"() ({
        %run_scoped3A = tpu.sem_alloc : memref<!tpu.dma_semaphore, #tpu.memory_space<semaphore_mem>>
        %dma_start3A_115 = arith.constant 0 : i32
        %dma_start3A_116 = arith.constant 0 : i32
        %dma_start3A_117 = tpu.memref_slice %arg7[%dma_start3A_115, %dma_start3A_116] : memref<10000x128xf32, #tpu.memory_space<vmem_shared>> -> memref<10000x128xf32, #tpu.memory_space<vmem_shared>>
        tpu.enqueue_indirect_dma source(%arg11 : memref<128x128xf32, #tpu.memory_space<vmem>>) target(%dma_start3A_117 : memref<10000x128xf32, #tpu.memory_space<vmem_shared>>) offsets(%arg10 : memref<128xi32, #tpu.memory_space<vmem>>) semaphore(%run_scoped3A : memref<!tpu.dma_semaphore, #tpu.memory_space<semaphore_mem>>) {add = true}
        %dma_wait3A_118 = arith.constant 0 : i32
        %dma_wait3A_119 = arith.constant 0 : i32
        %dma_wait3A_120 = tpu.memref_slice %arg7[%dma_wait3A_118, %dma_wait3A_119] : memref<10000x128xf32, #tpu.memory_space<vmem_shared>> -> memref<10000x128xf32, #tpu.memory_space<vmem_shared>>
        tpu.wait_indirect_dma semaphore(%run_scoped3A : memref<!tpu.dma_semaphore, #tpu.memory_space<semaphore_mem>>) src(%arg11 : memref<128x128xf32, #tpu.memory_space<vmem>>) dst(%dma_wait3A_120 : memref<10000x128xf32, #tpu.memory_space<vmem_shared>>)
        tpu.yield
      }) : () -> ()
    }
    %barrier3A_25 = arith.constant 0 : index
    tpu.barrier barrier_id(%barrier3A_25)
    %while3A_26 = arith.constant 0 : i32
    %while3A_27 = arith.subi %add3A_2, %while3A_26 : i32
    %while3A_28 = arith.addi %while3A_26, %while3A_27 : i32
    %while3A_29 = arith.constant 1 : i32
    %while3A_30 = arith.divsi %while3A_27, %while3A_29 : i32
    %while3A_31 = arith.muli %while3A_30, %while3A_29 : i32
    %while3A_32 = arith.addi %while3A_26, %while3A_31 : i32
    %while3A_33 = arith.constant 1 : i32
    scf.for %while3A_35 = %while3A_26 to %while3A_32 step %while3A_33  : i32 {
      %mul3A_36 = arith.constant 16 : i32
      %mul3A_37 = arith.muli %while3A_35, %mul3A_36 : i32
      %add3A_38 = arith.addi %arg1, %mul3A_37 : i32
      %mul3A_39 = arith.constant 400 : i32
      %mul3A_40 = arith.muli %add3A_38, %mul3A_39 : i32
      %mul3A_41 = arith.constant 10000 : i32
      %mul3A_42 = arith.muli %arg0, %mul3A_41 : i32
      %mul3A_43 = arith.constant 400 : i32
      %mul3A_44 = arith.muli %add3A_38, %mul3A_43 : i32
      %add3A_45 = arith.addi %mul3A_42, %mul3A_44 : i32
      "tpu.region"() ({
        %run_scoped3A = tpu.sem_alloc : memref<!tpu.dma_semaphore, #tpu.memory_space<semaphore_mem>>
        %dma_start3A = arith.constant 0 : i32
        %dma_start3A_46 = tpu.memref_slice %arg6[%add3A_45, %dma_start3A] : memref<20000x128xf32, #tpu.memory_space<hbm>> -> memref<400x128xf32, #tpu.memory_space<hbm>>
        %dma_start3A_47 = arith.constant 0 : i32
        %dma_start3A_48 = tpu.memref_slice %arg7[%mul3A_40, %dma_start3A_47] : memref<10000x128xf32, #tpu.memory_space<vmem_shared>> -> memref<400x128xf32, #tpu.memory_space<vmem_shared>>
        tpu.enqueue_dma source(%dma_start3A_48 : memref<400x128xf32, #tpu.memory_space<vmem_shared>>) target(%dma_start3A_46 : memref<400x128xf32, #tpu.memory_space<hbm>>) target_semaphore(%run_scoped3A : memref<!tpu.dma_semaphore, #tpu.memory_space<semaphore_mem>>)
        %dma_wait3A = arith.constant 0 : i32
        %dma_wait3A_49 = tpu.memref_slice %arg6[%add3A_45, %dma_wait3A] : memref<20000x128xf32, #tpu.memory_space<hbm>> -> memref<400x128xf32, #tpu.memory_space<hbm>>
        %dma_wait3A_50 = arith.constant 0 : i32
        %dma_wait3A_51 = tpu.memref_slice %arg7[%mul3A_40, %dma_wait3A_50] : memref<10000x128xf32, #tpu.memory_space<vmem_shared>> -> memref<400x128xf32, #tpu.memory_space<vmem_shared>>
        tpu.wait_dma2 semaphore(%run_scoped3A : memref<!tpu.dma_semaphore, #tpu.memory_space<semaphore_mem>>) src(%dma_wait3A_51 : memref<400x128xf32, #tpu.memory_space<vmem_shared>>) dst(%dma_wait3A_49 : memref<400x128xf32, #tpu.memory_space<hbm>>)
        tpu.yield
      }) : () -> ()
    }
    %while3A_34 = arith.constant 1 : i32
    scf.for %while3A_35 = %while3A_32 to %while3A_28 step %while3A_34  : i32 {
      %mul3A_36 = arith.constant 16 : i32
      %mul3A_37 = arith.muli %while3A_35, %mul3A_36 : i32
      %add3A_38 = arith.addi %arg1, %mul3A_37 : i32
      %mul3A_39 = arith.constant 400 : i32
      %mul3A_40 = arith.muli %add3A_38, %mul3A_39 : i32
      %mul3A_41 = arith.constant 10000 : i32
      %mul3A_42 = arith.muli %arg0, %mul3A_41 : i32
      %mul3A_43 = arith.constant 400 : i32
      %mul3A_44 = arith.muli %add3A_38, %mul3A_43 : i32
      %add3A_45 = arith.addi %mul3A_42, %mul3A_44 : i32
      "tpu.region"() ({
        %run_scoped3A = tpu.sem_alloc : memref<!tpu.dma_semaphore, #tpu.memory_space<semaphore_mem>>
        %dma_start3A = arith.constant 0 : i32
        %dma_start3A_46 = tpu.memref_slice %arg6[%add3A_45, %dma_start3A] : memref<20000x128xf32, #tpu.memory_space<hbm>> -> memref<400x128xf32, #tpu.memory_space<hbm>>
        %dma_start3A_47 = arith.constant 0 : i32
        %dma_start3A_48 = tpu.memref_slice %arg7[%mul3A_40, %dma_start3A_47] : memref<10000x128xf32, #tpu.memory_space<vmem_shared>> -> memref<400x128xf32, #tpu.memory_space<vmem_shared>>
        tpu.enqueue_dma source(%dma_start3A_48 : memref<400x128xf32, #tpu.memory_space<vmem_shared>>) target(%dma_start3A_46 : memref<400x128xf32, #tpu.memory_space<hbm>>) target_semaphore(%run_scoped3A : memref<!tpu.dma_semaphore, #tpu.memory_space<semaphore_mem>>)
        %dma_wait3A = arith.constant 0 : i32
        %dma_wait3A_49 = tpu.memref_slice %arg6[%add3A_45, %dma_wait3A] : memref<20000x128xf32, #tpu.memory_space<hbm>> -> memref<400x128xf32, #tpu.memory_space<hbm>>
        %dma_wait3A_50 = arith.constant 0 : i32
        %dma_wait3A_51 = tpu.memref_slice %arg7[%mul3A_40, %dma_wait3A_50] : memref<10000x128xf32, #tpu.memory_space<vmem_shared>> -> memref<400x128xf32, #tpu.memory_space<vmem_shared>>
        tpu.wait_dma2 semaphore(%run_scoped3A : memref<!tpu.dma_semaphore, #tpu.memory_space<semaphore_mem>>) src(%dma_wait3A_51 : memref<400x128xf32, #tpu.memory_space<vmem_shared>>) dst(%dma_wait3A_49 : memref<400x128xf32, #tpu.memory_space<hbm>>)
        tpu.yield
      }) : () -> ()
    }
    return
  }
}

#map = affine_map<(d0, d1) -> (0, 0)>
#map1 = affine_map<(d0, d1) -> (0)>
module attributes {stable_mosaic.version = 14 : i64} {
  func.func @_sc_aggregate_body(%arg0: i32, %arg1: i32, %arg2: memref<20000x128xf32, #tpu.memory_space<hbm>>, %arg3: memref<160000xi32, #tpu.memory_space<hbm>>, %arg4: memref<160000xi32, #tpu.memory_space<hbm>>, %arg5: memref<400x128xf32, #tpu.memory_space<hbm>>, %arg6: memref<20000x128xf32, #tpu.memory_space<hbm>>, %arg7: memref<10000x128xf32, #tpu.memory_space<vmem_shared>>, %arg8: memref<128xi32, #tpu.memory_space<vmem>>, %arg9: memref<128xi32, #tpu.memory_space<vmem>>, %arg10: memref<128xi32, #tpu.memory_space<vmem>>, %arg11: memref<128x128xf32, #tpu.memory_space<vmem>>, %arg12: memref<!tpu.dma_semaphore, #tpu.memory_space<semaphore_mem>>) attributes {dimension_semantics = [#tpu.dimension_semantics<core_parallel>, #tpu.dimension_semantics<subcore_parallel>], iteration_bounds = array<i64: 2, 16>, scalar_prefetch = 0 : i64, scratch_operands = 6 : i64, tpu.core_type = #tpu.core_type<sc_vector_subcore>, window_params = [{transform_indices = #map}, {transform_indices = #map1}, {transform_indices = #map1}, {transform_indices = #map}, {transform_indices = #map}]} {
    %mul3A = arith.constant 10000 : i32
    %mul3A_0 = arith.muli %arg0, %mul3A : i32
    %lt3A = arith.constant 9 : i32
    %lt3A_1 = arith.cmpi slt, %arg1, %lt3A : i32
    %convert_element_type3A = arith.extui %lt3A_1 : i1 to i32
    %add3A = arith.constant 1 : i32
    %add3A_2 = arith.addi %add3A, %convert_element_type3A : i32
    %while3A = arith.constant 0 : i32
    %while3A_3 = arith.subi %add3A_2, %while3A : i32
    %while3A_4 = arith.addi %while3A, %while3A_3 : i32
    %while3A_5 = arith.constant 1 : i32
    %while3A_6 = arith.divsi %while3A_3, %while3A_5 : i32
    %while3A_7 = arith.muli %while3A_6, %while3A_5 : i32
    %while3A_8 = arith.addi %while3A, %while3A_7 : i32
    %while3A_9 = arith.constant 1 : i32
    scf.for %while3A_35 = %while3A to %while3A_8 step %while3A_9  : i32 {
      %mul3A_36 = arith.constant 16 : i32
      %mul3A_37 = arith.muli %while3A_35, %mul3A_36 : i32
      %add3A_38 = arith.addi %arg1, %mul3A_37 : i32
      %mul3A_39 = arith.constant 400 : i32
      %mul3A_40 = arith.muli %add3A_38, %mul3A_39 : i32
      "tpu.region"() ({
        %run_scoped3A = tpu.sem_alloc : memref<!tpu.dma_semaphore, #tpu.memory_space<semaphore_mem>>
        %dma_start3A = arith.constant 0 : i32
        %dma_start3A_41 = tpu.memref_slice %arg7[%mul3A_40, %dma_start3A] : memref<10000x128xf32, #tpu.memory_space<vmem_shared>> -> memref<400x128xf32, #tpu.memory_space<vmem_shared>>
        tpu.enqueue_dma source(%arg5 : memref<400x128xf32, #tpu.memory_space<hbm>>) target(%dma_start3A_41 : memref<400x128xf32, #tpu.memory_space<vmem_shared>>) target_semaphore(%run_scoped3A : memref<!tpu.dma_semaphore, #tpu.memory_space<semaphore_mem>>)
        %dma_wait3A = arith.constant 0 : i32
        %dma_wait3A_42 = tpu.memref_slice %arg7[%mul3A_40, %dma_wait3A] : memref<10000x128xf32, #tpu.memory_space<vmem_shared>> -> memref<400x128xf32, #tpu.memory_space<vmem_shared>>
        tpu.wait_dma2 semaphore(%run_scoped3A : memref<!tpu.dma_semaphore, #tpu.memory_space<semaphore_mem>>) src(%arg5 : memref<400x128xf32, #tpu.memory_space<hbm>>) dst(%dma_wait3A_42 : memref<400x128xf32, #tpu.memory_space<vmem_shared>>)
        tpu.yield
      }) : () -> ()
    }
    %while3A_10 = arith.constant 1 : i32
    scf.for %while3A_35 = %while3A_8 to %while3A_4 step %while3A_10  : i32 {
      %mul3A_36 = arith.constant 16 : i32
      %mul3A_37 = arith.muli %while3A_35, %mul3A_36 : i32
      %add3A_38 = arith.addi %arg1, %mul3A_37 : i32
      %mul3A_39 = arith.constant 400 : i32
      %mul3A_40 = arith.muli %add3A_38, %mul3A_39 : i32
      "tpu.region"() ({
        %run_scoped3A = tpu.sem_alloc : memref<!tpu.dma_semaphore, #tpu.memory_space<semaphore_mem>>
        %dma_start3A = arith.constant 0 : i32
        %dma_start3A_41 = tpu.memref_slice %arg7[%mul3A_40, %dma_start3A] : memref<10000x128xf32, #tpu.memory_space<vmem_shared>> -> memref<400x128xf32, #tpu.memory_space<vmem_shared>>
        tpu.enqueue_dma source(%arg5 : memref<400x128xf32, #tpu.memory_space<hbm>>) target(%dma_start3A_41 : memref<400x128xf32, #tpu.memory_space<vmem_shared>>) target_semaphore(%run_scoped3A : memref<!tpu.dma_semaphore, #tpu.memory_space<semaphore_mem>>)
        %dma_wait3A = arith.constant 0 : i32
        %dma_wait3A_42 = tpu.memref_slice %arg7[%mul3A_40, %dma_wait3A] : memref<10000x128xf32, #tpu.memory_space<vmem_shared>> -> memref<400x128xf32, #tpu.memory_space<vmem_shared>>
        tpu.wait_dma2 semaphore(%run_scoped3A : memref<!tpu.dma_semaphore, #tpu.memory_space<semaphore_mem>>) src(%arg5 : memref<400x128xf32, #tpu.memory_space<hbm>>) dst(%dma_wait3A_42 : memref<400x128xf32, #tpu.memory_space<vmem_shared>>)
        tpu.yield
      }) : () -> ()
    }
    %barrier3A = arith.constant 0 : index
    tpu.barrier barrier_id(%barrier3A)
    %lt3A_11 = arith.constant 2 : i32
    %lt3A_12 = arith.cmpi slt, %arg1, %lt3A_11 : i32
    %convert_element_type3A_13 = arith.extui %lt3A_12 : i1 to i32
    %add3A_14 = arith.constant 78 : i32
    %add3A_15 = arith.addi %add3A_14, %convert_element_type3A_13 : i32
    %while3A_16 = arith.constant 0 : i32
    %while3A_17 = arith.subi %add3A_15, %while3A_16 : i32
    %while3A_18 = arith.addi %while3A_16, %while3A_17 : i32
    %while3A_19 = arith.constant 1 : i32
    %while3A_20 = arith.divsi %while3A_17, %while3A_19 : i32
    %while3A_21 = arith.muli %while3A_20, %while3A_19 : i32
    %while3A_22 = arith.addi %while3A_16, %while3A_21 : i32
    %while3A_23 = arith.constant 1 : i32
    scf.for %while3A_35 = %while3A_16 to %while3A_22 step %while3A_23  : i32 {
      %mul3A_36 = arith.constant 16 : i32
      %mul3A_37 = arith.muli %while3A_35, %mul3A_36 : i32
      %add3A_38 = arith.addi %arg1, %mul3A_37 : i32
      %mul3A_39 = arith.constant 128 : i32
      %mul3A_40 = arith.muli %add3A_38, %mul3A_39 : i32
      "tpu.region"() ({
        %run_scoped3A = tpu.sem_alloc : memref<!tpu.dma_semaphore, #tpu.memory_space<semaphore_mem>>
        %dma_start3A_115 = tpu.memref_slice %arg3[%mul3A_40] : memref<160000xi32, #tpu.memory_space<hbm>> -> memref<128xi32, #tpu.memory_space<hbm>>
        %dma_start3A_116 = tpu.memref_slice %arg3[%mul3A_40] : memref<160000xi32, #tpu.memory_space<hbm>> -> memref<128xi32, #tpu.memory_space<hbm>>
        tpu.enqueue_dma source(%dma_start3A_116 : memref<128xi32, #tpu.memory_space<hbm>>) target(%arg8 : memref<128xi32, #tpu.memory_space<vmem>>) target_semaphore(%run_scoped3A : memref<!tpu.dma_semaphore, #tpu.memory_space<semaphore_mem>>)
        %dma_wait3A_117 = tpu.memref_slice %arg3[%mul3A_40] : memref<160000xi32, #tpu.memory_space<hbm>> -> memref<128xi32, #tpu.memory_space<hbm>>
        %dma_wait3A_118 = tpu.memref_slice %arg3[%mul3A_40] : memref<160000xi32, #tpu.memory_space<hbm>> -> memref<128xi32, #tpu.memory_space<hbm>>
        tpu.wait_dma2 semaphore(%run_scoped3A : memref<!tpu.dma_semaphore, #tpu.memory_space<semaphore_mem>>) src(%dma_wait3A_118 : memref<128xi32, #tpu.memory_space<hbm>>) dst(%arg8 : memref<128xi32, #tpu.memory_space<vmem>>)
        tpu.yield
      }) : () -> ()
      "tpu.region"() ({
        %run_scoped3A = tpu.sem_alloc : memref<!tpu.dma_semaphore, #tpu.memory_space<semaphore_mem>>
        %dma_start3A_115 = tpu.memref_slice %arg4[%mul3A_40] : memref<160000xi32, #tpu.memory_space<hbm>> -> memref<128xi32, #tpu.memory_space<hbm>>
        %dma_start3A_116 = tpu.memref_slice %arg4[%mul3A_40] : memref<160000xi32, #tpu.memory_space<hbm>> -> memref<128xi32, #tpu.memory_space<hbm>>
        tpu.enqueue_dma source(%dma_start3A_116 : memref<128xi32, #tpu.memory_space<hbm>>) target(%arg10 : memref<128xi32, #tpu.memory_space<vmem>>) target_semaphore(%run_scoped3A : memref<!tpu.dma_semaphore, #tpu.memory_space<semaphore_mem>>)
        %dma_wait3A_117 = tpu.memref_slice %arg4[%mul3A_40] : memref<160000xi32, #tpu.memory_space<hbm>> -> memref<128xi32, #tpu.memory_space<hbm>>
        %dma_wait3A_118 = tpu.memref_slice %arg4[%mul3A_40] : memref<160000xi32, #tpu.memory_space<hbm>> -> memref<128xi32, #tpu.memory_space<hbm>>
        tpu.wait_dma2 semaphore(%run_scoped3A : memref<!tpu.dma_semaphore, #tpu.memory_space<semaphore_mem>>) src(%dma_wait3A_118 : memref<128xi32, #tpu.memory_space<hbm>>) dst(%arg10 : memref<128xi32, #tpu.memory_space<vmem>>)
        tpu.yield
      }) : () -> ()
      %get3A = arith.constant 0 : index
      %get3A_41 = tpu.vector_load %arg8[%get3A] {strides = array<i32>} : memref<128xi32, #tpu.memory_space<vmem>>, vector<16xi32>,
      %get3A_42 = vector.shape_cast %get3A_41 : vector<16xi32> to vector<16xi32>
      %add3A_43 = vector.broadcast %mul3A_0 : i32 to vector<16xi32>
      %add3A_44 = arith.addi %get3A_42, %add3A_43 : vector<16xi32>
      %swap3A = arith.constant 0 : index
      %swap3A_45 = tpu.vector_load %arg9[%swap3A] {strides = array<i32>} : memref<128xi32, #tpu.memory_space<vmem>>, vector<16xi32>,
      %swap3A_46 = vector.shape_cast %swap3A_45 : vector<16xi32> to vector<16xi32>
      %swap3A_47 = vector.shape_cast %add3A_44 : vector<16xi32> to vector<16xi32>
      tpu.vector_store %arg9[%swap3A], %swap3A_47 {strides = array<i32>} : memref<128xi32, #tpu.memory_space<vmem>>, vector<16xi32>,
      %get3A_48 = arith.constant 16 : index
      %get3A_49 = tpu.vector_load %arg8[%get3A_48] {strides = array<i32>} : memref<128xi32, #tpu.memory_space<vmem>>, vector<16xi32>,
      %get3A_50 = vector.shape_cast %get3A_49 : vector<16xi32> to vector<16xi32>
      %add3A_51 = vector.broadcast %mul3A_0 : i32 to vector<16xi32>
      %add3A_52 = arith.addi %get3A_50, %add3A_51 : vector<16xi32>
      %swap3A_53 = arith.constant 16 : index
      %swap3A_54 = tpu.vector_load %arg9[%swap3A_53] {strides = array<i32>} : memref<128xi32, #tpu.memory_space<vmem>>, vector<16xi32>,
      %swap3A_55 = vector.shape_cast %swap3A_54 : vector<16xi32> to vector<16xi32>
      %swap3A_56 = vector.shape_cast %add3A_52 : vector<16xi32> to vector<16xi32>
      tpu.vector_store %arg9[%swap3A_53], %swap3A_56 {strides = array<i32>} : memref<128xi32, #tpu.memory_space<vmem>>, vector<16xi32>,
      %get3A_57 = arith.constant 32 : index
      %get3A_58 = tpu.vector_load %arg8[%get3A_57] {strides = array<i32>} : memref<128xi32, #tpu.memory_space<vmem>>, vector<16xi32>,
      %get3A_59 = vector.shape_cast %get3A_58 : vector<16xi32> to vector<16xi32>
      %add3A_60 = vector.broadcast %mul3A_0 : i32 to vector<16xi32>
      %add3A_61 = arith.addi %get3A_59, %add3A_60 : vector<16xi32>
      %swap3A_62 = arith.constant 32 : index
      %swap3A_63 = tpu.vector_load %arg9[%swap3A_62] {strides = array<i32>} : memref<128xi32, #tpu.memory_space<vmem>>, vector<16xi32>,
      %swap3A_64 = vector.shape_cast %swap3A_63 : vector<16xi32> to vector<16xi32>
      %swap3A_65 = vector.shape_cast %add3A_61 : vector<16xi32> to vector<16xi32>
      tpu.vector_store %arg9[%swap3A_62], %swap3A_65 {strides = array<i32>} : memref<128xi32, #tpu.memory_space<vmem>>, vector<16xi32>,
      %get3A_66 = arith.constant 48 : index
      %get3A_67 = tpu.vector_load %arg8[%get3A_66] {strides = array<i32>} : memref<128xi32, #tpu.memory_space<vmem>>, vector<16xi32>,
      %get3A_68 = vector.shape_cast %get3A_67 : vector<16xi32> to vector<16xi32>
      %add3A_69 = vector.broadcast %mul3A_0 : i32 to vector<16xi32>
      %add3A_70 = arith.addi %get3A_68, %add3A_69 : vector<16xi32>
      %swap3A_71 = arith.constant 48 : index
      %swap3A_72 = tpu.vector_load %arg9[%swap3A_71] {strides = array<i32>} : memref<128xi32, #tpu.memory_space<vmem>>, vector<16xi32>,
      %swap3A_73 = vector.shape_cast %swap3A_72 : vector<16xi32> to vector<16xi32>
      %swap3A_74 = vector.shape_cast %add3A_70 : vector<16xi32> to vector<16xi32>
      tpu.vector_store %arg9[%swap3A_71], %swap3A_74 {strides = array<i32>} : memref<128xi32, #tpu.memory_space<vmem>>, vector<16xi32>,
      %get3A_75 = arith.constant 64 : index
      %get3A_76 = tpu.vector_load %arg8[%get3A_75] {strides = array<i32>} : memref<128xi32, #tpu.memory_space<vmem>>, vector<16xi32>,
      %get3A_77 = vector.shape_cast %get3A_76 : vector<16xi32> to vector<16xi32>
      %add3A_78 = vector.broadcast %mul3A_0 : i32 to vector<16xi32>
      %add3A_79 = arith.addi %get3A_77, %add3A_78 : vector<16xi32>
      %swap3A_80 = arith.constant 64 : index
      %swap3A_81 = tpu.vector_load %arg9[%swap3A_80] {strides = array<i32>} : memref<128xi32, #tpu.memory_space<vmem>>, vector<16xi32>,
      %swap3A_82 = vector.shape_cast %swap3A_81 : vector<16xi32> to vector<16xi32>
      %swap3A_83 = vector.shape_cast %add3A_79 : vector<16xi32> to vector<16xi32>
      tpu.vector_store %arg9[%swap3A_80], %swap3A_83 {strides = array<i32>} : memref<128xi32, #tpu.memory_space<vmem>>, vector<16xi32>,
      %get3A_84 = arith.constant 80 : index
      %get3A_85 = tpu.vector_load %arg8[%get3A_84] {strides = array<i32>} : memref<128xi32, #tpu.memory_space<vmem>>, vector<16xi32>,
      %get3A_86 = vector.shape_cast %get3A_85 : vector<16xi32> to vector<16xi32>
      %add3A_87 = vector.broadcast %mul3A_0 : i32 to vector<16xi32>
      %add3A_88 = arith.addi %get3A_86, %add3A_87 : vector<16xi32>
      %swap3A_89 = arith.constant 80 : index
      %swap3A_90 = tpu.vector_load %arg9[%swap3A_89] {strides = array<i32>} : memref<128xi32, #tpu.memory_space<vmem>>, vector<16xi32>,
      %swap3A_91 = vector.shape_cast %swap3A_90 : vector<16xi32> to vector<16xi32>
      %swap3A_92 = vector.shape_cast %add3A_88 : vector<16xi32> to vector<16xi32>
      tpu.vector_store %arg9[%swap3A_89], %swap3A_92 {strides = array<i32>} : memref<128xi32, #tpu.memory_space<vmem>>, vector<16xi32>,
      %get3A_93 = arith.constant 96 : index
      %get3A_94 = tpu.vector_load %arg8[%get3A_93] {strides = array<i32>} : memref<128xi32, #tpu.memory_space<vmem>>, vector<16xi32>,
      %get3A_95 = vector.shape_cast %get3A_94 : vector<16xi32> to vector<16xi32>
      %add3A_96 = vector.broadcast %mul3A_0 : i32 to vector<16xi32>
      %add3A_97 = arith.addi %get3A_95, %add3A_96 : vector<16xi32>
      %swap3A_98 = arith.constant 96 : index
      %swap3A_99 = tpu.vector_load %arg9[%swap3A_98] {strides = array<i32>} : memref<128xi32, #tpu.memory_space<vmem>>, vector<16xi32>,
      %swap3A_100 = vector.shape_cast %swap3A_99 : vector<16xi32> to vector<16xi32>
      %swap3A_101 = vector.shape_cast %add3A_97 : vector<16xi32> to vector<16xi32>
      tpu.vector_store %arg9[%swap3A_98], %swap3A_101 {strides = array<i32>} : memref<128xi32, #tpu.memory_space<vmem>>, vector<16xi32>,
      %get3A_102 = arith.constant 112 : index
      %get3A_103 = tpu.vector_load %arg8[%get3A_102] {strides = array<i32>} : memref<128xi32, #tpu.memory_space<vmem>>, vector<16xi32>,
      %get3A_104 = vector.shape_cast %get3A_103 : vector<16xi32> to vector<16xi32>
      %add3A_105 = vector.broadcast %mul3A_0 : i32 to vector<16xi32>
      %add3A_106 = arith.addi %get3A_104, %add3A_105 : vector<16xi32>
      %swap3A_107 = arith.constant 112 : index
      %swap3A_108 = tpu.vector_load %arg9[%swap3A_107] {strides = array<i32>} : memref<128xi32, #tpu.memory_space<vmem>>, vector<16xi32>,
      %swap3A_109 = vector.shape_cast %swap3A_108 : vector<16xi32> to vector<16xi32>
      %swap3A_110 = vector.shape_cast %add3A_106 : vector<16xi32> to vector<16xi32>
      tpu.vector_store %arg9[%swap3A_107], %swap3A_110 {strides = array<i32>} : memref<128xi32, #tpu.memory_space<vmem>>, vector<16xi32>,
      %dma_start3A = arith.constant 0 : i32
      %dma_start3A_111 = arith.constant 0 : i32
      %dma_start3A_112 = tpu.memref_slice %arg2[%dma_start3A, %dma_start3A_111] : memref<20000x128xf32, #tpu.memory_space<hbm>> -> memref<20000x128xf32, #tpu.memory_space<hbm>>
      tpu.enqueue_indirect_dma source(%dma_start3A_112 : memref<20000x128xf32, #tpu.memory_space<hbm>>) target(%arg11 : memref<128x128xf32, #tpu.memory_space<vmem>>) offsets(%arg9 : memref<128xi32, #tpu.memory_space<vmem>>) semaphore(%arg12 : memref<!tpu.dma_semaphore, #tpu.memory_space<semaphore_mem>>)
      %dma_wait3A = arith.constant 0 : i32
      %dma_wait3A_113 = arith.constant 0 : i32
      %dma_wait3A_114 = tpu.memref_slice %arg2[%dma_wait3A, %dma_wait3A_113] : memref<20000x128xf32, #tpu.memory_space<hbm>> -> memref<20000x128xf32, #tpu.memory_space<hbm>>
      tpu.wait_indirect_dma semaphore(%arg12 : memref<!tpu.dma_semaphore, #tpu.memory_space<semaphore_mem>>) src(%dma_wait3A_114 : memref<20000x128xf32, #tpu.memory_space<hbm>>) dst(%arg11 : memref<128x128xf32, #tpu.memory_space<vmem>>)
      "tpu.region"() ({
        %run_scoped3A = tpu.sem_alloc : memref<!tpu.dma_semaphore, #tpu.memory_space<semaphore_mem>>
        %dma_start3A_115 = arith.constant 0 : i32
        %dma_start3A_116 = arith.constant 0 : i32
        %dma_start3A_117 = tpu.memref_slice %arg7[%dma_start3A_115, %dma_start3A_116] : memref<10000x128xf32, #tpu.memory_space<vmem_shared>> -> memref<10000x128xf32, #tpu.memory_space<vmem_shared>>
        tpu.enqueue_indirect_dma source(%arg11 : memref<128x128xf32, #tpu.memory_space<vmem>>) target(%dma_start3A_117 : memref<10000x128xf32, #tpu.memory_space<vmem_shared>>) offsets(%arg10 : memref<128xi32, #tpu.memory_space<vmem>>) semaphore(%run_scoped3A : memref<!tpu.dma_semaphore, #tpu.memory_space<semaphore_mem>>) {add = true}
        %dma_wait3A_118 = arith.constant 0 : i32
        %dma_wait3A_119 = arith.constant 0 : i32
        %dma_wait3A_120 = tpu.memref_slice %arg7[%dma_wait3A_118, %dma_wait3A_119] : memref<10000x128xf32, #tpu.memory_space<vmem_shared>> -> memref<10000x128xf32, #tpu.memory_space<vmem_shared>>
        tpu.wait_indirect_dma semaphore(%run_scoped3A : memref<!tpu.dma_semaphore, #tpu.memory_space<semaphore_mem>>) src(%arg11 : memref<128x128xf32, #tpu.memory_space<vmem>>) dst(%dma_wait3A_120 : memref<10000x128xf32, #tpu.memory_space<vmem_shared>>)
        tpu.yield
      }) : () -> ()
    }
    %while3A_24 = arith.constant 1 : i32
    scf.for %while3A_35 = %while3A_22 to %while3A_18 step %while3A_24  : i32 {
      %mul3A_36 = arith.constant 16 : i32
      %mul3A_37 = arith.muli %while3A_35, %mul3A_36 : i32
      %add3A_38 = arith.addi %arg1, %mul3A_37 : i32
      %mul3A_39 = arith.constant 128 : i32
      %mul3A_40 = arith.muli %add3A_38, %mul3A_39 : i32
      "tpu.region"() ({
        %run_scoped3A = tpu.sem_alloc : memref<!tpu.dma_semaphore, #tpu.memory_space<semaphore_mem>>
        %dma_start3A_115 = tpu.memref_slice %arg3[%mul3A_40] : memref<160000xi32, #tpu.memory_space<hbm>> -> memref<128xi32, #tpu.memory_space<hbm>>
        %dma_start3A_116 = tpu.memref_slice %arg3[%mul3A_40] : memref<160000xi32, #tpu.memory_space<hbm>> -> memref<128xi32, #tpu.memory_space<hbm>>
        tpu.enqueue_dma source(%dma_start3A_116 : memref<128xi32, #tpu.memory_space<hbm>>) target(%arg8 : memref<128xi32, #tpu.memory_space<vmem>>) target_semaphore(%run_scoped3A : memref<!tpu.dma_semaphore, #tpu.memory_space<semaphore_mem>>)
        %dma_wait3A_117 = tpu.memref_slice %arg3[%mul3A_40] : memref<160000xi32, #tpu.memory_space<hbm>> -> memref<128xi32, #tpu.memory_space<hbm>>
        %dma_wait3A_118 = tpu.memref_slice %arg3[%mul3A_40] : memref<160000xi32, #tpu.memory_space<hbm>> -> memref<128xi32, #tpu.memory_space<hbm>>
        tpu.wait_dma2 semaphore(%run_scoped3A : memref<!tpu.dma_semaphore, #tpu.memory_space<semaphore_mem>>) src(%dma_wait3A_118 : memref<128xi32, #tpu.memory_space<hbm>>) dst(%arg8 : memref<128xi32, #tpu.memory_space<vmem>>)
        tpu.yield
      }) : () -> ()
      "tpu.region"() ({
        %run_scoped3A = tpu.sem_alloc : memref<!tpu.dma_semaphore, #tpu.memory_space<semaphore_mem>>
        %dma_start3A_115 = tpu.memref_slice %arg4[%mul3A_40] : memref<160000xi32, #tpu.memory_space<hbm>> -> memref<128xi32, #tpu.memory_space<hbm>>
        %dma_start3A_116 = tpu.memref_slice %arg4[%mul3A_40] : memref<160000xi32, #tpu.memory_space<hbm>> -> memref<128xi32, #tpu.memory_space<hbm>>
        tpu.enqueue_dma source(%dma_start3A_116 : memref<128xi32, #tpu.memory_space<hbm>>) target(%arg10 : memref<128xi32, #tpu.memory_space<vmem>>) target_semaphore(%run_scoped3A : memref<!tpu.dma_semaphore, #tpu.memory_space<semaphore_mem>>)
        %dma_wait3A_117 = tpu.memref_slice %arg4[%mul3A_40] : memref<160000xi32, #tpu.memory_space<hbm>> -> memref<128xi32, #tpu.memory_space<hbm>>
        %dma_wait3A_118 = tpu.memref_slice %arg4[%mul3A_40] : memref<160000xi32, #tpu.memory_space<hbm>> -> memref<128xi32, #tpu.memory_space<hbm>>
        tpu.wait_dma2 semaphore(%run_scoped3A : memref<!tpu.dma_semaphore, #tpu.memory_space<semaphore_mem>>) src(%dma_wait3A_118 : memref<128xi32, #tpu.memory_space<hbm>>) dst(%arg10 : memref<128xi32, #tpu.memory_space<vmem>>)
        tpu.yield
      }) : () -> ()
      %get3A = arith.constant 0 : index
      %get3A_41 = tpu.vector_load %arg8[%get3A] {strides = array<i32>} : memref<128xi32, #tpu.memory_space<vmem>>, vector<16xi32>,
      %get3A_42 = vector.shape_cast %get3A_41 : vector<16xi32> to vector<16xi32>
      %add3A_43 = vector.broadcast %mul3A_0 : i32 to vector<16xi32>
      %add3A_44 = arith.addi %get3A_42, %add3A_43 : vector<16xi32>
      %swap3A = arith.constant 0 : index
      %swap3A_45 = tpu.vector_load %arg9[%swap3A] {strides = array<i32>} : memref<128xi32, #tpu.memory_space<vmem>>, vector<16xi32>,
      %swap3A_46 = vector.shape_cast %swap3A_45 : vector<16xi32> to vector<16xi32>
      %swap3A_47 = vector.shape_cast %add3A_44 : vector<16xi32> to vector<16xi32>
      tpu.vector_store %arg9[%swap3A], %swap3A_47 {strides = array<i32>} : memref<128xi32, #tpu.memory_space<vmem>>, vector<16xi32>,
      %get3A_48 = arith.constant 16 : index
      %get3A_49 = tpu.vector_load %arg8[%get3A_48] {strides = array<i32>} : memref<128xi32, #tpu.memory_space<vmem>>, vector<16xi32>,
      %get3A_50 = vector.shape_cast %get3A_49 : vector<16xi32> to vector<16xi32>
      %add3A_51 = vector.broadcast %mul3A_0 : i32 to vector<16xi32>
      %add3A_52 = arith.addi %get3A_50, %add3A_51 : vector<16xi32>
      %swap3A_53 = arith.constant 16 : index
      %swap3A_54 = tpu.vector_load %arg9[%swap3A_53] {strides = array<i32>} : memref<128xi32, #tpu.memory_space<vmem>>, vector<16xi32>,
      %swap3A_55 = vector.shape_cast %swap3A_54 : vector<16xi32> to vector<16xi32>
      %swap3A_56 = vector.shape_cast %add3A_52 : vector<16xi32> to vector<16xi32>
      tpu.vector_store %arg9[%swap3A_53], %swap3A_56 {strides = array<i32>} : memref<128xi32, #tpu.memory_space<vmem>>, vector<16xi32>,
      %get3A_57 = arith.constant 32 : index
      %get3A_58 = tpu.vector_load %arg8[%get3A_57] {strides = array<i32>} : memref<128xi32, #tpu.memory_space<vmem>>, vector<16xi32>,
      %get3A_59 = vector.shape_cast %get3A_58 : vector<16xi32> to vector<16xi32>
      %add3A_60 = vector.broadcast %mul3A_0 : i32 to vector<16xi32>
      %add3A_61 = arith.addi %get3A_59, %add3A_60 : vector<16xi32>
      %swap3A_62 = arith.constant 32 : index
      %swap3A_63 = tpu.vector_load %arg9[%swap3A_62] {strides = array<i32>} : memref<128xi32, #tpu.memory_space<vmem>>, vector<16xi32>,
      %swap3A_64 = vector.shape_cast %swap3A_63 : vector<16xi32> to vector<16xi32>
      %swap3A_65 = vector.shape_cast %add3A_61 : vector<16xi32> to vector<16xi32>
      tpu.vector_store %arg9[%swap3A_62], %swap3A_65 {strides = array<i32>} : memref<128xi32, #tpu.memory_space<vmem>>, vector<16xi32>,
      %get3A_66 = arith.constant 48 : index
      %get3A_67 = tpu.vector_load %arg8[%get3A_66] {strides = array<i32>} : memref<128xi32, #tpu.memory_space<vmem>>, vector<16xi32>,
      %get3A_68 = vector.shape_cast %get3A_67 : vector<16xi32> to vector<16xi32>
      %add3A_69 = vector.broadcast %mul3A_0 : i32 to vector<16xi32>
      %add3A_70 = arith.addi %get3A_68, %add3A_69 : vector<16xi32>
      %swap3A_71 = arith.constant 48 : index
      %swap3A_72 = tpu.vector_load %arg9[%swap3A_71] {strides = array<i32>} : memref<128xi32, #tpu.memory_space<vmem>>, vector<16xi32>,
      %swap3A_73 = vector.shape_cast %swap3A_72 : vector<16xi32> to vector<16xi32>
      %swap3A_74 = vector.shape_cast %add3A_70 : vector<16xi32> to vector<16xi32>
      tpu.vector_store %arg9[%swap3A_71], %swap3A_74 {strides = array<i32>} : memref<128xi32, #tpu.memory_space<vmem>>, vector<16xi32>,
      %get3A_75 = arith.constant 64 : index
      %get3A_76 = tpu.vector_load %arg8[%get3A_75] {strides = array<i32>} : memref<128xi32, #tpu.memory_space<vmem>>, vector<16xi32>,
      %get3A_77 = vector.shape_cast %get3A_76 : vector<16xi32> to vector<16xi32>
      %add3A_78 = vector.broadcast %mul3A_0 : i32 to vector<16xi32>
      %add3A_79 = arith.addi %get3A_77, %add3A_78 : vector<16xi32>
      %swap3A_80 = arith.constant 64 : index
      %swap3A_81 = tpu.vector_load %arg9[%swap3A_80] {strides = array<i32>} : memref<128xi32, #tpu.memory_space<vmem>>, vector<16xi32>,
      %swap3A_82 = vector.shape_cast %swap3A_81 : vector<16xi32> to vector<16xi32>
      %swap3A_83 = vector.shape_cast %add3A_79 : vector<16xi32> to vector<16xi32>
      tpu.vector_store %arg9[%swap3A_80], %swap3A_83 {strides = array<i32>} : memref<128xi32, #tpu.memory_space<vmem>>, vector<16xi32>,
      %get3A_84 = arith.constant 80 : index
      %get3A_85 = tpu.vector_load %arg8[%get3A_84] {strides = array<i32>} : memref<128xi32, #tpu.memory_space<vmem>>, vector<16xi32>,
      %get3A_86 = vector.shape_cast %get3A_85 : vector<16xi32> to vector<16xi32>
      %add3A_87 = vector.broadcast %mul3A_0 : i32 to vector<16xi32>
      %add3A_88 = arith.addi %get3A_86, %add3A_87 : vector<16xi32>
      %swap3A_89 = arith.constant 80 : index
      %swap3A_90 = tpu.vector_load %arg9[%swap3A_89] {strides = array<i32>} : memref<128xi32, #tpu.memory_space<vmem>>, vector<16xi32>,
      %swap3A_91 = vector.shape_cast %swap3A_90 : vector<16xi32> to vector<16xi32>
      %swap3A_92 = vector.shape_cast %add3A_88 : vector<16xi32> to vector<16xi32>
      tpu.vector_store %arg9[%swap3A_89], %swap3A_92 {strides = array<i32>} : memref<128xi32, #tpu.memory_space<vmem>>, vector<16xi32>,
      %get3A_93 = arith.constant 96 : index
      %get3A_94 = tpu.vector_load %arg8[%get3A_93] {strides = array<i32>} : memref<128xi32, #tpu.memory_space<vmem>>, vector<16xi32>,
      %get3A_95 = vector.shape_cast %get3A_94 : vector<16xi32> to vector<16xi32>
      %add3A_96 = vector.broadcast %mul3A_0 : i32 to vector<16xi32>
      %add3A_97 = arith.addi %get3A_95, %add3A_96 : vector<16xi32>
      %swap3A_98 = arith.constant 96 : index
      %swap3A_99 = tpu.vector_load %arg9[%swap3A_98] {strides = array<i32>} : memref<128xi32, #tpu.memory_space<vmem>>, vector<16xi32>,
      %swap3A_100 = vector.shape_cast %swap3A_99 : vector<16xi32> to vector<16xi32>
      %swap3A_101 = vector.shape_cast %add3A_97 : vector<16xi32> to vector<16xi32>
      tpu.vector_store %arg9[%swap3A_98], %swap3A_101 {strides = array<i32>} : memref<128xi32, #tpu.memory_space<vmem>>, vector<16xi32>,
      %get3A_102 = arith.constant 112 : index
      %get3A_103 = tpu.vector_load %arg8[%get3A_102] {strides = array<i32>} : memref<128xi32, #tpu.memory_space<vmem>>, vector<16xi32>,
      %get3A_104 = vector.shape_cast %get3A_103 : vector<16xi32> to vector<16xi32>
      %add3A_105 = vector.broadcast %mul3A_0 : i32 to vector<16xi32>
      %add3A_106 = arith.addi %get3A_104, %add3A_105 : vector<16xi32>
      %swap3A_107 = arith.constant 112 : index
      %swap3A_108 = tpu.vector_load %arg9[%swap3A_107] {strides = array<i32>} : memref<128xi32, #tpu.memory_space<vmem>>, vector<16xi32>,
      %swap3A_109 = vector.shape_cast %swap3A_108 : vector<16xi32> to vector<16xi32>
      %swap3A_110 = vector.shape_cast %add3A_106 : vector<16xi32> to vector<16xi32>
      tpu.vector_store %arg9[%swap3A_107], %swap3A_110 {strides = array<i32>} : memref<128xi32, #tpu.memory_space<vmem>>, vector<16xi32>,
      %dma_start3A = arith.constant 0 : i32
      %dma_start3A_111 = arith.constant 0 : i32
      %dma_start3A_112 = tpu.memref_slice %arg2[%dma_start3A, %dma_start3A_111] : memref<20000x128xf32, #tpu.memory_space<hbm>> -> memref<20000x128xf32, #tpu.memory_space<hbm>>
      tpu.enqueue_indirect_dma source(%dma_start3A_112 : memref<20000x128xf32, #tpu.memory_space<hbm>>) target(%arg11 : memref<128x128xf32, #tpu.memory_space<vmem>>) offsets(%arg9 : memref<128xi32, #tpu.memory_space<vmem>>) semaphore(%arg12 : memref<!tpu.dma_semaphore, #tpu.memory_space<semaphore_mem>>)
      %dma_wait3A = arith.constant 0 : i32
      %dma_wait3A_113 = arith.constant 0 : i32
      %dma_wait3A_114 = tpu.memref_slice %arg2[%dma_wait3A, %dma_wait3A_113] : memref<20000x128xf32, #tpu.memory_space<hbm>> -> memref<20000x128xf32, #tpu.memory_space<hbm>>
      tpu.wait_indirect_dma semaphore(%arg12 : memref<!tpu.dma_semaphore, #tpu.memory_space<semaphore_mem>>) src(%dma_wait3A_114 : memref<20000x128xf32, #tpu.memory_space<hbm>>) dst(%arg11 : memref<128x128xf32, #tpu.memory_space<vmem>>)
      "tpu.region"() ({
        %run_scoped3A = tpu.sem_alloc : memref<!tpu.dma_semaphore, #tpu.memory_space<semaphore_mem>>
        %dma_start3A_115 = arith.constant 0 : i32
        %dma_start3A_116 = arith.constant 0 : i32
        %dma_start3A_117 = tpu.memref_slice %arg7[%dma_start3A_115, %dma_start3A_116] : memref<10000x128xf32, #tpu.memory_space<vmem_shared>> -> memref<10000x128xf32, #tpu.memory_space<vmem_shared>>
        tpu.enqueue_indirect_dma source(%arg11 : memref<128x128xf32, #tpu.memory_space<vmem>>) target(%dma_start3A_117 : memref<10000x128xf32, #tpu.memory_space<vmem_shared>>) offsets(%arg10 : memref<128xi32, #tpu.memory_space<vmem>>) semaphore(%run_scoped3A : memref<!tpu.dma_semaphore, #tpu.memory_space<semaphore_mem>>) {add = true}
        %dma_wait3A_118 = arith.constant 0 : i32
        %dma_wait3A_119 = arith.constant 0 : i32
        %dma_wait3A_120 = tpu.memref_slice %arg7[%dma_wait3A_118, %dma_wait3A_119] : memref<10000x128xf32, #tpu.memory_space<vmem_shared>> -> memref<10000x128xf32, #tpu.memory_space<vmem_shared>>
        tpu.wait_indirect_dma semaphore(%run_scoped3A : memref<!tpu.dma_semaphore, #tpu.memory_space<semaphore_mem>>) src(%arg11 : memref<128x128xf32, #tpu.memory_space<vmem>>) dst(%dma_wait3A_120 : memref<10000x128xf32, #tpu.memory_space<vmem_shared>>)
        tpu.yield
      }) : () -> ()
    }
    %barrier3A_25 = arith.constant 0 : index
    tpu.barrier barrier_id(%barrier3A_25)
    %while3A_26 = arith.constant 0 : i32
    %while3A_27 = arith.subi %add3A_2, %while3A_26 : i32
    %while3A_28 = arith.addi %while3A_26, %while3A_27 : i32
    %while3A_29 = arith.constant 1 : i32
    %while3A_30 = arith.divsi %while3A_27, %while3A_29 : i32
    %while3A_31 = arith.muli %while3A_30, %while3A_29 : i32
    %while3A_32 = arith.addi %while3A_26, %while3A_31 : i32
    %while3A_33 = arith.constant 1 : i32
    scf.for %while3A_35 = %while3A_26 to %while3A_32 step %while3A_33  : i32 {
      %mul3A_36 = arith.constant 16 : i32
      %mul3A_37 = arith.muli %while3A_35, %mul3A_36 : i32
      %add3A_38 = arith.addi %arg1, %mul3A_37 : i32
      %mul3A_39 = arith.constant 400 : i32
      %mul3A_40 = arith.muli %add3A_38, %mul3A_39 : i32
      %mul3A_41 = arith.constant 10000 : i32
      %mul3A_42 = arith.muli %arg0, %mul3A_41 : i32
      %mul3A_43 = arith.constant 400 : i32
      %mul3A_44 = arith.muli %add3A_38, %mul3A_43 : i32
      %add3A_45 = arith.addi %mul3A_42, %mul3A_44 : i32
      "tpu.region"() ({
        %run_scoped3A = tpu.sem_alloc : memref<!tpu.dma_semaphore, #tpu.memory_space<semaphore_mem>>
        %dma_start3A = arith.constant 0 : i32
        %dma_start3A_46 = tpu.memref_slice %arg6[%add3A_45, %dma_start3A] : memref<20000x128xf32, #tpu.memory_space<hbm>> -> memref<400x128xf32, #tpu.memory_space<hbm>>
        %dma_start3A_47 = arith.constant 0 : i32
        %dma_start3A_48 = tpu.memref_slice %arg7[%mul3A_40, %dma_start3A_47] : memref<10000x128xf32, #tpu.memory_space<vmem_shared>> -> memref<400x128xf32, #tpu.memory_space<vmem_shared>>
        tpu.enqueue_dma source(%dma_start3A_48 : memref<400x128xf32, #tpu.memory_space<vmem_shared>>) target(%dma_start3A_46 : memref<400x128xf32, #tpu.memory_space<hbm>>) target_semaphore(%run_scoped3A : memref<!tpu.dma_semaphore, #tpu.memory_space<semaphore_mem>>)
        %dma_wait3A = arith.constant 0 : i32
        %dma_wait3A_49 = tpu.memref_slice %arg6[%add3A_45, %dma_wait3A] : memref<20000x128xf32, #tpu.memory_space<hbm>> -> memref<400x128xf32, #tpu.memory_space<hbm>>
        %dma_wait3A_50 = arith.constant 0 : i32
        %dma_wait3A_51 = tpu.memref_slice %arg7[%mul3A_40, %dma_wait3A_50] : memref<10000x128xf32, #tpu.memory_space<vmem_shared>> -> memref<400x128xf32, #tpu.memory_space<vmem_shared>>
        tpu.wait_dma2 semaphore(%run_scoped3A : memref<!tpu.dma_semaphore, #tpu.memory_space<semaphore_mem>>) src(%dma_wait3A_51 : memref<400x128xf32, #tpu.memory_space<vmem_shared>>) dst(%dma_wait3A_49 : memref<400x128xf32, #tpu.memory_space<hbm>>)
        tpu.yield
      }) : () -> ()
    }
    %while3A_34 = arith.constant 1 : i32
    scf.for %while3A_35 = %while3A_32 to %while3A_28 step %while3A_34  : i32 {
      %mul3A_36 = arith.constant 16 : i32
      %mul3A_37 = arith.muli %while3A_35, %mul3A_36 : i32
      %add3A_38 = arith.addi %arg1, %mul3A_37 : i32
      %mul3A_39 = arith.constant 400 : i32
      %mul3A_40 = arith.muli %add3A_38, %mul3A_39 : i32
      %mul3A_41 = arith.constant 10000 : i32
      %mul3A_42 = arith.muli %arg0, %mul3A_41 : i32
      %mul3A_43 = arith.constant 400 : i32
      %mul3A_44 = arith.muli %add3A_38, %mul3A_43 : i32
      %add3A_45 = arith.addi %mul3A_42, %mul3A_44 : i32
      "tpu.region"() ({
        %run_scoped3A = tpu.sem_alloc : memref<!tpu.dma_semaphore, #tpu.memory_space<semaphore_mem>>
        %dma_start3A = arith.constant 0 : i32
        %dma_start3A_46 = tpu.memref_slice %arg6[%add3A_45, %dma_start3A] : memref<20000x128xf32, #tpu.memory_space<hbm>> -> memref<400x128xf32, #tpu.memory_space<hbm>>
        %dma_start3A_47 = arith.constant 0 : i32
        %dma_start3A_48 = tpu.memref_slice %arg7[%mul3A_40, %dma_start3A_47] : memref<10000x128xf32, #tpu.memory_space<vmem_shared>> -> memref<400x128xf32, #tpu.memory_space<vmem_shared>>
        tpu.enqueue_dma source(%dma_start3A_48 : memref<400x128xf32, #tpu.memory_space<vmem_shared>>) target(%dma_start3A_46 : memref<400x128xf32, #tpu.memory_space<hbm>>) target_semaphore(%run_scoped3A : memref<!tpu.dma_semaphore, #tpu.memory_space<semaphore_mem>>)
        %dma_wait3A = arith.constant 0 : i32
        %dma_wait3A_49 = tpu.memref_slice %arg6[%add3A_45, %dma_wait3A] : memref<20000x128xf32, #tpu.memory_space<hbm>> -> memref<400x128xf32, #tpu.memory_space<hbm>>
        %dma_wait3A_50 = arith.constant 0 : i32
        %dma_wait3A_51 = tpu.memref_slice %arg7[%mul3A_40, %dma_wait3A_50] : memref<10000x128xf32, #tpu.memory_space<vmem_shared>> -> memref<400x128xf32, #tpu.memory_space<vmem_shared>>
        tpu.wait_dma2 semaphore(%run_scoped3A : memref<!tpu.dma_semaphore, #tpu.memory_space<semaphore_mem>>) src(%dma_wait3A_51 : memref<400x128xf32, #tpu.memory_space<vmem_shared>>) dst(%dma_wait3A_49 : memref<400x128xf32, #tpu.memory_space<hbm>>)
        tpu.yield
      }) : () -> ()
    }
    return
  }
}

module attributes {stable_mosaic.version = 14 : i64} {
  func.func @_mm1_body(%arg0: i32, %arg1: memref<1000x256xf32, #tpu.memory_space<vmem>>, %arg2: memref<256x256xf32, #tpu.memory_space<vmem>>, %arg3: memref<2x1000x128xf32, #tpu.memory_space<vmem>>, %arg4: memref<2x1000x128xf32, #tpu.memory_space<vmem>>, %arg5: memref<1000x1xf32, #tpu.memory_space<vmem>>) attributes {dimension_semantics = [#tpu.dimension_semantics<arbitrary>], iteration_bounds = array<i64: 10>, scalar_prefetch = 0 : i64, scratch_operands = 0 : i64, tpu.core_type = #tpu.core_type<tc>, window_params = [{transform_indices = @transform_0, window_bounds = array<i64: 1000, 256>}, {pipeline_mode = #tpu.pipeline_mode<synchronous>, transform_indices = @transform_1, window_bounds = array<i64: 256, 256>}, {transform_indices = @transform_2, window_bounds = array<i64: 2, 1000, 128>}, {transform_indices = @transform_3, window_bounds = array<i64: 2, 1000, 128>}, {transform_indices = @transform_4, window_bounds = array<i64: 1000, 1>}]} {
    %get3A = arith.constant 0 : index
    %get3A_0 = arith.constant 0 : index
    %get3A_1 = arith.constant 0 : index
    %get3A_2 = vector.load %arg3[%get3A, %get3A_0, %get3A_1] : memref<2x1000x128xf32, #tpu.memory_space<vmem>>, vector<1x1000x1xf32>
    %get3A_3 = vector.shape_cast %get3A_2 : vector<1x1000x1xf32> to vector<1000x1xf32>
    %get3A_4 = arith.constant 1 : index
    %get3A_5 = arith.constant 0 : index
    %get3A_6 = arith.constant 0 : index
    %get3A_7 = vector.load %arg3[%get3A_4, %get3A_5, %get3A_6] : memref<2x1000x128xf32, #tpu.memory_space<vmem>>, vector<1x1000x1xf32>
    %get3A_8 = vector.shape_cast %get3A_7 : vector<1x1000x1xf32> to vector<1000x1xf32>
    %add3A = arith.addf %get3A_3, %get3A_8 : vector<1000x1xf32>
    %add3A_9 = arith.constant 1.000000e+00 : f32
    %add3A_10 = vector.broadcast %add3A_9 : f32 to vector<1000x1xf32>
    %add3A_11 = arith.addf %add3A, %add3A_10 : vector<1000x1xf32>
    %rsqrt3A = math.rsqrt %add3A_11 : vector<1000x1xf32>
    %swap3A = arith.constant 0 : index
    %swap3A_12 = arith.constant 0 : index
    %swap3A_13 = vector.load %arg5[%swap3A, %swap3A_12] : memref<1000x1xf32, #tpu.memory_space<vmem>>, vector<1000x1xf32>
    tpu.vector_store %arg5[%swap3A, %swap3A_12], %rsqrt3A {strides = array<i32>} : memref<1000x1xf32, #tpu.memory_space<vmem>>, vector<1000x1xf32>,
    %get3A_14 = arith.constant 0 : index
    %get3A_15 = arith.constant 0 : index
    %get3A_16 = vector.load %arg1[%get3A_14, %get3A_15] : memref<1000x256xf32, #tpu.memory_space<vmem>>, vector<1000x256xf32>
    %get3A_17 = arith.constant 0 : index
    %get3A_18 = arith.constant 0 : index
    %get3A_19 = vector.load %arg2[%get3A_17, %get3A_18] : memref<256x256xf32, #tpu.memory_space<vmem>>, vector<256x256xf32>
    %dot_general3A = arith.constant dense<0.000000e+00> : vector<1000x256xf32>
    %dot_general3A_20 = tpu.matmul %get3A_16, %get3A_19, %dot_general3A {dimension_numbers = #tpu.dot_dimension_numbers<[1], [0], [0], [1], [0, 0, 1, 1], [], []>, transpose_lhs_hint = false} : vector<1000x256xf32>, vector<256x256xf32>, vector<1000x256xf32> -> vector<1000x256xf32>
    %mul3A = vector.broadcast %rsqrt3A : vector<1000x1xf32> to vector<1000x256xf32>
    %mul3A_21 = arith.mulf %dot_general3A_20, %mul3A : vector<1000x256xf32>
    %slice3A = vector.extract_strided_slice %mul3A_21 {offsets = [0, 0], sizes = [1000, 128], strides = [1, 1]} : vector<1000x256xf32> to vector<1000x128xf32>
    %swap3A_22 = arith.constant 0 : index
    %swap3A_23 = arith.constant 0 : index
    %swap3A_24 = arith.constant 0 : index
    %swap3A_25 = vector.load %arg4[%swap3A_22, %swap3A_23, %swap3A_24] : memref<2x1000x128xf32, #tpu.memory_space<vmem>>, vector<1x1000x128xf32>
    %swap3A_26 = vector.shape_cast %swap3A_25 : vector<1x1000x128xf32> to vector<1000x128xf32>
    %swap3A_27 = vector.shape_cast %slice3A : vector<1000x128xf32> to vector<1x1000x128xf32>
    tpu.vector_store %arg4[%swap3A_22, %swap3A_23, %swap3A_24], %swap3A_27 {strides = array<i32>} : memref<2x1000x128xf32, #tpu.memory_space<vmem>>, vector<1x1000x128xf32>,
    %slice3A_28 = vector.extract_strided_slice %mul3A_21 {offsets = [0, 128], sizes = [1000, 128], strides = [1, 1]} : vector<1000x256xf32> to vector<1000x128xf32>
    %swap3A_29 = arith.constant 1 : index
    %swap3A_30 = arith.constant 0 : index
    %swap3A_31 = arith.constant 0 : index
    %swap3A_32 = vector.load %arg4[%swap3A_29, %swap3A_30, %swap3A_31] : memref<2x1000x128xf32, #tpu.memory_space<vmem>>, vector<1x1000x128xf32>
    %swap3A_33 = vector.shape_cast %swap3A_32 : vector<1x1000x128xf32> to vector<1000x128xf32>
    %swap3A_34 = vector.shape_cast %slice3A_28 : vector<1000x128xf32> to vector<1x1000x128xf32>
    tpu.vector_store %arg4[%swap3A_29, %swap3A_30, %swap3A_31], %swap3A_34 {strides = array<i32>} : memref<2x1000x128xf32, #tpu.memory_space<vmem>>, vector<1x1000x128xf32>,
    return
  }
  func.func @transform_0(%arg0: i32) -> (i32, i32) {
    %c0_i32 = arith.constant 0 : i32
    %c0_i32_0 = arith.constant 0 : i32
    return %arg0, %c0_i32 : i32, i32
  }
  func.func @transform_1(%arg0: i32) -> (i32, i32) {
    %c0_i32 = arith.constant 0 : i32
    %c0_i32_0 = arith.constant 0 : i32
    %c0_i32_1 = arith.constant 0 : i32
    return %c0_i32, %c0_i32_0 : i32, i32
  }
  func.func @transform_2(%arg0: i32) -> (i32, i32, i32) {
    %c0_i32 = arith.constant 0 : i32
    %c0_i32_0 = arith.constant 0 : i32
    %c0_i32_1 = arith.constant 0 : i32
    return %c0_i32, %arg0, %c0_i32_0 : i32, i32, i32
  }
  func.func @transform_3(%arg0: i32) -> (i32, i32, i32) {
    %c0_i32 = arith.constant 0 : i32
    %c0_i32_0 = arith.constant 0 : i32
    %c0_i32_1 = arith.constant 0 : i32
    return %c0_i32, %arg0, %c0_i32_0 : i32, i32, i32
  }
  func.func @transform_4(%arg0: i32) -> (i32, i32) {
    %c0_i32 = arith.constant 0 : i32
    %c0_i32_0 = arith.constant 0 : i32
    return %arg0, %c0_i32 : i32, i32
  }
}

module attributes {stable_mosaic.version = 14 : i64} {
  func.func @_mm_mid_body(%arg0: i32, %arg1: memref<2x1000x128xf32, #tpu.memory_space<vmem>>, %arg2: memref<2x1000x128xf32, #tpu.memory_space<vmem>>, %arg3: memref<1000x1xf32, #tpu.memory_space<vmem>>, %arg4: memref<1x256xf32, #tpu.memory_space<vmem>>, %arg5: memref<256x256xf32, #tpu.memory_space<vmem>>, %arg6: memref<2x1000x128xf32, #tpu.memory_space<vmem>>) attributes {dimension_semantics = [#tpu.dimension_semantics<arbitrary>], iteration_bounds = array<i64: 10>, scalar_prefetch = 0 : i64, scratch_operands = 0 : i64, tpu.core_type = #tpu.core_type<tc>, window_params = [{transform_indices = @transform_0, window_bounds = array<i64: 2, 1000, 128>}, {transform_indices = @transform_1, window_bounds = array<i64: 2, 1000, 128>}, {transform_indices = @transform_2, window_bounds = array<i64: 1000, 1>}, {pipeline_mode = #tpu.pipeline_mode<synchronous>, transform_indices = @transform_3, window_bounds = array<i64: 1, 256>}, {pipeline_mode = #tpu.pipeline_mode<synchronous>, transform_indices = @transform_4, window_bounds = array<i64: 256, 256>}, {transform_indices = @transform_5, window_bounds = array<i64: 2, 1000, 128>}]} {
    %get3A = arith.constant 0 : index
    %get3A_0 = arith.constant 0 : index
    %get3A_1 = vector.load %arg3[%get3A, %get3A_0] : memref<1000x1xf32, #tpu.memory_space<vmem>>, vector<1000x1xf32>
    %get3A_2 = arith.constant 0 : index
    %get3A_3 = arith.constant 0 : index
    %get3A_4 = arith.constant 0 : index
    %get3A_5 = vector.load %arg1[%get3A_2, %get3A_3, %get3A_4] : memref<2x1000x128xf32, #tpu.memory_space<vmem>>, vector<1x1000x128xf32>
    %get3A_6 = vector.shape_cast %get3A_5 : vector<1x1000x128xf32> to vector<1000x128xf32>
    %get3A_7 = arith.constant 0 : index
    %get3A_8 = arith.constant 0 : index
    %get3A_9 = arith.constant 0 : index
    %get3A_10 = vector.load %arg2[%get3A_7, %get3A_8, %get3A_9] : memref<2x1000x128xf32, #tpu.memory_space<vmem>>, vector<1x1000x128xf32>
    %get3A_11 = vector.shape_cast %get3A_10 : vector<1x1000x128xf32> to vector<1000x128xf32>
    %add3A = arith.addf %get3A_6, %get3A_11 : vector<1000x128xf32>
    %get3A_12 = arith.constant 1 : index
    %get3A_13 = arith.constant 0 : index
    %get3A_14 = arith.constant 0 : index
    %get3A_15 = vector.load %arg1[%get3A_12, %get3A_13, %get3A_14] : memref<2x1000x128xf32, #tpu.memory_space<vmem>>, vector<1x1000x128xf32>
    %get3A_16 = vector.shape_cast %get3A_15 : vector<1x1000x128xf32> to vector<1000x128xf32>
    %get3A_17 = arith.constant 1 : index
    %get3A_18 = arith.constant 0 : index
    %get3A_19 = arith.constant 0 : index
    %get3A_20 = vector.load %arg2[%get3A_17, %get3A_18, %get3A_19] : memref<2x1000x128xf32, #tpu.memory_space<vmem>>, vector<1x1000x128xf32>
    %get3A_21 = vector.shape_cast %get3A_20 : vector<1x1000x128xf32> to vector<1000x128xf32>
    %add3A_22 = arith.addf %get3A_16, %get3A_21 : vector<1000x128xf32>
    %concatenate3A = tpu.concatenate %add3A, %add3A_22 in 1 : vector<1000x128xf32>, vector<1000x128xf32> -> vector<1000x256xf32>
    %mul3A = vector.broadcast %get3A_1 : vector<1000x1xf32> to vector<1000x256xf32>
    %mul3A_23 = arith.mulf %mul3A, %concatenate3A : vector<1000x256xf32>
    %get3A_24 = arith.constant 0 : index
    %get3A_25 = arith.constant 0 : index
    %get3A_26 = vector.load %arg4[%get3A_24, %get3A_25] : memref<1x256xf32, #tpu.memory_space<vmem>>, vector<1x256xf32>
    %add3A_27 = vector.broadcast %get3A_26 : vector<1x256xf32> to vector<1000x256xf32>
    %add3A_28 = arith.addf %mul3A_23, %add3A_27 : vector<1000x256xf32>
    %max3A = arith.constant 0.000000e+00 : f32
    %max3A_29 = vector.broadcast %max3A : f32 to vector<1000x256xf32>
    %max3A_30 = arith.maximumf %add3A_28, %max3A_29 : vector<1000x256xf32>
    %get3A_31 = arith.constant 0 : index
    %get3A_32 = arith.constant 0 : index
    %get3A_33 = vector.load %arg5[%get3A_31, %get3A_32] : memref<256x256xf32, #tpu.memory_space<vmem>>, vector<256x256xf32>
    %dot_general3A = arith.constant dense<0.000000e+00> : vector<1000x256xf32>
    %dot_general3A_34 = tpu.matmul %max3A_30, %get3A_33, %dot_general3A {dimension_numbers = #tpu.dot_dimension_numbers<[1], [0], [0], [1], [0, 0, 1, 1], [], []>, transpose_lhs_hint = false} : vector<1000x256xf32>, vector<256x256xf32>, vector<1000x256xf32> -> vector<1000x256xf32>
    %mul3A_35 = vector.broadcast %get3A_1 : vector<1000x1xf32> to vector<1000x256xf32>
    %mul3A_36 = arith.mulf %dot_general3A_34, %mul3A_35 : vector<1000x256xf32>
    %slice3A = vector.extract_strided_slice %mul3A_36 {offsets = [0, 0], sizes = [1000, 128], strides = [1, 1]} : vector<1000x256xf32> to vector<1000x128xf32>
    %swap3A = arith.constant 0 : index
    %swap3A_37 = arith.constant 0 : index
    %swap3A_38 = arith.constant 0 : index
    %swap3A_39 = vector.load %arg6[%swap3A, %swap3A_37, %swap3A_38] : memref<2x1000x128xf32, #tpu.memory_space<vmem>>, vector<1x1000x128xf32>
    %swap3A_40 = vector.shape_cast %swap3A_39 : vector<1x1000x128xf32> to vector<1000x128xf32>
    %swap3A_41 = vector.shape_cast %slice3A : vector<1000x128xf32> to vector<1x1000x128xf32>
    tpu.vector_store %arg6[%swap3A, %swap3A_37, %swap3A_38], %swap3A_41 {strides = array<i32>} : memref<2x1000x128xf32, #tpu.memory_space<vmem>>, vector<1x1000x128xf32>,
    %slice3A_42 = vector.extract_strided_slice %mul3A_36 {offsets = [0, 128], sizes = [1000, 128], strides = [1, 1]} : vector<1000x256xf32> to vector<1000x128xf32>
    %swap3A_43 = arith.constant 1 : index
    %swap3A_44 = arith.constant 0 : index
    %swap3A_45 = arith.constant 0 : index
    %swap3A_46 = vector.load %arg6[%swap3A_43, %swap3A_44, %swap3A_45] : memref<2x1000x128xf32, #tpu.memory_space<vmem>>, vector<1x1000x128xf32>
    %swap3A_47 = vector.shape_cast %swap3A_46 : vector<1x1000x128xf32> to vector<1000x128xf32>
    %swap3A_48 = vector.shape_cast %slice3A_42 : vector<1000x128xf32> to vector<1x1000x128xf32>
    tpu.vector_store %arg6[%swap3A_43, %swap3A_44, %swap3A_45], %swap3A_48 {strides = array<i32>} : memref<2x1000x128xf32, #tpu.memory_space<vmem>>, vector<1x1000x128xf32>,
    return
  }
  func.func @transform_0(%arg0: i32) -> (i32, i32, i32) {
    %c0_i32 = arith.constant 0 : i32
    %c0_i32_0 = arith.constant 0 : i32
    %c0_i32_1 = arith.constant 0 : i32
    return %c0_i32, %arg0, %c0_i32_0 : i32, i32, i32
  }
  func.func @transform_1(%arg0: i32) -> (i32, i32, i32) {
    %c0_i32 = arith.constant 0 : i32
    %c0_i32_0 = arith.constant 0 : i32
    %c0_i32_1 = arith.constant 0 : i32
    return %c0_i32, %arg0, %c0_i32_0 : i32, i32, i32
  }
  func.func @transform_2(%arg0: i32) -> (i32, i32) {
    %c0_i32 = arith.constant 0 : i32
    %c0_i32_0 = arith.constant 0 : i32
    return %arg0, %c0_i32 : i32, i32
  }
  func.func @transform_3(%arg0: i32) -> (i32, i32) {
    %c0_i32 = arith.constant 0 : i32
    %c0_i32_0 = arith.constant 0 : i32
    %c0_i32_1 = arith.constant 0 : i32
    return %c0_i32, %c0_i32_0 : i32, i32
  }
  func.func @transform_4(%arg0: i32) -> (i32, i32) {
    %c0_i32 = arith.constant 0 : i32
    %c0_i32_0 = arith.constant 0 : i32
    %c0_i32_1 = arith.constant 0 : i32
    return %c0_i32, %c0_i32_0 : i32, i32
  }
  func.func @transform_5(%arg0: i32) -> (i32, i32, i32) {
    %c0_i32 = arith.constant 0 : i32
    %c0_i32_0 = arith.constant 0 : i32
    %c0_i32_1 = arith.constant 0 : i32
    return %c0_i32, %arg0, %c0_i32_0 : i32, i32, i32
  }
}

module attributes {stable_mosaic.version = 14 : i64} {
  func.func @_final_body(%arg0: i32, %arg1: memref<2x1000x128xf32, #tpu.memory_space<vmem>>, %arg2: memref<2x1000x128xf32, #tpu.memory_space<vmem>>, %arg3: memref<1000x1xf32, #tpu.memory_space<vmem>>, %arg4: memref<1x256xf32, #tpu.memory_space<vmem>>, %arg5: memref<1000x256xf32, #tpu.memory_space<vmem>>) attributes {dimension_semantics = [#tpu.dimension_semantics<arbitrary>], iteration_bounds = array<i64: 10>, scalar_prefetch = 0 : i64, scratch_operands = 0 : i64, tpu.core_type = #tpu.core_type<tc>, window_params = [{transform_indices = @transform_0, window_bounds = array<i64: 2, 1000, 128>}, {transform_indices = @transform_1, window_bounds = array<i64: 2, 1000, 128>}, {transform_indices = @transform_2, window_bounds = array<i64: 1000, 1>}, {pipeline_mode = #tpu.pipeline_mode<synchronous>, transform_indices = @transform_3, window_bounds = array<i64: 1, 256>}, {transform_indices = @transform_4, window_bounds = array<i64: 1000, 256>}]} {
    %get3A = arith.constant 0 : index
    %get3A_0 = arith.constant 0 : index
    %get3A_1 = vector.load %arg3[%get3A, %get3A_0] : memref<1000x1xf32, #tpu.memory_space<vmem>>, vector<1000x1xf32>
    %get3A_2 = arith.constant 0 : index
    %get3A_3 = arith.constant 0 : index
    %get3A_4 = arith.constant 0 : index
    %get3A_5 = vector.load %arg1[%get3A_2, %get3A_3, %get3A_4] : memref<2x1000x128xf32, #tpu.memory_space<vmem>>, vector<1x1000x128xf32>
    %get3A_6 = vector.shape_cast %get3A_5 : vector<1x1000x128xf32> to vector<1000x128xf32>
    %get3A_7 = arith.constant 0 : index
    %get3A_8 = arith.constant 0 : index
    %get3A_9 = arith.constant 0 : index
    %get3A_10 = vector.load %arg2[%get3A_7, %get3A_8, %get3A_9] : memref<2x1000x128xf32, #tpu.memory_space<vmem>>, vector<1x1000x128xf32>
    %get3A_11 = vector.shape_cast %get3A_10 : vector<1x1000x128xf32> to vector<1000x128xf32>
    %add3A = arith.addf %get3A_6, %get3A_11 : vector<1000x128xf32>
    %get3A_12 = arith.constant 1 : index
    %get3A_13 = arith.constant 0 : index
    %get3A_14 = arith.constant 0 : index
    %get3A_15 = vector.load %arg1[%get3A_12, %get3A_13, %get3A_14] : memref<2x1000x128xf32, #tpu.memory_space<vmem>>, vector<1x1000x128xf32>
    %get3A_16 = vector.shape_cast %get3A_15 : vector<1x1000x128xf32> to vector<1000x128xf32>
    %get3A_17 = arith.constant 1 : index
    %get3A_18 = arith.constant 0 : index
    %get3A_19 = arith.constant 0 : index
    %get3A_20 = vector.load %arg2[%get3A_17, %get3A_18, %get3A_19] : memref<2x1000x128xf32, #tpu.memory_space<vmem>>, vector<1x1000x128xf32>
    %get3A_21 = vector.shape_cast %get3A_20 : vector<1x1000x128xf32> to vector<1000x128xf32>
    %add3A_22 = arith.addf %get3A_16, %get3A_21 : vector<1000x128xf32>
    %concatenate3A = tpu.concatenate %add3A, %add3A_22 in 1 : vector<1000x128xf32>, vector<1000x128xf32> -> vector<1000x256xf32>
    %mul3A = vector.broadcast %get3A_1 : vector<1000x1xf32> to vector<1000x256xf32>
    %mul3A_23 = arith.mulf %mul3A, %concatenate3A : vector<1000x256xf32>
    %get3A_24 = arith.constant 0 : index
    %get3A_25 = arith.constant 0 : index
    %get3A_26 = vector.load %arg4[%get3A_24, %get3A_25] : memref<1x256xf32, #tpu.memory_space<vmem>>, vector<1x256xf32>
    %add3A_27 = vector.broadcast %get3A_26 : vector<1x256xf32> to vector<1000x256xf32>
    %add3A_28 = arith.addf %mul3A_23, %add3A_27 : vector<1000x256xf32>
    %swap3A = arith.constant 0 : index
    %swap3A_29 = arith.constant 0 : index
    %swap3A_30 = vector.load %arg5[%swap3A, %swap3A_29] : memref<1000x256xf32, #tpu.memory_space<vmem>>, vector<1000x256xf32>
    tpu.vector_store %arg5[%swap3A, %swap3A_29], %add3A_28 {strides = array<i32>} : memref<1000x256xf32, #tpu.memory_space<vmem>>, vector<1000x256xf32>,
    return
  }
  func.func @transform_0(%arg0: i32) -> (i32, i32, i32) {
    %c0_i32 = arith.constant 0 : i32
    %c0_i32_0 = arith.constant 0 : i32
    %c0_i32_1 = arith.constant 0 : i32
    return %c0_i32, %arg0, %c0_i32_0 : i32, i32, i32
  }
  func.func @transform_1(%arg0: i32) -> (i32, i32, i32) {
    %c0_i32 = arith.constant 0 : i32
    %c0_i32_0 = arith.constant 0 : i32
    %c0_i32_1 = arith.constant 0 : i32
    return %c0_i32, %arg0, %c0_i32_0 : i32, i32, i32
  }
  func.func @transform_2(%arg0: i32) -> (i32, i32) {
    %c0_i32 = arith.constant 0 : i32
    %c0_i32_0 = arith.constant 0 : i32
    return %arg0, %c0_i32 : i32, i32
  }
  func.func @transform_3(%arg0: i32) -> (i32, i32) {
    %c0_i32 = arith.constant 0 : i32
    %c0_i32_0 = arith.constant 0 : i32
    %c0_i32_1 = arith.constant 0 : i32
    return %c0_i32, %c0_i32_0 : i32, i32
  }
  func.func @transform_4(%arg0: i32) -> (i32, i32) {
    %c0_i32 = arith.constant 0 : i32
    %c0_i32_0 = arith.constant 0 : i32
    return %arg0, %c0_i32 : i32, i32
  }
}

</mosaic_0001>

<sc_bundles>
// kernel: kernel.10.cloned.1.call-start
scs
__scs_entry_jumppad:
0x0: {  	(pc) =	sbr.rel $0x88, $3  }
0x1: {  	(tag) =	ssettag $0x0;
	lr =	simm.s32 $0x1  }
0x2: {  	[smem:$0x3F99] =	sst lr;
	_ =	strace $0xD0000000  }
0x3: {  	_ = 	snop  }
0x4: {  	_ = 	snop  }
0x5: {  	_ = 	snop  }
0x6: {  	_ = 	snop  }
0x7: {  	_ = 	snop  }
__scs_overlays_trampoline_lowered:
0x8: {  	[smem:$0x3FA8] =	sst s0  }
0x9: {  	[smem:$0x3FA9] =	sst s1  }
0xa: {  	[smem:$0x3FAA] =	sst s2  }
0xb: {  	[smem:$0x3FAB] =	sst s3  }
0xc: {  	[smem:$0x3FAC] =	sst s4  }
0xd: {  	[smem:$0x3FAD] =	sst s5  }
0xe: {  	[smem:$0x3FAE] =	sst s6  }
0xf: {  	[smem:$0x3FAF] =	sst s7  }
0x10: {  	[smem:$0x3FB0] =	sst s8  }
0x11: {  	[smem:$0x3FB1] =	sst s9;
	s0 =	simm.s32 @!p0 $0x0  }
0x12: {  	s1 =	sld [smem:$0x3F97];
	s0 =	simm.s32 @p0 $0x1  }
0x13: {  	[smem:$0x3FB2] =	sst s0;
	s0 =	simm.s32 @!p1 $0x0  }
0x14: {  	s2 =	sld [smem:$0x3F96];
	s0 =	simm.s32 @p1 $0x1  }
0x15: {  	[smem:$0x3FB3] =	sst s0;
	s0 =	simm.s32 @!p2 $0x0  }
0x16: {  	s3 =	sld [smem:$0x3FDB];
	s0 =	simm.s32 @p2 $0x1  }
0x17: {  	s4 =	simm.s32 $0x1BF5;
	[smem:$0x3FB5] =	sst s0  }
0x18: {  	s0 =	sld [smem:$0x3F98];
	_ =	swait.ge [sflag:s4], $0x0  }
0x19: {  	s7 =	sld [smem:$0x3F99]  }
0x1a: {  	s8 =	sadd.s32 $0xFFFFE003, lr  }
0x1b: {  	s9 =	sadd.s32 $0xFFFFFEF7, lr;
	s5 =	simm.s32 $0xFFFFFFFF;
	p2 =	slt.u32 s8, $0xFFFFF086  }
0x1c: {  	p1 =	slt.u32 s9, $0xF7A;
	s5 =	simm.s32 @!p2 $0x0  }
0x1d: {  	s5 =	simm.s32 @p1 $0x1;
	p0 =	seq.s32 s7, s2  }
0x1e: {  	s7 =	smul.u32 @!p0 $0xF7A, s2;
	p2 =	seq.s32 @!p0 s5, $0x0  }
0x1f: {  	s9 =	smul.u32 $0xF7A, s1;
	s8 =	simm.s32 @!p0 $0x1BF5;
	p2 =	por !p2, p0  }
0x20: {  	[sflag:s8] =	ssyncset.s32 @!p0 $0xFFFFF086;
	s6 =	sadd.s32 @!p0 s3, s7;
	s7 =	simm.s32 @!p0 $0x108  }
0x21: {  	s3 =	sadd.s32 s3, s9;
	s6 =	sadd.s32 @!p0 $0x88, s6;
	s7 =	simm.s32 @p2 $0x1082  }
0x22: {  	[simem:s7], [sflag:s8] =	dma.local @!p0 [hbm:s6], $0xF7A  }
0x23: {  	s9 =	sor.u32 $0xD0000000, s2;
	s6 =	simm.s32 $0x108;
	_ =	swait.ge @!p0 [sflag:s8], $0x0  }
0x24: {  	s3 =	sadd.s32 $0x88, s3;
	s6 =	simm.s32 @!p1 $0x1082;
	[sflag:s4] =	ssyncset.s32 $0xFFFFF086  }
0x25: {  	[simem:s6], [sflag:s4] =	dma.local [hbm:s3], $0xF7A  }
0x26: {  	[smem:$0x3F99] =	sst s1;
	(tag) =	ssettag s2;
	_ =	strace s9  }
0x27: {  	s1 =	sld [smem:$0x3FA9]  }
0x28: {  	s2 =	sld [smem:$0x3FAA]  }
0x29: {  	s4 =	sld [smem:$0x3FAC]  }
0x2a: {  	p0 =	seq.s32 s5, $0x0;
	s5 =	sld [smem:$0x3FAD]  }
0x2b: {  	s6 =	sld [smem:$0x3FAE]  }
0x2c: {  	s7 =	sld [smem:$0x3FAF]  }
0x2d: {  	s3 =	simm.s32 $0x108;
	s8 =	sld [smem:$0x3FB0]  }
0x2e: {  	s3 =	simm.s32 @!p0 $0x1082;
	s9 =	sld [smem:$0x3FB1]  }
0x2f: {  	lr =	sadd.s32 s0, s3;
	s0 =	sld [smem:$0x3FA8]  }
0x30: {  	s3 =	sld [smem:$0x3FAB]  }
0x31: {  	[smem:$0x3FB4] =	sst s10  }
0x32: {  	s10 =	sld [smem:$0x3FB2];
	_ =	sdelay $0x3  }
0x33: {  	p0 =	seq.s32 s10, $0x1;
	s10 =	sld [smem:$0x3FB4];
	_ =	sdelay $0x3  }
0x34: {  	[smem:$0x3FB4] =	sst s10  }
0x35: {  	s10 =	sld [smem:$0x3FB3];
	_ =	sdelay $0x3  }
0x36: {  	p1 =	seq.s32 s10, $0x1;
	s10 =	sld [smem:$0x3FB4];
	_ =	sdelay $0x3  }
0x37: {  	[smem:$0x3FB4] =	sst s10  }
0x38: {  	s10 =	sld [smem:$0x3FB5]  }
0x39: {  	_ = 	snop;
	(pc) =	sbr.ind lr, $3  }
0x3a: {  	_ = 	snop  }
0x3b: {  	_ = 	snop  }
0x3c: {  	p2 =	seq.s32 s10, $0x1;
	s10 =	sld [smem:$0x3FB4]  }
0x3d: {  	_ =	shalt  }
0x3e: {  	_ =	shalt  }
0x3f: {  	_ =	shalt  }
0x40: {  	_ =	shalt  }
0x41: {  	_ =	shalt  }
0x42: {  	_ =	shalt  }
0x43: {  	_ =	shalt  }
0x44: {  	_ =	shalt  }
0x45: {  	_ =	shalt  }
0x46: {  	_ =	shalt  }
0x47: {  	_ =	shalt  }
0x48: {  	_ =	shalt  }
0x49: {  	_ =	shalt  }
0x4a: {  	_ =	shalt  }
0x4b: {  	_ =	shalt  }
0x4c: {  	_ =	shalt  }
0x4d: {  	_ =	shalt  }
0x4e: {  	_ =	shalt  }
0x4f: {  	_ =	shalt  }
0x50: {  	_ =	shalt  }
0x51: {  	_ =	shalt  }
0x52: {  	_ =	shalt  }
0x53: {  	_ =	shalt  }
0x54: {  	_ =	shalt  }
0x55: {  	_ =	shalt  }
0x56: {  	_ =	shalt  }
0x57: {  	_ =	shalt  }
0x58: {  	_ =	shalt  }
0x59: {  	_ =	shalt  }
0x5a: {  	_ =	shalt  }
0x5b: {  	_ =	shalt  }
0x5c: {  	_ =	shalt  }
0x5d: {  	_ =	shalt  }
0x5e: {  	_ =	shalt  }
0x5f: {  	_ =	shalt  }
0x60: {  	_ =	shalt  }
0x61: {  	_ =	shalt  }
0x62: {  	_ =	shalt  }
0x63: {  	_ =	shalt  }
0x64: {  	_ =	shalt  }
0x65: {  	_ =	shalt  }
0x66: {  	_ =	shalt  }
0x67: {  	_ =	shalt  }
0x68: {  	_ =	shalt  }
0x69: {  	_ =	shalt  }
0x6a: {  	_ =	shalt  }
0x6b: {  	_ =	shalt  }
0x6c: {  	_ =	shalt  }
0x6d: {  	_ =	shalt  }
0x6e: {  	_ =	shalt  }
0x6f: {  	_ =	shalt  }
0x70: {  	_ =	shalt  }
0x71: {  	_ =	shalt  }
0x72: {  	_ =	shalt  }
0x73: {  	_ =	shalt  }
0x74: {  	_ =	shalt  }
0x75: {  	_ =	shalt  }
0x76: {  	_ =	shalt  }
0x77: {  	_ =	shalt  }
0x78: {  	_ =	shalt  }
0x79: {  	_ =	shalt  }
0x7a: {  	_ =	shalt  }
0x7b: {  	_ =	shalt  }
0x7c: {  	_ =	shalt  }
0x7d: {  	_ =	shalt  }
0x7e: {  	_ =	shalt  }
0x7f: {  	_ =	shalt  }
0x80: {  	_ =	shalt  }
0x81: {  	_ =	shalt  }
0x82: {  	_ =	shalt  }
0x83: {  	_ =	shalt  }
0x84: {  	_ =	shalt  }
0x85: {  	_ =	shalt  }
0x86: {  	_ =	shalt  }
0x87: {  	_ =	shalt  }
.Lfunc_end0:
.L_simem_size_0:
called_computation_lowered:
.L_overlay_start_0:
0x88: {  	s2 =	sld [smem:$0x3FD9]  }
0x89: {  	s3 =	sld [smem:$0x3FFE];
	_ =	sdelay $0x1  }
0x8a: {  	s1 =	srdreg.scid  }
0x8b: {  	s0 =	sand.u32 $0x1, s1  }
0x8c: {  	s17 =	sshll.u32 s0, $0xA;
	s2 =	sadd.s32 s3, s2  }
0x8d: {  	s2 =	sadd.s32 s2, s17  }
0x8e: {  	[smem:$0x3FC0] =	sst s2  }
0x8f: {  	_ = 	snop  }
0x90: {  	s2 =	sld [smem:$0x3FD0];
	(tm) =	ssettm $0x1  }
0x91: {  	s18 =	sld [smem:$0x3FFB];
	_ =	sdelay $0x3  }
0x92: {  	_ =	strace s18  }
0x93: {  	s3 =	sld [smem:$0x3FFC];
	_ =	sdelay $0x3  }
0x94: {  	_ =	strace s3  }
0x95: {  	s3 =	sld [smem:$0x3FFD];
	_ =	sdelay $0x3  }
0x96: {  	_ =	strace s3  }
0x97: {  	_ =	strace $0x8FFFFFFF  }
0x98: {  	s19 =	sld [smem:$0x3FDB];
	_ =	sdelay $0x1  }
0x99: {  	s4 =	simm.s32 $_scs_section_size  }
0x9a: {  	s5 =	simm.s32 $_size__tile_overlayer_lowered;
	s6 =	simm.s32 $_tile_overlayer_lowered  }
0x9b: {  	s22 =	simm.s32 $0x1BFF;
	s21 =	sshll.u32 s6, $0x1;
	s3 =	sadd.s32 s4, s19  }
0x9c: {  	s7 =	simm.s32 $0x0;
	s20 =	sshll.u32 s5, $0x1;
	s5 =	sadd.s32 s21, s3  }
0x9d: {  	[timem:s7], [sflag:s22] =	dma.local [hbm:s5], s20  }
0x9e: {  	_ =	swait.ge [sflag:s22], s20  }
0x9f: {  	s4 =	ssub.s32 $0x0, s20;
	[sflag:s22] =	ssyncset.done $0x0  }
0xa0: {  	[sflag:s22] =	ssyncadd.s32 s4;
	_ =	sdelay $0x1  }
0xa1: {  	s23 =	simm.s32 $0x1B8B  }
0xa2: {  	_ =	swait.ge [sflag:s23], $0x1  }
0xa3: {  	[sflag:s23] =	ssyncset.done $0x0  }
0xa4: {  	s25 =	simm.s32 $0x1B8E;
	s24 =	sld [smem:$0x3FFE];
	[sflag:s23] =	ssyncadd.s32 $0xFFFFFFFF  }
0xa5: {  	s26 =	simm.s32 $execute0_lowered;
	[smem:$0x3FD2] =	sst s25  }
0xa6: {  	s5 =	sshll.u32 s26, $0x1;
	_ =	strace $0x80000046;
	[dreg:$0x1] =	wrdreg $0xFFFFFFFF  }
0xa7: {  	s28 =	simm.s32 $_size_execute0_lowered;
	s3 =	sadd.s32 s3, s5;
	[dreg:$0x0] =	wrdreg $0x0  }
0xa8: {  	s5 =	sshll.u32 s28, $0x1;
	[dreg:$0x2] =	wrdreg s3  }
0xa9: {  	[dreg:$0x3] =	wrdreg s5  }
0xaa: {  	[dreg:$0x4] =	wrdreg $0xC0  }
0xab: {  	_ =	task [dreg:s7], $0x5FFFF  }
0xac: {  	[dreg:$0x1] =	wrdreg $0xFFFFFFFF  }
0xad: {  	[dreg:$0x0] =	wrdreg $0x60  }
0xae: {  	[dreg:$0x2] =	wrdreg s24  }
0xaf: {  	[dreg:$0x3] =	wrdreg s2  }
0xb0: {  	[dreg:$0x4] =	wrdreg $0x0  }
0xb1: {  	[dreg:$0x5] =	wrdreg $0x9  }
0xb2: {  	_ =	task.clear_ibuf [dreg:s7], $0x6FFFF;
	_ =	strace $0x90000046  }
0xb3: {  	s29 =	simm.s32 $0x9;
	_ =	strace $0x80000048  }
0xb4: {  	_ =	swait.ge [sflag:s29], $0x1  }
0xb5: {  	[sflag:s29] =	ssyncadd.s32 $0xFFFFFFFF  }
0xb6: {  	_ =	strace $0x90000048  }
0xb7: {  	_ =	sfence  }
0xb8: {  	s30 =	sld [smem:$0x0];
	_ =	sdelay $0x2  }
0xb9: {  	s31 =	sshll.u32 s1, $0xD;
	s1 =	sshrl.u32 s1, $0x2  }
0xba: {  	s3 =	sand.u32 $0x4000, s31;
	s1 =	sadd.s32 s1, s30  }
0xbb: {  	s0 =	sor.u32 s3, s0;
	s1 =	sshll.u32 s1, $0x11  }
0xbc: {  	s0 =	sor.u32 s1, s0  }
0xbd: {  	s0 =	sadd.s32 $0x8F2B, s0  }
0xbe: {  	[sflag:s0] =	ssyncadd.remote.s32 $0x1  }
0xbf: {  	_ =	sfence.sel $0xFFFF  }
0xc0: {  	[dreg:$0x0] =	wrdreg $0xFFFFFFFF;
	(pc) =	sbr.abs _section_cstart, $3  }
0xc1: {  	[dreg:$0x1] =	wrdreg $0xFFFFFFFF  }
0xc2: {  	_ =	task.clear_ibuf [dreg:s7], $0x2FFFF;
	_ =	strace $0x9FFFFFFF  }
0xc3: {  	(tm) =	ssettm $0x7FFFFFFF  }
tec
execute0_lowered:
.L_overlay_start_1:
0x0: {  	(tag) =	ssettag $0x1  }
0x1: {  	s5 =	rddreg [dreg:$0x0]  }
0x2: {  	s1 =	srdreg.scid;
	s12 =	rddreg [dreg:$0x1]  }
0x3: {  	s0 =	stileid.u32;
	s2 =	rddreg [dreg:$0x2];
	s3 =	simm.s32 $0x0  }
0x4: {  	s15 =	simm.s32 $0x13880;
	s16 =	simm.s32 $0x80;
	s17 =	simm.s32 $0x0  }
0x5: {  	s9 =	sand.u32 $0x1, s1;
	s4 =	sshll.u32 s0, $0x8;
	s1 =	rddreg [dreg:$0x3]  }
0x6: {  	[smem:$0x7FF] =	sst s3;
	p0 =	slt.u32 s0, $0x9;
	s13 =	smul.u32 $0x32000, s0  }
0x7: {  	s29 =	sshll.u32 s0, $0x6;
	s31 =	smul.u32 $0x1900, s0;
	s6 =	sshll.u32 s9, $0x7  }
0x8: {  	_ =	strace $0x80000047;
	s7 =	ssub.s32 $0x2, s9;
	s14 =	smul.u32 $0x27100, s9  }
0x9: {  	s4 =	sor.u32 s6, s4;
	s8 =	sshrl.u32 s7, $0x1;
	s6 =	simm.s32 $0x2  }
0xa: {  	s30 =	sshrl.u32 s13, $0x2;
	s13 =	simm.s32 $0x1;
	s4 =	sshrl.u32 s4, $0x3  }
0xb: {  	s10 =	ssub.s32 s7, s8;
	s6 =	simm.s32 @!p0 $0x1;
	p0 =	seq.s32 s0, $0x0  }
0xc: {  	s7 =	simm.s32 $0x28;
	s8 =	sor.u32 $0x1C01, s29;
	s12 =	sadd.s32 s14, s12  }
0xd: {  	s14 =	simm.s32 $0x13900;
	s11 =	sadd.s32 s4, s5;
	s4 =	sadd.s32 $0xBE00, s5  }
0xe: {  	s5 =	sadd.s32 $0xC600, s5;
	s7 =	simm.s32 @!p0 $0x27;
	s9 =	smax.u32 s10, $0x1  }
0xf: {  	s10 =	sadd.s32 s30, s2;
	s12 =	sadd.s32 s31, s12;
	s11 =	sadd.s32 $0x6E00, s11  }
.LBB2_1:
0x10: {  	p0 =	sne.s32 s6, $0x1  }
.Ltmp0:
0x11: {  	_ = 	snop;
	(pc) =	sbr.rel @!p0 .LBB2_3-.Ltmp0, $4  }
0x12: {  	s18 =	sshrl.u32 s10, $0x3  }
0x13: {  	[spmem:s18], [sflag:s8] =	dma.local [hbm:s5], $0x1900  }
0x14: {  	_ =	swait.ge [sflag:s13], $0x1900  }
0x15: {  	s19 =	sadd.s32 $0xFFFFFFFF, s6;
	s20 =	sadd.s32 $0xC8000, s10;
	[sflag:s13] =	ssyncset.done $0x0  }
.LBB2_2:
0x16: {  	s21 =	sshrl.u32 s20, $0x3;
	[sflag:s13] =	ssyncadd.s32 $0xFFFFE700;
	p1 =	sne.s32 s19, $0x1  }
0x17: {  	[spmem:s21], [sflag:s8] =	dma.local [hbm:s5], $0x1900  }
.Ltmp1:
0x18: {  	_ = 	snop;
	(pc) =	sbr.rel @p1 .LBB2_2-.Ltmp1, $4  }
0x19: {  	_ = 	snop  }
0x1a: {  	s19 =	sadd.s32 $0xFFFFFFFF, s19  }
0x1b: {  	_ =	swait.ge [sflag:s13], $0x1900  }
0x1c: {  	s20 =	sadd.s32 $0xC8000, s20;
	[sflag:s13] =	ssyncset.done $0x0  }
.LBB2_3:
0x1d: {  	[sflag:s13] =	ssyncadd.s32 $0xFFFFE700  }
0x1e: {  	[tilespmem:s14], [sflag:$0x1] =	stream.linear.gather [hbm4b:s4+s3], $0x4000, $0x38;
	[tilespmem:$0x17900] =	vst v63  }
0x1f: {  	_ =	swait.ge [sflag:s13], $0x4000  }
0x20: {  	[sflag:s13] =	ssyncset.done $0x0  }
0x21: {  	[sflag:s13] =	ssyncadd.s32 $0xFFFFC000  }
0x22: {  	[bflag:$0x0] =	sbarrier.arrive $0xFFFF  }
0x23: {  	[tilespmem:s15], [sflag:$0x1] =	stream.linear.gather [hbm4b:s11+s3], $0x80, $0x38;
	[tilespmem:$0x17900] =	vst v63  }
0x24: {  	p1 =	sne.s32 s7, $0x1;
	_ =	swait.ge [sflag:s13], $0x80  }
.Ltmp2:
0x25: {  	[sflag:s13] =	ssyncset.done $0x0;
	(pc) =	sbr.rel @!p1 .LBB2_5-.Ltmp2, $4  }
0x26: {  	[sflag:s13] =	ssyncadd.s32 $0xFFFFFF80  }
0x27: {  	[spmem:s2] =	stream.indirect.scatter.add.f32 [tilespmem:s14], [sflag:$0x1], $0x80, s15, s16, $0xb8;
	[tilespmem:$0x17900] =	vst v63  }
0x28: {  	_ =	swait.ge [sflag:s13], $0x4000  }
0x29: {  	s19 =	sadd.s32 $0xFFFFFFFF, s7;
	s20 =	smov.u32 s11;
	[sflag:s13] =	ssyncset.done $0x0  }
.LBB2_4:
0x2a: {  	p1 =	sne.s32 s19, $0x1;
	[sflag:s13] =	ssyncadd.s32 $0xFFFFC000;
	s20 =	sadd.s32 $0x200, s20  }
0x2b: {  	[tilespmem:s15], [sflag:$0x1] =	stream.linear.gather [hbm4b:s20+s3], $0x80, $0x38;
	[tilespmem:$0x17900] =	vst v63  }
0x2c: {  	s19 =	sadd.s32 $0xFFFFFFFF, s19;
	_ =	swait.ge [sflag:s13], $0x80  }
.Ltmp3:
0x2d: {  	[sflag:s13] =	ssyncset.done $0x0;
	(pc) =	sbr.rel @p1 .LBB2_4-.Ltmp3, $4  }
0x2e: {  	[sflag:s13] =	ssyncadd.s32 $0xFFFFFF80  }
0x2f: {  	[spmem:s2] =	stream.indirect.scatter.add.f32 [tilespmem:s14], [sflag:$0x1], $0x80, s15, s16, $0xb8;
	[tilespmem:$0x17900] =	vst v63  }
0x30: {  	_ =	swait.ge [sflag:s13], $0x4000  }
0x31: {  	[sflag:s13] =	ssyncset.done $0x0  }
.LBB2_5:
.Ltmp4:
0x32: {  	[sflag:s13] =	ssyncadd.s32 $0xFFFFC000;
	(pc) =	sbr.rel @!p0 .LBB2_7-.Ltmp4, $4  }
0x33: {  	[bflag:$0x0] =	sbarrier.arrive $0xFFFF  }
0x34: {  	[hbm:s12], [sflag:s8] =	dma.local [spmem:s18], $0x1900  }
0x35: {  	s19 =	sadd.s32 $0xC8000, s10;
	_ =	swait.ge [sflag:s13], $0x1900  }
0x36: {  	s20 =	smov.u32 s12;
	s18 =	sadd.s32 $0xFFFFFFFF, s6;
	[sflag:s13] =	ssyncset.done $0x0  }
.LBB2_6:
0x37: {  	s21 =	sshrl.u32 s19, $0x3  }
0x38: {  	[sflag:s13] =	ssyncadd.s32 $0xFFFFE700;
	s20 =	sadd.s32 $0x19000, s20;
	p0 =	sne.s32 s18, $0x1  }
0x39: {  	[hbm:s20], [sflag:s8] =	dma.local [spmem:s21], $0x1900  }
.Ltmp5:
0x3a: {  	_ = 	snop;
	(pc) =	sbr.rel @p0 .LBB2_6-.Ltmp5, $4  }
0x3b: {  	_ = 	snop  }
0x3c: {  	s18 =	sadd.s32 $0xFFFFFFFF, s18  }
0x3d: {  	_ =	swait.ge [sflag:s13], $0x1900  }
0x3e: {  	s19 =	sadd.s32 $0xC8000, s19;
	[sflag:s13] =	ssyncset.done $0x0  }
.LBB2_7:
0x3f: {  	s17 =	sadd.s32 $0x1, s17  }
0x40: {  	p0 =	sne.s32 s17, s9  }
.Ltmp6:
0x41: {  	_ = 	snop;
	(pc) =	sbr.rel @p0 .LBB2_1-.Ltmp6, $2  }
0x42: {  	_ =	sdelay $0x2  }
0x43: {  	[sflag:s13] =	ssyncadd.s32 $0xFFFFE700  }
0x44: {  	_ =	sfence.sel $0x180000  }
0x45: {  	[bflag:$0x0] =	sbarrier.arrive $0xFFFF  }
0x46: {  	p0 =	sne.s32 s0, $0x0;
	_ =	strace $0x90000047  }
0x47: {  	s0 =	sadd.s32 @!p0 $0x100000, s1;
	[bflag:$0x2] =	sbarrier.arrive $0xFFFF  }
0x48: {  	[sflag:s0] =	ssyncadd.tile.s32 @!p0 $0x1;
	_ =	shalt  }
.Lfunc_end2:
_tile_overlayer_lowered:
.L_overlay_start_2:
0x49: {  	(tag) =	ssettag $0x2  }
0x4a: {  	s0 =	rddreg [dreg:$0x0];
	s2 =	stileid.u32  }
0x4b: {  	s1 =	rddreg [dreg:$0x1];
	p0 =	sne.s32 s2, $0x0  }
0x4c: {  	s3 =	rddreg [dreg:$0x2];
	[bflag:$0x3] =	sbarrier.arrive $0xFFFF;
	s2 =	simm.s32 @!p0 $0x1C01  }
0x4d: {  	[timem:s3], [sflag:s2] =	dma.local @!p0 [hbm:s0], s1  }
0x4e: {  	s0 =	simm.s32 @!p0 $0x1  }
0x4f: {  	_ =	swait.ge @!p0 [sflag:s0], s1  }
0x50: {  	s1 =	ssub.s32 @!p0 $0x0, s1;
	[sflag:s0] =	ssyncset.done @!p0 $0x0  }
0x51: {  	[sflag:s0] =	ssyncadd.s32 @!p0 s1  }
0x52: {  	[bflag:$0x3] =	sbarrier.arrive $0xFFFF  }
0x53: {  	_ =	shalt  }

// kernel: kernel.13.cloned.1.call-start
scs
__scs_entry_jumppad:
0x0: {  	(pc) =	sbr.rel $0x88, $3  }
0x1: {  	(tag) =	ssettag $0x0;
	lr =	simm.s32 $0x1  }
0x2: {  	[smem:$0x3F99] =	sst lr;
	_ =	strace $0xD0000000  }
0x3: {  	_ = 	snop  }
0x4: {  	_ = 	snop  }
0x5: {  	_ = 	snop  }
0x6: {  	_ = 	snop  }
0x7: {  	_ = 	snop  }
__scs_overlays_trampoline_lowered:
0x8: {  	[smem:$0x3FA8] =	sst s0  }
0x9: {  	[smem:$0x3FA9] =	sst s1  }
0xa: {  	[smem:$0x3FAA] =	sst s2  }
0xb: {  	[smem:$0x3FAB] =	sst s3  }
0xc: {  	[smem:$0x3FAC] =	sst s4  }
0xd: {  	[smem:$0x3FAD] =	sst s5  }
0xe: {  	[smem:$0x3FAE] =	sst s6  }
0xf: {  	[smem:$0x3FAF] =	sst s7  }
0x10: {  	[smem:$0x3FB0] =	sst s8  }
0x11: {  	[smem:$0x3FB1] =	sst s9;
	s0 =	simm.s32 @!p0 $0x0  }
0x12: {  	s1 =	sld [smem:$0x3F97];
	s0 =	simm.s32 @p0 $0x1  }
0x13: {  	[smem:$0x3FB2] =	sst s0;
	s0 =	simm.s32 @!p1 $0x0  }
0x14: {  	s2 =	sld [smem:$0x3F96];
	s0 =	simm.s32 @p1 $0x1  }
0x15: {  	[smem:$0x3FB3] =	sst s0;
	s0 =	simm.s32 @!p2 $0x0  }
0x16: {  	s3 =	sld [smem:$0x3FDB];
	s0 =	simm.s32 @p2 $0x1  }
0x17: {  	s4 =	simm.s32 $0x1BF5;
	[smem:$0x3FB5] =	sst s0  }
0x18: {  	s0 =	sld [smem:$0x3F98];
	_ =	swait.ge [sflag:s4], $0x0  }
0x19: {  	s7 =	sld [smem:$0x3F99]  }
0x1a: {  	s8 =	sadd.s32 $0xFFFFE003, lr  }
0x1b: {  	s9 =	sadd.s32 $0xFFFFFEF7, lr;
	s5 =	simm.s32 $0xFFFFFFFF;
	p2 =	slt.u32 s8, $0xFFFFF086  }
0x1c: {  	p1 =	slt.u32 s9, $0xF7A;
	s5 =	simm.s32 @!p2 $0x0  }
0x1d: {  	s5 =	simm.s32 @p1 $0x1;
	p0 =	seq.s32 s7, s2  }
0x1e: {  	s7 =	smul.u32 @!p0 $0xF7A, s2;
	p2 =	seq.s32 @!p0 s5, $0x0  }
0x1f: {  	s9 =	smul.u32 $0xF7A, s1;
	s8 =	simm.s32 @!p0 $0x1BF5;
	p2 =	por !p2, p0  }
0x20: {  	[sflag:s8] =	ssyncset.s32 @!p0 $0xFFFFF086;
	s6 =	sadd.s32 @!p0 s3, s7;
	s7 =	simm.s32 @!p0 $0x108  }
0x21: {  	s3 =	sadd.s32 s3, s9;
	s6 =	sadd.s32 @!p0 $0x88, s6;
	s7 =	simm.s32 @p2 $0x1082  }
0x22: {  	[simem:s7], [sflag:s8] =	dma.local @!p0 [hbm:s6], $0xF7A  }
0x23: {  	s9 =	sor.u32 $0xD0000000, s2;
	s6 =	simm.s32 $0x108;
	_ =	swait.ge @!p0 [sflag:s8], $0x0  }
0x24: {  	s3 =	sadd.s32 $0x88, s3;
	s6 =	simm.s32 @!p1 $0x1082;
	[sflag:s4] =	ssyncset.s32 $0xFFFFF086  }
0x25: {  	[simem:s6], [sflag:s4] =	dma.local [hbm:s3], $0xF7A  }
0x26: {  	[smem:$0x3F99] =	sst s1;
	(tag) =	ssettag s2;
	_ =	strace s9  }
0x27: {  	s1 =	sld [smem:$0x3FA9]  }
0x28: {  	s2 =	sld [smem:$0x3FAA]  }
0x29: {  	s4 =	sld [smem:$0x3FAC]  }
0x2a: {  	p0 =	seq.s32 s5, $0x0;
	s5 =	sld [smem:$0x3FAD]  }
0x2b: {  	s6 =	sld [smem:$0x3FAE]  }
0x2c: {  	s7 =	sld [smem:$0x3FAF]  }
0x2d: {  	s3 =	simm.s32 $0x108;
	s8 =	sld [smem:$0x3FB0]  }
0x2e: {  	s3 =	simm.s32 @!p0 $0x1082;
	s9 =	sld [smem:$0x3FB1]  }
0x2f: {  	lr =	sadd.s32 s0, s3;
	s0 =	sld [smem:$0x3FA8]  }
0x30: {  	s3 =	sld [smem:$0x3FAB]  }
0x31: {  	[smem:$0x3FB4] =	sst s10  }
0x32: {  	s10 =	sld [smem:$0x3FB2];
	_ =	sdelay $0x3  }
0x33: {  	p0 =	seq.s32 s10, $0x1;
	s10 =	sld [smem:$0x3FB4];
	_ =	sdelay $0x3  }
0x34: {  	[smem:$0x3FB4] =	sst s10  }
0x35: {  	s10 =	sld [smem:$0x3FB3];
	_ =	sdelay $0x3  }
0x36: {  	p1 =	seq.s32 s10, $0x1;
	s10 =	sld [smem:$0x3FB4];
	_ =	sdelay $0x3  }
0x37: {  	[smem:$0x3FB4] =	sst s10  }
0x38: {  	s10 =	sld [smem:$0x3FB5]  }
0x39: {  	_ = 	snop;
	(pc) =	sbr.ind lr, $3  }
0x3a: {  	_ = 	snop  }
0x3b: {  	_ = 	snop  }
0x3c: {  	p2 =	seq.s32 s10, $0x1;
	s10 =	sld [smem:$0x3FB4]  }
0x3d: {  	_ =	shalt  }
0x3e: {  	_ =	shalt  }
0x3f: {  	_ =	shalt  }
0x40: {  	_ =	shalt  }
0x41: {  	_ =	shalt  }
0x42: {  	_ =	shalt  }
0x43: {  	_ =	shalt  }
0x44: {  	_ =	shalt  }
0x45: {  	_ =	shalt  }
0x46: {  	_ =	shalt  }
0x47: {  	_ =	shalt  }
0x48: {  	_ =	shalt  }
0x49: {  	_ =	shalt  }
0x4a: {  	_ =	shalt  }
0x4b: {  	_ =	shalt  }
0x4c: {  	_ =	shalt  }
0x4d: {  	_ =	shalt  }
0x4e: {  	_ =	shalt  }
0x4f: {  	_ =	shalt  }
0x50: {  	_ =	shalt  }
0x51: {  	_ =	shalt  }
0x52: {  	_ =	shalt  }
0x53: {  	_ =	shalt  }
0x54: {  	_ =	shalt  }
0x55: {  	_ =	shalt  }
0x56: {  	_ =	shalt  }
0x57: {  	_ =	shalt  }
0x58: {  	_ =	shalt  }
0x59: {  	_ =	shalt  }
0x5a: {  	_ =	shalt  }
0x5b: {  	_ =	shalt  }
0x5c: {  	_ =	shalt  }
0x5d: {  	_ =	shalt  }
0x5e: {  	_ =	shalt  }
0x5f: {  	_ =	shalt  }
0x60: {  	_ =	shalt  }
0x61: {  	_ =	shalt  }
0x62: {  	_ =	shalt  }
0x63: {  	_ =	shalt  }
0x64: {  	_ =	shalt  }
0x65: {  	_ =	shalt  }
0x66: {  	_ =	shalt  }
0x67: {  	_ =	shalt  }
0x68: {  	_ =	shalt  }
0x69: {  	_ =	shalt  }
0x6a: {  	_ =	shalt  }
0x6b: {  	_ =	shalt  }
0x6c: {  	_ =	shalt  }
0x6d: {  	_ =	shalt  }
0x6e: {  	_ =	shalt  }
0x6f: {  	_ =	shalt  }
0x70: {  	_ =	shalt  }
0x71: {  	_ =	shalt  }
0x72: {  	_ =	shalt  }
0x73: {  	_ =	shalt  }
0x74: {  	_ =	shalt  }
0x75: {  	_ =	shalt  }
0x76: {  	_ =	shalt  }
0x77: {  	_ =	shalt  }
0x78: {  	_ =	shalt  }
0x79: {  	_ =	shalt  }
0x7a: {  	_ =	shalt  }
0x7b: {  	_ =	shalt  }
0x7c: {  	_ =	shalt  }
0x7d: {  	_ =	shalt  }
0x7e: {  	_ =	shalt  }
0x7f: {  	_ =	shalt  }
0x80: {  	_ =	shalt  }
0x81: {  	_ =	shalt  }
0x82: {  	_ =	shalt  }
0x83: {  	_ =	shalt  }
0x84: {  	_ =	shalt  }
0x85: {  	_ =	shalt  }
0x86: {  	_ =	shalt  }
0x87: {  	_ =	shalt  }
.Lfunc_end0:
.L_simem_size_0:
called_computation.1_lowered:
.L_overlay_start_0:
0x88: {  	s2 =	sld [smem:$0x3FD9]  }
0x89: {  	s3 =	sld [smem:$0x3FFE];
	_ =	sdelay $0x1  }
0x8a: {  	s1 =	srdreg.scid  }
0x8b: {  	s0 =	sand.u32 $0x1, s1  }
0x8c: {  	s17 =	sshll.u32 s0, $0xA;
	s2 =	sadd.s32 s3, s2  }
0x8d: {  	s2 =	sadd.s32 s2, s17  }
0x8e: {  	[smem:$0x3FC0] =	sst s2  }
0x8f: {  	_ = 	snop  }
0x90: {  	s2 =	sld [smem:$0x3FD0];
	(tm) =	ssettm $0x1  }
0x91: {  	s18 =	sld [smem:$0x3FFB];
	_ =	sdelay $0x3  }
0x92: {  	_ =	strace s18  }
0x93: {  	s3 =	sld [smem:$0x3FFC];
	_ =	sdelay $0x3  }
0x94: {  	_ =	strace s3  }
0x95: {  	s3 =	sld [smem:$0x3FFD];
	_ =	sdelay $0x3  }
0x96: {  	_ =	strace s3  }
0x97: {  	_ =	strace $0x8FFFFFFF  }
0x98: {  	s19 =	sld [smem:$0x3FDB];
	_ =	sdelay $0x1  }
0x99: {  	s4 =	simm.s32 $_scs_section_size  }
0x9a: {  	s5 =	simm.s32 $_size__tile_overlayer_lowered;
	s6 =	simm.s32 $_tile_overlayer_lowered  }
0x9b: {  	s22 =	simm.s32 $0x1BFF;
	s21 =	sshll.u32 s6, $0x1;
	s3 =	sadd.s32 s4, s19  }
0x9c: {  	s7 =	simm.s32 $0x0;
	s20 =	sshll.u32 s5, $0x1;
	s5 =	sadd.s32 s21, s3  }
0x9d: {  	[timem:s7], [sflag:s22] =	dma.local [hbm:s5], s20  }
0x9e: {  	_ =	swait.ge [sflag:s22], s20  }
0x9f: {  	s4 =	ssub.s32 $0x0, s20;
	[sflag:s22] =	ssyncset.done $0x0  }
0xa0: {  	[sflag:s22] =	ssyncadd.s32 s4;
	_ =	sdelay $0x1  }
0xa1: {  	s23 =	simm.s32 $0x1B8B  }
0xa2: {  	_ =	swait.ge [sflag:s23], $0x1  }
0xa3: {  	[sflag:s23] =	ssyncset.done $0x0  }
0xa4: {  	s25 =	simm.s32 $0x1B8E;
	s24 =	sld [smem:$0x3FFE];
	[sflag:s23] =	ssyncadd.s32 $0xFFFFFFFF  }
0xa5: {  	s26 =	simm.s32 $execute0_lowered;
	[smem:$0x3FD2] =	sst s25  }
0xa6: {  	s5 =	sshll.u32 s26, $0x1;
	_ =	strace $0x80000049;
	[dreg:$0x1] =	wrdreg $0xFFFFFFFF  }
0xa7: {  	s28 =	simm.s32 $_size_execute0_lowered;
	s3 =	sadd.s32 s3, s5;
	[dreg:$0x0] =	wrdreg $0x0  }
0xa8: {  	s5 =	sshll.u32 s28, $0x1;
	[dreg:$0x2] =	wrdreg s3  }
0xa9: {  	[dreg:$0x3] =	wrdreg s5  }
0xaa: {  	[dreg:$0x4] =	wrdreg $0xC0  }
0xab: {  	_ =	task [dreg:s7], $0x5FFFF  }
0xac: {  	[dreg:$0x1] =	wrdreg $0xFFFFFFFF  }
0xad: {  	[dreg:$0x0] =	wrdreg $0x60  }
0xae: {  	[dreg:$0x2] =	wrdreg s2  }
0xaf: {  	[dreg:$0x3] =	wrdreg s24  }
0xb0: {  	[dreg:$0x4] =	wrdreg $0x0  }
0xb1: {  	[dreg:$0x5] =	wrdreg $0x9  }
0xb2: {  	_ =	task.clear_ibuf [dreg:s7], $0x6FFFF;
	_ =	strace $0x90000049  }
0xb3: {  	s29 =	simm.s32 $0x9;
	_ =	strace $0x8000004B  }
0xb4: {  	_ =	swait.ge [sflag:s29], $0x1  }
0xb5: {  	[sflag:s29] =	ssyncadd.s32 $0xFFFFFFFF  }
0xb6: {  	_ =	strace $0x9000004B  }
0xb7: {  	_ =	sfence  }
0xb8: {  	s30 =	sld [smem:$0x0];
	_ =	sdelay $0x2  }
0xb9: {  	s31 =	sshll.u32 s1, $0xD;
	s1 =	sshrl.u32 s1, $0x2  }
0xba: {  	s3 =	sand.u32 $0x4000, s31;
	s1 =	sadd.s32 s1, s30  }
0xbb: {  	s0 =	sor.u32 s3, s0;
	s1 =	sshll.u32 s1, $0x11  }
0xbc: {  	s0 =	sor.u32 s1, s0  }
0xbd: {  	s0 =	sadd.s32 $0x8F2B, s0  }
0xbe: {  	[sflag:s0] =	ssyncadd.remote.s32 $0x1  }
0xbf: {  	_ =	sfence.sel $0xFFFF  }
0xc0: {  	[dreg:$0x0] =	wrdreg $0xFFFFFFFF;
	(pc) =	sbr.abs _section_cstart, $3  }
0xc1: {  	[dreg:$0x1] =	wrdreg $0xFFFFFFFF  }
0xc2: {  	_ =	task.clear_ibuf [dreg:s7], $0x2FFFF;
	_ =	strace $0x9FFFFFFF  }
0xc3: {  	(tm) =	ssettm $0x7FFFFFFF  }
tec
execute0_lowered:
.L_overlay_start_1:
0x0: {  	(tag) =	ssettag $0x1  }
0x1: {  	s1 =	rddreg [dreg:$0x0]  }
0x2: {  	s6 =	rddreg [dreg:$0x1]  }
0x3: {  	s3 =	rddreg [dreg:$0x2]  }
0x4: {  	s0 =	rddreg [dreg:$0x3];
	s5 =	srdreg.scid  }
0x5: {  	s4 =	simm.s32 $0x0;
	s2 =	stileid.u32;
	s16 =	simm.s32 $0x13980  }
0x6: {  	s17 =	simm.s32 $0x80;
	s18 =	simm.s32 $0x13900;
	s20 =	simm.s32 $0x1  }
0x7: {  	s21 =	simm.s32 $0x0;
	s7 =	sand.u32 $0x1, s5;
	[smem:$0x7FF] =	sst s4  }
0x8: {  	s29 =	sshll.u32 s2, $0x4;
	s5 =	sadd.s32 $0xC600, s6;
	s11 =	smul.u32 $0x32000, s2  }
0x9: {  	p0 =	slt.u32 s2, $0x9;
	s31 =	sshll.u32 s2, $0x6;
	s15 =	smul.u32 $0x1900, s2  }
0xa: {  	s8 =	smul.u32 $0x27100, s7;
	_ =	strace $0x8000004A;
	s13 =	sadd.s32 s29, s6  }
0xb: {  	s9 =	ssub.s32 $0x2, s7;
	s19 =	smul.u32 $0x2710, s7;
	s7 =	simm.s32 $0x2  }
0xc: {  	s30 =	sshrl.u32 s9, $0x1;
	s7 =	simm.s32 @!p0 $0x1;
	p0 =	slt.u32 s2, $0x2  }
0xd: {  	s11 =	sshrl.u32 s11, $0x2;
	s12 =	sadd.s32 $0x6E00, s13;
	s13 =	sadd.s32 $0x1E00, s13  }
0xe: {  	s14 =	sadd.s32 s8, s6;
	s10 =	ssub.s32 s9, s30;
	s6 =	simm.s32 $0x2  }
0xf: {  	s8 =	sor.u32 $0x1C02, s31;
	s9 =	simm.s32 $0x4F;
	s11 =	sadd.s32 s11, s3  }
0x10: {  	v0 =	vmov s19;
	s19 =	simm.s32 $0x13A00;
	s9 =	simm.s32 @!p0 $0x4E;
	s14 =	sadd.s32 s15, s14  }
0x11: {  	s10 =	smax.u32 s10, $0x1;
	s15 =	simm.s32 $0x13880;
	s14 =	sadd.s32 $0xE000, s14  }
.LBB2_1:
0x12: {  	p0 =	sne.s32 s7, $0x1  }
.Ltmp0:
0x13: {  	_ = 	snop;
	(pc) =	sbr.rel @!p0 .LBB2_3-.Ltmp0, $4  }
0x14: {  	s22 =	sshrl.u32 s11, $0x3  }
0x15: {  	[spmem:s22], [sflag:s8] =	dma.local [hbm:s5], $0x1900  }
0x16: {  	_ =	swait.ge [sflag:s6], $0x1900  }
0x17: {  	s23 =	sadd.s32 $0xFFFFFFFF, s7;
	s24 =	sadd.s32 $0xC8000, s11;
	[sflag:s6] =	ssyncset.done $0x0  }
.LBB2_2:
0x18: {  	s25 =	sshrl.u32 s24, $0x3;
	[sflag:s6] =	ssyncadd.s32 $0xFFFFE700;
	p1 =	sne.s32 s23, $0x1  }
0x19: {  	[spmem:s25], [sflag:s8] =	dma.local [hbm:s5], $0x1900  }
.Ltmp1:
0x1a: {  	_ = 	snop;
	(pc) =	sbr.rel @p1 .LBB2_2-.Ltmp1, $4  }
0x1b: {  	_ = 	snop  }
0x1c: {  	s23 =	sadd.s32 $0xFFFFFFFF, s23  }
0x1d: {  	_ =	swait.ge [sflag:s6], $0x1900  }
0x1e: {  	s24 =	sadd.s32 $0xC8000, s24;
	[sflag:s6] =	ssyncset.done $0x0  }
.LBB2_3:
0x1f: {  	[sflag:s6] =	ssyncadd.s32 $0xFFFFE700  }
0x20: {  	[bflag:$0x0] =	sbarrier.arrive $0xFFFF  }
0x21: {  	[tilespmem:s15], [sflag:$0x2] =	stream.linear.gather [hbm4b:s13+s4], $0x80, $0x38;
	[tilespmem:$0x17A00] =	vst v63  }
0x22: {  	_ =	swait.ge [sflag:s6], $0x80  }
0x23: {  	[sflag:s6] =	ssyncset.done $0x0  }
0x24: {  	[sflag:s6] =	ssyncadd.s32 $0xFFFFFF80  }
0x25: {  	[tilespmem:s16], [sflag:$0x2] =	stream.linear.gather [hbm4b:s12+s4], $0x80, $0x38;
	[tilespmem:$0x17A00] =	vst v63  }
0x26: {  	_ =	swait.ge [sflag:s6], $0x80  }
0x27: {  	[sflag:s6] =	ssyncset.done $0x0  }
0x28: {  	[sflag:s6] =	ssyncadd.s32 $0xFFFFFF80  }
0x29: {  	v1 =	vld [tilespmem:$0x138F0]  }
0x2a: {  	v2 =	vld [tilespmem:$0x138E0]  }
0x2b: {  	v3 =	vld [tilespmem:$0x138D0]  }
0x2c: {  	v4 =	vld [tilespmem:$0x138B0]  }
0x2d: {  	v5 =	vld [tilespmem:$0x138A0]  }
0x2e: {  	v6 =	vld [tilespmem:$0x13890];
	v1 =	vadd.s32 v0, v1  }
0x2f: {  	v7 =	vld [tilespmem:$0x138C0];
	v2 =	vadd.s32 v0, v2;
	[tilespmem:$0x13970] =	vst v1  }
0x30: {  	v3 =	vadd.s32 v0, v3;
	v1 =	vld [tilespmem:$0x13880];
	[tilespmem:$0x13960] =	vst v2  }
0x31: {  	p1 =	sne.s32 s9, $0x1;
	v2 =	vadd.s32 v0, v4;
	[tilespmem:$0x13950] =	vst v3  }
.Ltmp2:
0x32: {  	v3 =	vadd.s32 v0, v5;
	[tilespmem:$0x13930] =	vst v2;
	(pc) =	sbr.rel @!p1 .LBB2_5-.Ltmp2, $4  }
0x33: {  	v2 =	vadd.s32 v0, v6;
	[tilespmem:$0x13920] =	vst v3  }
0x34: {  	[tilespmem:$0x13910] =	vst v2;
	v2 =	vadd.s32 v0, v7  }
0x35: {  	[tilespmem:$0x13940] =	vst v2;
	v1 =	vadd.s32 v0, v1  }
0x36: {  	s23 =	sadd.s32 $0xFFFFFFFF, s9;
	s24 =	sadd.s32 $0x100, s12;
	s25 =	sadd.s32 $0x100, s13;
	[tilespmem:$0x13900] =	vst v1  }
.LBB2_4:
0x37: {  	[tilespmem:s19], [sflag:$0x1] =	stream.indirect.gather [hbm4b:s1+s17], $0x80, s18, s17, $0xb8;
	[tilespmem:$0x17A00] =	vst v63  }
0x38: {  	p1 =	sne.s32 s23, $0x1;
	s23 =	sadd.s32 $0xFFFFFFFF, s23;
	_ =	swait.ge [sflag:s20], $0x4000  }
0x39: {  	[sflag:s20] =	ssyncset.done $0x0  }
0x3a: {  	[sflag:s20] =	ssyncadd.s32 $0xFFFFC000  }
0x3b: {  	[spmem:s3] =	stream.indirect.scatter.add.f32 [tilespmem:s19], [sflag:$0x2], $0x80, s16, s17, $0xb8;
	[tilespmem:$0x17A00] =	vst v63  }
0x3c: {  	_ =	swait.ge [sflag:s6], $0x4000  }
0x3d: {  	[sflag:s6] =	ssyncset.done $0x0  }
0x3e: {  	[sflag:s6] =	ssyncadd.s32 $0xFFFFC000  }
0x3f: {  	[tilespmem:s15], [sflag:$0x2] =	stream.linear.gather [hbm4b:s25+s4], $0x80, $0x38;
	[tilespmem:$0x17A00] =	vst v63  }
0x40: {  	_ =	swait.ge [sflag:s6], $0x80  }
0x41: {  	[sflag:s6] =	ssyncset.done $0x0  }
0x42: {  	[sflag:s6] =	ssyncadd.s32 $0xFFFFFF80  }
0x43: {  	[tilespmem:s16], [sflag:$0x2] =	stream.linear.gather [hbm4b:s24+s4], $0x80, $0x38;
	[tilespmem:$0x17A00] =	vst v63  }
0x44: {  	_ =	swait.ge [sflag:s6], $0x80  }
0x45: {  	[sflag:s6] =	ssyncset.done $0x0  }
0x46: {  	[sflag:s6] =	ssyncadd.s32 $0xFFFFFF80  }
0x47: {  	v1 =	vld [tilespmem:$0x138F0]  }
0x48: {  	v2 =	vld [tilespmem:$0x138E0]  }
0x49: {  	v3 =	vld [tilespmem:$0x138D0]  }
0x4a: {  	v4 =	vld [tilespmem:$0x138B0]  }
0x4b: {  	v5 =	vld [tilespmem:$0x138A0]  }
0x4c: {  	v6 =	vld [tilespmem:$0x13890];
	v1 =	vadd.s32 v0, v1  }
0x4d: {  	v7 =	vld [tilespmem:$0x138C0];
	v2 =	vadd.s32 v0, v2;
	[tilespmem:$0x13970] =	vst v1  }
0x4e: {  	v1 =	vld [tilespmem:$0x13880];
	v3 =	vadd.s32 v0, v3;
	[tilespmem:$0x13960] =	vst v2  }
0x4f: {  	v2 =	vadd.s32 v0, v4;
	[tilespmem:$0x13950] =	vst v3  }
.Ltmp3:
0x50: {  	v3 =	vadd.s32 v0, v5;
	[tilespmem:$0x13930] =	vst v2;
	(pc) =	sbr.rel @p1 .LBB2_4-.Ltmp3, $4  }
0x51: {  	v2 =	vadd.s32 v0, v6;
	[tilespmem:$0x13920] =	vst v3  }
0x52: {  	[tilespmem:$0x13910] =	vst v2;
	v2 =	vadd.s32 v0, v7  }
0x53: {  	v1 =	vadd.s32 v0, v1;
	[tilespmem:$0x13940] =	vst v2  }
0x54: {  	s25 =	sadd.s32 $0x100, s25;
	s24 =	sadd.s32 $0x100, s24;
	[tilespmem:$0x13900] =	vst v1  }
.LBB2_5:
0x55: {  	[tilespmem:s19], [sflag:$0x1] =	stream.indirect.gather [hbm4b:s1+s17], $0x80, s18, s17, $0xb8;
	[tilespmem:$0x17A00] =	vst v63  }
0x56: {  	_ =	swait.ge [sflag:s20], $0x4000  }
0x57: {  	[sflag:s20] =	ssyncset.done $0x0  }
0x58: {  	[sflag:s20] =	ssyncadd.s32 $0xFFFFC000  }
0x59: {  	[spmem:s3] =	stream.indirect.scatter.add.f32 [tilespmem:s19], [sflag:$0x2], $0x80, s16, s17, $0xb8;
	[tilespmem:$0x17A00] =	vst v63  }
0x5a: {  	_ =	swait.ge [sflag:s6], $0x4000  }
0x5b: {  	[sflag:s6] =	ssyncset.done $0x0  }
.Ltmp4:
0x5c: {  	[sflag:s6] =	ssyncadd.s32 $0xFFFFC000;
	(pc) =	sbr.rel @!p0 .LBB2_7-.Ltmp4, $4  }
0x5d: {  	[bflag:$0x0] =	sbarrier.arrive $0xFFFF  }
0x5e: {  	[hbm:s14], [sflag:s8] =	dma.local [spmem:s22], $0x1900  }
0x5f: {  	s23 =	sadd.s32 $0xC8000, s11;
	_ =	swait.ge [sflag:s6], $0x1900  }
0x60: {  	s24 =	smov.u32 s14;
	s22 =	sadd.s32 $0xFFFFFFFF, s7;
	[sflag:s6] =	ssyncset.done $0x0  }
.LBB2_6:
0x61: {  	s25 =	sshrl.u32 s23, $0x3  }
0x62: {  	[sflag:s6] =	ssyncadd.s32 $0xFFFFE700;
	s24 =	sadd.s32 $0x19000, s24;
	p0 =	sne.s32 s22, $0x1  }
0x63: {  	[hbm:s24], [sflag:s8] =	dma.local [spmem:s25], $0x1900  }
.Ltmp5:
0x64: {  	_ = 	snop;
	(pc) =	sbr.rel @p0 .LBB2_6-.Ltmp5, $4  }
0x65: {  	_ = 	snop  }
0x66: {  	s22 =	sadd.s32 $0xFFFFFFFF, s22  }
0x67: {  	_ =	swait.ge [sflag:s6], $0x1900  }
0x68: {  	s23 =	sadd.s32 $0xC8000, s23;
	[sflag:s6] =	ssyncset.done $0x0  }
.LBB2_7:
0x69: {  	s21 =	sadd.s32 $0x1, s21  }
0x6a: {  	p0 =	sne.s32 s21, s10  }
.Ltmp6:
0x6b: {  	_ = 	snop;
	(pc) =	sbr.rel @p0 .LBB2_1-.Ltmp6, $2  }
0x6c: {  	_ =	sdelay $0x2  }
0x6d: {  	[sflag:s6] =	ssyncadd.s32 $0xFFFFE700  }
0x6e: {  	_ =	sfence.sel $0x180000  }
0x6f: {  	[bflag:$0x0] =	sbarrier.arrive $0xFFFF  }
0x70: {  	p0 =	sne.s32 s2, $0x0;
	_ =	strace $0x9000004A  }
0x71: {  	s0 =	sadd.s32 @!p0 $0x100000, s0;
	[bflag:$0x2] =	sbarrier.arrive $0xFFFF  }
0x72: {  	[sflag:s0] =	ssyncadd.tile.s32 @!p0 $0x1;
	_ =	shalt  }
.Lfunc_end2:
_tile_overlayer_lowered:
.L_overlay_start_2:
0x73: {  	(tag) =	ssettag $0x2  }
0x74: {  	s0 =	rddreg [dreg:$0x0];
	s2 =	stileid.u32  }
0x75: {  	s1 =	rddreg [dreg:$0x1];
	p0 =	sne.s32 s2, $0x0  }
0x76: {  	s3 =	rddreg [dreg:$0x2];
	[bflag:$0x3] =	sbarrier.arrive $0xFFFF;
	s2 =	simm.s32 @!p0 $0x1C02  }
0x77: {  	[timem:s3], [sflag:s2] =	dma.local @!p0 [hbm:s0], s1  }
0x78: {  	s0 =	simm.s32 @!p0 $0x2  }
0x79: {  	_ =	swait.ge @!p0 [sflag:s0], s1  }
0x7a: {  	s1 =	ssub.s32 @!p0 $0x0, s1;
	[sflag:s0] =	ssyncset.done @!p0 $0x0  }
0x7b: {  	[sflag:s0] =	ssyncadd.s32 @!p0 s1  }
0x7c: {  	[bflag:$0x3] =	sbarrier.arrive $0xFFFF  }
0x7d: {  	_ =	shalt  }

// kernel: kernel.16.cloned.1.call-start
scs
__scs_entry_jumppad:
0x0: {  	(pc) =	sbr.rel $0x88, $3  }
0x1: {  	(tag) =	ssettag $0x0;
	lr =	simm.s32 $0x1  }
0x2: {  	[smem:$0x3F99] =	sst lr;
	_ =	strace $0xD0000000  }
0x3: {  	_ = 	snop  }
0x4: {  	_ = 	snop  }
0x5: {  	_ = 	snop  }
0x6: {  	_ = 	snop  }
0x7: {  	_ = 	snop  }
__scs_overlays_trampoline_lowered:
0x8: {  	[smem:$0x3FA8] =	sst s0  }
0x9: {  	[smem:$0x3FA9] =	sst s1  }
0xa: {  	[smem:$0x3FAA] =	sst s2  }
0xb: {  	[smem:$0x3FAB] =	sst s3  }
0xc: {  	[smem:$0x3FAC] =	sst s4  }
0xd: {  	[smem:$0x3FAD] =	sst s5  }
0xe: {  	[smem:$0x3FAE] =	sst s6  }
0xf: {  	[smem:$0x3FAF] =	sst s7  }
0x10: {  	[smem:$0x3FB0] =	sst s8  }
0x11: {  	[smem:$0x3FB1] =	sst s9;
	s0 =	simm.s32 @!p0 $0x0  }
0x12: {  	s1 =	sld [smem:$0x3F97];
	s0 =	simm.s32 @p0 $0x1  }
0x13: {  	[smem:$0x3FB2] =	sst s0;
	s0 =	simm.s32 @!p1 $0x0  }
0x14: {  	s2 =	sld [smem:$0x3F96];
	s0 =	simm.s32 @p1 $0x1  }
0x15: {  	[smem:$0x3FB3] =	sst s0;
	s0 =	simm.s32 @!p2 $0x0  }
0x16: {  	s3 =	sld [smem:$0x3FDB];
	s0 =	simm.s32 @p2 $0x1  }
0x17: {  	s4 =	simm.s32 $0x1BF5;
	[smem:$0x3FB5] =	sst s0  }
0x18: {  	s0 =	sld [smem:$0x3F98];
	_ =	swait.ge [sflag:s4], $0x0  }
0x19: {  	s7 =	sld [smem:$0x3F99]  }
0x1a: {  	s8 =	sadd.s32 $0xFFFFE003, lr  }
0x1b: {  	s9 =	sadd.s32 $0xFFFFFEF7, lr;
	s5 =	simm.s32 $0xFFFFFFFF;
	p2 =	slt.u32 s8, $0xFFFFF086  }
0x1c: {  	p1 =	slt.u32 s9, $0xF7A;
	s5 =	simm.s32 @!p2 $0x0  }
0x1d: {  	s5 =	simm.s32 @p1 $0x1;
	p0 =	seq.s32 s7, s2  }
0x1e: {  	s7 =	smul.u32 @!p0 $0xF7A, s2;
	p2 =	seq.s32 @!p0 s5, $0x0  }
0x1f: {  	s9 =	smul.u32 $0xF7A, s1;
	s8 =	simm.s32 @!p0 $0x1BF5;
	p2 =	por !p2, p0  }
0x20: {  	[sflag:s8] =	ssyncset.s32 @!p0 $0xFFFFF086;
	s6 =	sadd.s32 @!p0 s3, s7;
	s7 =	simm.s32 @!p0 $0x108  }
0x21: {  	s3 =	sadd.s32 s3, s9;
	s6 =	sadd.s32 @!p0 $0x88, s6;
	s7 =	simm.s32 @p2 $0x1082  }
0x22: {  	[simem:s7], [sflag:s8] =	dma.local @!p0 [hbm:s6], $0xF7A  }
0x23: {  	s9 =	sor.u32 $0xD0000000, s2;
	s6 =	simm.s32 $0x108;
	_ =	swait.ge @!p0 [sflag:s8], $0x0  }
0x24: {  	s3 =	sadd.s32 $0x88, s3;
	s6 =	simm.s32 @!p1 $0x1082;
	[sflag:s4] =	ssyncset.s32 $0xFFFFF086  }
0x25: {  	[simem:s6], [sflag:s4] =	dma.local [hbm:s3], $0xF7A  }
0x26: {  	[smem:$0x3F99] =	sst s1;
	(tag) =	ssettag s2;
	_ =	strace s9  }
0x27: {  	s1 =	sld [smem:$0x3FA9]  }
0x28: {  	s2 =	sld [smem:$0x3FAA]  }
0x29: {  	s4 =	sld [smem:$0x3FAC]  }
0x2a: {  	p0 =	seq.s32 s5, $0x0;
	s5 =	sld [smem:$0x3FAD]  }
0x2b: {  	s6 =	sld [smem:$0x3FAE]  }
0x2c: {  	s7 =	sld [smem:$0x3FAF]  }
0x2d: {  	s3 =	simm.s32 $0x108;
	s8 =	sld [smem:$0x3FB0]  }
0x2e: {  	s3 =	simm.s32 @!p0 $0x1082;
	s9 =	sld [smem:$0x3FB1]  }
0x2f: {  	lr =	sadd.s32 s0, s3;
	s0 =	sld [smem:$0x3FA8]  }
0x30: {  	s3 =	sld [smem:$0x3FAB]  }
0x31: {  	[smem:$0x3FB4] =	sst s10  }
0x32: {  	s10 =	sld [smem:$0x3FB2];
	_ =	sdelay $0x3  }
0x33: {  	p0 =	seq.s32 s10, $0x1;
	s10 =	sld [smem:$0x3FB4];
	_ =	sdelay $0x3  }
0x34: {  	[smem:$0x3FB4] =	sst s10  }
0x35: {  	s10 =	sld [smem:$0x3FB3];
	_ =	sdelay $0x3  }
0x36: {  	p1 =	seq.s32 s10, $0x1;
	s10 =	sld [smem:$0x3FB4];
	_ =	sdelay $0x3  }
0x37: {  	[smem:$0x3FB4] =	sst s10  }
0x38: {  	s10 =	sld [smem:$0x3FB5]  }
0x39: {  	_ = 	snop;
	(pc) =	sbr.ind lr, $3  }
0x3a: {  	_ = 	snop  }
0x3b: {  	_ = 	snop  }
0x3c: {  	p2 =	seq.s32 s10, $0x1;
	s10 =	sld [smem:$0x3FB4]  }
0x3d: {  	_ =	shalt  }
0x3e: {  	_ =	shalt  }
0x3f: {  	_ =	shalt  }
0x40: {  	_ =	shalt  }
0x41: {  	_ =	shalt  }
0x42: {  	_ =	shalt  }
0x43: {  	_ =	shalt  }
0x44: {  	_ =	shalt  }
0x45: {  	_ =	shalt  }
0x46: {  	_ =	shalt  }
0x47: {  	_ =	shalt  }
0x48: {  	_ =	shalt  }
0x49: {  	_ =	shalt  }
0x4a: {  	_ =	shalt  }
0x4b: {  	_ =	shalt  }
0x4c: {  	_ =	shalt  }
0x4d: {  	_ =	shalt  }
0x4e: {  	_ =	shalt  }
0x4f: {  	_ =	shalt  }
0x50: {  	_ =	shalt  }
0x51: {  	_ =	shalt  }
0x52: {  	_ =	shalt  }
0x53: {  	_ =	shalt  }
0x54: {  	_ =	shalt  }
0x55: {  	_ =	shalt  }
0x56: {  	_ =	shalt  }
0x57: {  	_ =	shalt  }
0x58: {  	_ =	shalt  }
0x59: {  	_ =	shalt  }
0x5a: {  	_ =	shalt  }
0x5b: {  	_ =	shalt  }
0x5c: {  	_ =	shalt  }
0x5d: {  	_ =	shalt  }
0x5e: {  	_ =	shalt  }
0x5f: {  	_ =	shalt  }
0x60: {  	_ =	shalt  }
0x61: {  	_ =	shalt  }
0x62: {  	_ =	shalt  }
0x63: {  	_ =	shalt  }
0x64: {  	_ =	shalt  }
0x65: {  	_ =	shalt  }
0x66: {  	_ =	shalt  }
0x67: {  	_ =	shalt  }
0x68: {  	_ =	shalt  }
0x69: {  	_ =	shalt  }
0x6a: {  	_ =	shalt  }
0x6b: {  	_ =	shalt  }
0x6c: {  	_ =	shalt  }
0x6d: {  	_ =	shalt  }
0x6e: {  	_ =	shalt  }
0x6f: {  	_ =	shalt  }
0x70: {  	_ =	shalt  }
0x71: {  	_ =	shalt  }
0x72: {  	_ =	shalt  }
0x73: {  	_ =	shalt  }
0x74: {  	_ =	shalt  }
0x75: {  	_ =	shalt  }
0x76: {  	_ =	shalt  }
0x77: {  	_ =	shalt  }
0x78: {  	_ =	shalt  }
0x79: {  	_ =	shalt  }
0x7a: {  	_ =	shalt  }
0x7b: {  	_ =	shalt  }
0x7c: {  	_ =	shalt  }
0x7d: {  	_ =	shalt  }
0x7e: {  	_ =	shalt  }
0x7f: {  	_ =	shalt  }
0x80: {  	_ =	shalt  }
0x81: {  	_ =	shalt  }
0x82: {  	_ =	shalt  }
0x83: {  	_ =	shalt  }
0x84: {  	_ =	shalt  }
0x85: {  	_ =	shalt  }
0x86: {  	_ =	shalt  }
0x87: {  	_ =	shalt  }
.Lfunc_end0:
.L_simem_size_0:
called_computation.2_lowered:
.L_overlay_start_0:
0x88: {  	s2 =	sld [smem:$0x3FD9]  }
0x89: {  	s3 =	sld [smem:$0x3FFE];
	_ =	sdelay $0x1  }
0x8a: {  	s1 =	srdreg.scid  }
0x8b: {  	s0 =	sand.u32 $0x1, s1  }
0x8c: {  	s17 =	sshll.u32 s0, $0xA;
	s2 =	sadd.s32 s3, s2  }
0x8d: {  	s2 =	sadd.s32 s2, s17  }
0x8e: {  	[smem:$0x3FC0] =	sst s2  }
0x8f: {  	_ = 	snop  }
0x90: {  	s2 =	sld [smem:$0x3FD0];
	(tm) =	ssettm $0x1  }
0x91: {  	s18 =	sld [smem:$0x3FFB];
	_ =	sdelay $0x3  }
0x92: {  	_ =	strace s18  }
0x93: {  	s3 =	sld [smem:$0x3FFC];
	_ =	sdelay $0x3  }
0x94: {  	_ =	strace s3  }
0x95: {  	s3 =	sld [smem:$0x3FFD];
	_ =	sdelay $0x3  }
0x96: {  	_ =	strace s3  }
0x97: {  	_ =	strace $0x8FFFFFFF  }
0x98: {  	s19 =	sld [smem:$0x3FDB];
	_ =	sdelay $0x1  }
0x99: {  	s4 =	simm.s32 $_scs_section_size  }
0x9a: {  	s5 =	simm.s32 $_size__tile_overlayer_lowered;
	s6 =	simm.s32 $_tile_overlayer_lowered  }
0x9b: {  	s22 =	simm.s32 $0x1BFF;
	s21 =	sshll.u32 s6, $0x1;
	s3 =	sadd.s32 s4, s19  }
0x9c: {  	s7 =	simm.s32 $0x0;
	s20 =	sshll.u32 s5, $0x1;
	s5 =	sadd.s32 s21, s3  }
0x9d: {  	[timem:s7], [sflag:s22] =	dma.local [hbm:s5], s20  }
0x9e: {  	_ =	swait.ge [sflag:s22], s20  }
0x9f: {  	s4 =	ssub.s32 $0x0, s20;
	[sflag:s22] =	ssyncset.done $0x0  }
0xa0: {  	[sflag:s22] =	ssyncadd.s32 s4;
	_ =	sdelay $0x1  }
0xa1: {  	s23 =	simm.s32 $0x1B8B  }
0xa2: {  	_ =	swait.ge [sflag:s23], $0x1  }
0xa3: {  	[sflag:s23] =	ssyncset.done $0x0  }
0xa4: {  	s25 =	simm.s32 $0x1B8E;
	s24 =	sld [smem:$0x3FFE];
	[sflag:s23] =	ssyncadd.s32 $0xFFFFFFFF  }
0xa5: {  	s26 =	simm.s32 $execute0_lowered;
	[smem:$0x3FD2] =	sst s25  }
0xa6: {  	s5 =	sshll.u32 s26, $0x1;
	_ =	strace $0x8000004C;
	[dreg:$0x1] =	wrdreg $0xFFFFFFFF  }
0xa7: {  	s28 =	simm.s32 $_size_execute0_lowered;
	s3 =	sadd.s32 s3, s5;
	[dreg:$0x0] =	wrdreg $0x0  }
0xa8: {  	s5 =	sshll.u32 s28, $0x1;
	[dreg:$0x2] =	wrdreg s3  }
0xa9: {  	[dreg:$0x3] =	wrdreg s5  }
0xaa: {  	[dreg:$0x4] =	wrdreg $0xC0  }
0xab: {  	_ =	task [dreg:s7], $0x5FFFF  }
0xac: {  	[dreg:$0x1] =	wrdreg $0xFFFFFFFF  }
0xad: {  	[dreg:$0x0] =	wrdreg $0x60  }
0xae: {  	[dreg:$0x2] =	wrdreg s2  }
0xaf: {  	[dreg:$0x3] =	wrdreg s24  }
0xb0: {  	[dreg:$0x4] =	wrdreg $0x0  }
0xb1: {  	[dreg:$0x5] =	wrdreg $0x9  }
0xb2: {  	_ =	task.clear_ibuf [dreg:s7], $0x6FFFF;
	_ =	strace $0x9000004C  }
0xb3: {  	s29 =	simm.s32 $0x9;
	_ =	strace $0x8000004E  }
0xb4: {  	_ =	swait.ge [sflag:s29], $0x1  }
0xb5: {  	[sflag:s29] =	ssyncadd.s32 $0xFFFFFFFF  }
0xb6: {  	_ =	strace $0x9000004E  }
0xb7: {  	_ =	sfence  }
0xb8: {  	s30 =	sld [smem:$0x0];
	_ =	sdelay $0x2  }
0xb9: {  	s31 =	sshll.u32 s1, $0xD;
	s1 =	sshrl.u32 s1, $0x2  }
0xba: {  	s3 =	sand.u32 $0x4000, s31;
	s1 =	sadd.s32 s1, s30  }
0xbb: {  	s0 =	sor.u32 s3, s0;
	s1 =	sshll.u32 s1, $0x11  }
0xbc: {  	s0 =	sor.u32 s1, s0  }
0xbd: {  	s0 =	sadd.s32 $0x8F2B, s0  }
0xbe: {  	[sflag:s0] =	ssyncadd.remote.s32 $0x1  }
0xbf: {  	_ =	sfence.sel $0xFFFF  }
0xc0: {  	[dreg:$0x0] =	wrdreg $0xFFFFFFFF;
	(pc) =	sbr.abs _section_cstart, $3  }
0xc1: {  	[dreg:$0x1] =	wrdreg $0xFFFFFFFF  }
0xc2: {  	_ =	task.clear_ibuf [dreg:s7], $0x2FFFF;
	_ =	strace $0x9FFFFFFF  }
0xc3: {  	(tm) =	ssettm $0x7FFFFFFF  }
tec
execute0_lowered:
.L_overlay_start_1:
0x0: {  	(tag) =	ssettag $0x1  }
0x1: {  	s1 =	rddreg [dreg:$0x0]  }
0x2: {  	s6 =	rddreg [dreg:$0x1]  }
0x3: {  	s3 =	rddreg [dreg:$0x2]  }
0x4: {  	s0 =	rddreg [dreg:$0x3];
	s5 =	srdreg.scid  }
0x5: {  	s4 =	simm.s32 $0x0;
	s2 =	stileid.u32;
	s16 =	simm.s32 $0x13980  }
0x6: {  	s17 =	simm.s32 $0x80;
	s18 =	simm.s32 $0x13900;
	s20 =	simm.s32 $0x1  }
0x7: {  	s21 =	simm.s32 $0x0;
	s7 =	sand.u32 $0x1, s5;
	[smem:$0x7FF] =	sst s4  }
0x8: {  	s29 =	sshll.u32 s2, $0x4;
	s5 =	sadd.s32 $0xC600, s6;
	s11 =	smul.u32 $0x32000, s2  }
0x9: {  	p0 =	slt.u32 s2, $0x9;
	s31 =	sshll.u32 s2, $0x6;
	s15 =	smul.u32 $0x1900, s2  }
0xa: {  	s8 =	smul.u32 $0x27100, s7;
	_ =	strace $0x8000004D;
	s13 =	sadd.s32 s29, s6  }
0xb: {  	s9 =	ssub.s32 $0x2, s7;
	s19 =	smul.u32 $0x2710, s7;
	s7 =	simm.s32 $0x2  }
0xc: {  	s30 =	sshrl.u32 s9, $0x1;
	s7 =	simm.s32 @!p0 $0x1;
	p0 =	slt.u32 s2, $0x2  }
0xd: {  	s11 =	sshrl.u32 s11, $0x2;
	s12 =	sadd.s32 $0x6E00, s13;
	s13 =	sadd.s32 $0x1E00, s13  }
0xe: {  	s14 =	sadd.s32 s8, s6;
	s10 =	ssub.s32 s9, s30;
	s6 =	simm.s32 $0x2  }
0xf: {  	s8 =	sor.u32 $0x1C02, s31;
	s9 =	simm.s32 $0x4F;
	s11 =	sadd.s32 s11, s3  }
0x10: {  	v0 =	vmov s19;
	s19 =	simm.s32 $0x13A00;
	s9 =	simm.s32 @!p0 $0x4E;
	s14 =	sadd.s32 s15, s14  }
0x11: {  	s10 =	smax.u32 s10, $0x1;
	s15 =	simm.s32 $0x13880;
	s14 =	sadd.s32 $0xE000, s14  }
.LBB2_1:
0x12: {  	p0 =	sne.s32 s7, $0x1  }
.Ltmp0:
0x13: {  	_ = 	snop;
	(pc) =	sbr.rel @!p0 .LBB2_3-.Ltmp0, $4  }
0x14: {  	s22 =	sshrl.u32 s11, $0x3  }
0x15: {  	[spmem:s22], [sflag:s8] =	dma.local [hbm:s5], $0x1900  }
0x16: {  	_ =	swait.ge [sflag:s6], $0x1900  }
0x17: {  	s23 =	sadd.s32 $0xFFFFFFFF, s7;
	s24 =	sadd.s32 $0xC8000, s11;
	[sflag:s6] =	ssyncset.done $0x0  }
.LBB2_2:
0x18: {  	s25 =	sshrl.u32 s24, $0x3;
	[sflag:s6] =	ssyncadd.s32 $0xFFFFE700;
	p1 =	sne.s32 s23, $0x1  }
0x19: {  	[spmem:s25], [sflag:s8] =	dma.local [hbm:s5], $0x1900  }
.Ltmp1:
0x1a: {  	_ = 	snop;
	(pc) =	sbr.rel @p1 .LBB2_2-.Ltmp1, $4  }
0x1b: {  	_ = 	snop  }
0x1c: {  	s23 =	sadd.s32 $0xFFFFFFFF, s23  }
0x1d: {  	_ =	swait.ge [sflag:s6], $0x1900  }
0x1e: {  	s24 =	sadd.s32 $0xC8000, s24;
	[sflag:s6] =	ssyncset.done $0x0  }
.LBB2_3:
0x1f: {  	[sflag:s6] =	ssyncadd.s32 $0xFFFFE700  }
0x20: {  	[bflag:$0x0] =	sbarrier.arrive $0xFFFF  }
0x21: {  	[tilespmem:s15], [sflag:$0x2] =	stream.linear.gather [hbm4b:s13+s4], $0x80, $0x38;
	[tilespmem:$0x17A00] =	vst v63  }
0x22: {  	_ =	swait.ge [sflag:s6], $0x80  }
0x23: {  	[sflag:s6] =	ssyncset.done $0x0  }
0x24: {  	[sflag:s6] =	ssyncadd.s32 $0xFFFFFF80  }
0x25: {  	[tilespmem:s16], [sflag:$0x2] =	stream.linear.gather [hbm4b:s12+s4], $0x80, $0x38;
	[tilespmem:$0x17A00] =	vst v63  }
0x26: {  	_ =	swait.ge [sflag:s6], $0x80  }
0x27: {  	[sflag:s6] =	ssyncset.done $0x0  }
0x28: {  	[sflag:s6] =	ssyncadd.s32 $0xFFFFFF80  }
0x29: {  	v1 =	vld [tilespmem:$0x138F0]  }
0x2a: {  	v2 =	vld [tilespmem:$0x138E0]  }
0x2b: {  	v3 =	vld [tilespmem:$0x138D0]  }
0x2c: {  	v4 =	vld [tilespmem:$0x138B0]  }
0x2d: {  	v5 =	vld [tilespmem:$0x138A0]  }
0x2e: {  	v6 =	vld [tilespmem:$0x13890];
	v1 =	vadd.s32 v0, v1  }
0x2f: {  	v7 =	vld [tilespmem:$0x138C0];
	v2 =	vadd.s32 v0, v2;
	[tilespmem:$0x13970] =	vst v1  }
0x30: {  	v3 =	vadd.s32 v0, v3;
	v1 =	vld [tilespmem:$0x13880];
	[tilespmem:$0x13960] =	vst v2  }
0x31: {  	p1 =	sne.s32 s9, $0x1;
	v2 =	vadd.s32 v0, v4;
	[tilespmem:$0x13950] =	vst v3  }
.Ltmp2:
0x32: {  	v3 =	vadd.s32 v0, v5;
	[tilespmem:$0x13930] =	vst v2;
	(pc) =	sbr.rel @!p1 .LBB2_5-.Ltmp2, $4  }
0x33: {  	v2 =	vadd.s32 v0, v6;
	[tilespmem:$0x13920] =	vst v3  }
0x34: {  	[tilespmem:$0x13910] =	vst v2;
	v2 =	vadd.s32 v0, v7  }
0x35: {  	[tilespmem:$0x13940] =	vst v2;
	v1 =	vadd.s32 v0, v1  }
0x36: {  	s23 =	sadd.s32 $0xFFFFFFFF, s9;
	s24 =	sadd.s32 $0x100, s12;
	s25 =	sadd.s32 $0x100, s13;
	[tilespmem:$0x13900] =	vst v1  }
.LBB2_4:
0x37: {  	[tilespmem:s19], [sflag:$0x1] =	stream.indirect.gather [hbm4b:s1+s17], $0x80, s18, s17, $0xb8;
	[tilespmem:$0x17A00] =	vst v63  }
0x38: {  	p1 =	sne.s32 s23, $0x1;
	s23 =	sadd.s32 $0xFFFFFFFF, s23;
	_ =	swait.ge [sflag:s20], $0x4000  }
0x39: {  	[sflag:s20] =	ssyncset.done $0x0  }
0x3a: {  	[sflag:s20] =	ssyncadd.s32 $0xFFFFC000  }
0x3b: {  	[spmem:s3] =	stream.indirect.scatter.add.f32 [tilespmem:s19], [sflag:$0x2], $0x80, s16, s17, $0xb8;
	[tilespmem:$0x17A00] =	vst v63  }
0x3c: {  	_ =	swait.ge [sflag:s6], $0x4000  }
0x3d: {  	[sflag:s6] =	ssyncset.done $0x0  }
0x3e: {  	[sflag:s6] =	ssyncadd.s32 $0xFFFFC000  }
0x3f: {  	[tilespmem:s15], [sflag:$0x2] =	stream.linear.gather [hbm4b:s25+s4], $0x80, $0x38;
	[tilespmem:$0x17A00] =	vst v63  }
0x40: {  	_ =	swait.ge [sflag:s6], $0x80  }
0x41: {  	[sflag:s6] =	ssyncset.done $0x0  }
0x42: {  	[sflag:s6] =	ssyncadd.s32 $0xFFFFFF80  }
0x43: {  	[tilespmem:s16], [sflag:$0x2] =	stream.linear.gather [hbm4b:s24+s4], $0x80, $0x38;
	[tilespmem:$0x17A00] =	vst v63  }
0x44: {  	_ =	swait.ge [sflag:s6], $0x80  }
0x45: {  	[sflag:s6] =	ssyncset.done $0x0  }
0x46: {  	[sflag:s6] =	ssyncadd.s32 $0xFFFFFF80  }
0x47: {  	v1 =	vld [tilespmem:$0x138F0]  }
0x48: {  	v2 =	vld [tilespmem:$0x138E0]  }
0x49: {  	v3 =	vld [tilespmem:$0x138D0]  }
0x4a: {  	v4 =	vld [tilespmem:$0x138B0]  }
0x4b: {  	v5 =	vld [tilespmem:$0x138A0]  }
0x4c: {  	v6 =	vld [tilespmem:$0x13890];
	v1 =	vadd.s32 v0, v1  }
0x4d: {  	v7 =	vld [tilespmem:$0x138C0];
	v2 =	vadd.s32 v0, v2;
	[tilespmem:$0x13970] =	vst v1  }
0x4e: {  	v1 =	vld [tilespmem:$0x13880];
	v3 =	vadd.s32 v0, v3;
	[tilespmem:$0x13960] =	vst v2  }
0x4f: {  	v2 =	vadd.s32 v0, v4;
	[tilespmem:$0x13950] =	vst v3  }
.Ltmp3:
0x50: {  	v3 =	vadd.s32 v0, v5;
	[tilespmem:$0x13930] =	vst v2;
	(pc) =	sbr.rel @p1 .LBB2_4-.Ltmp3, $4  }
0x51: {  	v2 =	vadd.s32 v0, v6;
	[tilespmem:$0x13920] =	vst v3  }
0x52: {  	[tilespmem:$0x13910] =	vst v2;
	v2 =	vadd.s32 v0, v7  }
0x53: {  	v1 =	vadd.s32 v0, v1;
	[tilespmem:$0x13940] =	vst v2  }
0x54: {  	s25 =	sadd.s32 $0x100, s25;
	s24 =	sadd.s32 $0x100, s24;
	[tilespmem:$0x13900] =	vst v1  }
.LBB2_5:
0x55: {  	[tilespmem:s19], [sflag:$0x1] =	stream.indirect.gather [hbm4b:s1+s17], $0x80, s18, s17, $0xb8;
	[tilespmem:$0x17A00] =	vst v63  }
0x56: {  	_ =	swait.ge [sflag:s20], $0x4000  }
0x57: {  	[sflag:s20] =	ssyncset.done $0x0  }
0x58: {  	[sflag:s20] =	ssyncadd.s32 $0xFFFFC000  }
0x59: {  	[spmem:s3] =	stream.indirect.scatter.add.f32 [tilespmem:s19], [sflag:$0x2], $0x80, s16, s17, $0xb8;
	[tilespmem:$0x17A00] =	vst v63  }
0x5a: {  	_ =	swait.ge [sflag:s6], $0x4000  }
0x5b: {  	[sflag:s6] =	ssyncset.done $0x0  }
.Ltmp4:
0x5c: {  	[sflag:s6] =	ssyncadd.s32 $0xFFFFC000;
	(pc) =	sbr.rel @!p0 .LBB2_7-.Ltmp4, $4  }
0x5d: {  	[bflag:$0x0] =	sbarrier.arrive $0xFFFF  }
0x5e: {  	[hbm:s14], [sflag:s8] =	dma.local [spmem:s22], $0x1900  }
0x5f: {  	s23 =	sadd.s32 $0xC8000, s11;
	_ =	swait.ge [sflag:s6], $0x1900  }
0x60: {  	s24 =	smov.u32 s14;
	s22 =	sadd.s32 $0xFFFFFFFF, s7;
	[sflag:s6] =	ssyncset.done $0x0  }
.LBB2_6:
0x61: {  	s25 =	sshrl.u32 s23, $0x3  }
0x62: {  	[sflag:s6] =	ssyncadd.s32 $0xFFFFE700;
	s24 =	sadd.s32 $0x19000, s24;
	p0 =	sne.s32 s22, $0x1  }
0x63: {  	[hbm:s24], [sflag:s8] =	dma.local [spmem:s25], $0x1900  }
.Ltmp5:
0x64: {  	_ = 	snop;
	(pc) =	sbr.rel @p0 .LBB2_6-.Ltmp5, $4  }
0x65: {  	_ = 	snop  }
0x66: {  	s22 =	sadd.s32 $0xFFFFFFFF, s22  }
0x67: {  	_ =	swait.ge [sflag:s6], $0x1900  }
0x68: {  	s23 =	sadd.s32 $0xC8000, s23;
	[sflag:s6] =	ssyncset.done $0x0  }
.LBB2_7:
0x69: {  	s21 =	sadd.s32 $0x1, s21  }
0x6a: {  	p0 =	sne.s32 s21, s10  }
.Ltmp6:
0x6b: {  	_ = 	snop;
	(pc) =	sbr.rel @p0 .LBB2_1-.Ltmp6, $2  }
0x6c: {  	_ =	sdelay $0x2  }
0x6d: {  	[sflag:s6] =	ssyncadd.s32 $0xFFFFE700  }
0x6e: {  	_ =	sfence.sel $0x180000  }
0x6f: {  	[bflag:$0x0] =	sbarrier.arrive $0xFFFF  }
0x70: {  	p0 =	sne.s32 s2, $0x0;
	_ =	strace $0x9000004D  }
0x71: {  	s0 =	sadd.s32 @!p0 $0x100000, s0;
	[bflag:$0x2] =	sbarrier.arrive $0xFFFF  }
0x72: {  	[sflag:s0] =	ssyncadd.tile.s32 @!p0 $0x1;
	_ =	shalt  }
.Lfunc_end2:
_tile_overlayer_lowered:
.L_overlay_start_2:
0x73: {  	(tag) =	ssettag $0x2  }
0x74: {  	s0 =	rddreg [dreg:$0x0];
	s2 =	stileid.u32  }
0x75: {  	s1 =	rddreg [dreg:$0x1];
	p0 =	sne.s32 s2, $0x0  }
0x76: {  	s3 =	rddreg [dreg:$0x2];
	[bflag:$0x3] =	sbarrier.arrive $0xFFFF;
	s2 =	simm.s32 @!p0 $0x1C02  }
0x77: {  	[timem:s3], [sflag:s2] =	dma.local @!p0 [hbm:s0], s1  }
0x78: {  	s0 =	simm.s32 @!p0 $0x2  }
0x79: {  	_ =	swait.ge @!p0 [sflag:s0], s1  }
0x7a: {  	s1 =	ssub.s32 @!p0 $0x0, s1;
	[sflag:s0] =	ssyncset.done @!p0 $0x0  }
0x7b: {  	[sflag:s0] =	ssyncadd.s32 @!p0 s1  }
0x7c: {  	[bflag:$0x3] =	sbarrier.arrive $0xFFFF  }
0x7d: {  	_ =	shalt  }

// kernel: kernel.19.cloned.1.call-start
scs
__scs_entry_jumppad:
0x0: {  	(pc) =	sbr.rel $0x88, $3  }
0x1: {  	(tag) =	ssettag $0x0;
	lr =	simm.s32 $0x1  }
0x2: {  	[smem:$0x3F99] =	sst lr;
	_ =	strace $0xD0000000  }
0x3: {  	_ = 	snop  }
0x4: {  	_ = 	snop  }
0x5: {  	_ = 	snop  }
0x6: {  	_ = 	snop  }
0x7: {  	_ = 	snop  }
__scs_overlays_trampoline_lowered:
0x8: {  	[smem:$0x3FA8] =	sst s0  }
0x9: {  	[smem:$0x3FA9] =	sst s1  }
0xa: {  	[smem:$0x3FAA] =	sst s2  }
0xb: {  	[smem:$0x3FAB] =	sst s3  }
0xc: {  	[smem:$0x3FAC] =	sst s4  }
0xd: {  	[smem:$0x3FAD] =	sst s5  }
0xe: {  	[smem:$0x3FAE] =	sst s6  }
0xf: {  	[smem:$0x3FAF] =	sst s7  }
0x10: {  	[smem:$0x3FB0] =	sst s8  }
0x11: {  	[smem:$0x3FB1] =	sst s9;
	s0 =	simm.s32 @!p0 $0x0  }
0x12: {  	s1 =	sld [smem:$0x3F97];
	s0 =	simm.s32 @p0 $0x1  }
0x13: {  	[smem:$0x3FB2] =	sst s0;
	s0 =	simm.s32 @!p1 $0x0  }
0x14: {  	s2 =	sld [smem:$0x3F96];
	s0 =	simm.s32 @p1 $0x1  }
0x15: {  	[smem:$0x3FB3] =	sst s0;
	s0 =	simm.s32 @!p2 $0x0  }
0x16: {  	s3 =	sld [smem:$0x3FDB];
	s0 =	simm.s32 @p2 $0x1  }
0x17: {  	s4 =	simm.s32 $0x1BF5;
	[smem:$0x3FB5] =	sst s0  }
0x18: {  	s0 =	sld [smem:$0x3F98];
	_ =	swait.ge [sflag:s4], $0x0  }
0x19: {  	s7 =	sld [smem:$0x3F99]  }
0x1a: {  	s8 =	sadd.s32 $0xFFFFE003, lr  }
0x1b: {  	s9 =	sadd.s32 $0xFFFFFEF7, lr;
	s5 =	simm.s32 $0xFFFFFFFF;
	p2 =	slt.u32 s8, $0xFFFFF086  }
0x1c: {  	p1 =	slt.u32 s9, $0xF7A;
	s5 =	simm.s32 @!p2 $0x0  }
0x1d: {  	s5 =	simm.s32 @p1 $0x1;
	p0 =	seq.s32 s7, s2  }
0x1e: {  	s7 =	smul.u32 @!p0 $0xF7A, s2;
	p2 =	seq.s32 @!p0 s5, $0x0  }
0x1f: {  	s9 =	smul.u32 $0xF7A, s1;
	s8 =	simm.s32 @!p0 $0x1BF5;
	p2 =	por !p2, p0  }
0x20: {  	[sflag:s8] =	ssyncset.s32 @!p0 $0xFFFFF086;
	s6 =	sadd.s32 @!p0 s3, s7;
	s7 =	simm.s32 @!p0 $0x108  }
0x21: {  	s3 =	sadd.s32 s3, s9;
	s6 =	sadd.s32 @!p0 $0x88, s6;
	s7 =	simm.s32 @p2 $0x1082  }
0x22: {  	[simem:s7], [sflag:s8] =	dma.local @!p0 [hbm:s6], $0xF7A  }
0x23: {  	s9 =	sor.u32 $0xD0000000, s2;
	s6 =	simm.s32 $0x108;
	_ =	swait.ge @!p0 [sflag:s8], $0x0  }
0x24: {  	s3 =	sadd.s32 $0x88, s3;
	s6 =	simm.s32 @!p1 $0x1082;
	[sflag:s4] =	ssyncset.s32 $0xFFFFF086  }
0x25: {  	[simem:s6], [sflag:s4] =	dma.local [hbm:s3], $0xF7A  }
0x26: {  	[smem:$0x3F99] =	sst s1;
	(tag) =	ssettag s2;
	_ =	strace s9  }
0x27: {  	s1 =	sld [smem:$0x3FA9]  }
0x28: {  	s2 =	sld [smem:$0x3FAA]  }
0x29: {  	s4 =	sld [smem:$0x3FAC]  }
0x2a: {  	p0 =	seq.s32 s5, $0x0;
	s5 =	sld [smem:$0x3FAD]  }
0x2b: {  	s6 =	sld [smem:$0x3FAE]  }
0x2c: {  	s7 =	sld [smem:$0x3FAF]  }
0x2d: {  	s3 =	simm.s32 $0x108;
	s8 =	sld [smem:$0x3FB0]  }
0x2e: {  	s3 =	simm.s32 @!p0 $0x1082;
	s9 =	sld [smem:$0x3FB1]  }
0x2f: {  	lr =	sadd.s32 s0, s3;
	s0 =	sld [smem:$0x3FA8]  }
0x30: {  	s3 =	sld [smem:$0x3FAB]  }
0x31: {  	[smem:$0x3FB4] =	sst s10  }
0x32: {  	s10 =	sld [smem:$0x3FB2];
	_ =	sdelay $0x3  }
0x33: {  	p0 =	seq.s32 s10, $0x1;
	s10 =	sld [smem:$0x3FB4];
	_ =	sdelay $0x3  }
0x34: {  	[smem:$0x3FB4] =	sst s10  }
0x35: {  	s10 =	sld [smem:$0x3FB3];
	_ =	sdelay $0x3  }
0x36: {  	p1 =	seq.s32 s10, $0x1;
	s10 =	sld [smem:$0x3FB4];
	_ =	sdelay $0x3  }
0x37: {  	[smem:$0x3FB4] =	sst s10  }
0x38: {  	s10 =	sld [smem:$0x3FB5]  }
0x39: {  	_ = 	snop;
	(pc) =	sbr.ind lr, $3  }
0x3a: {  	_ = 	snop  }
0x3b: {  	_ = 	snop  }
0x3c: {  	p2 =	seq.s32 s10, $0x1;
	s10 =	sld [smem:$0x3FB4]  }
0x3d: {  	_ =	shalt  }
0x3e: {  	_ =	shalt  }
0x3f: {  	_ =	shalt  }
0x40: {  	_ =	shalt  }
0x41: {  	_ =	shalt  }
0x42: {  	_ =	shalt  }
0x43: {  	_ =	shalt  }
0x44: {  	_ =	shalt  }
0x45: {  	_ =	shalt  }
0x46: {  	_ =	shalt  }
0x47: {  	_ =	shalt  }
0x48: {  	_ =	shalt  }
0x49: {  	_ =	shalt  }
0x4a: {  	_ =	shalt  }
0x4b: {  	_ =	shalt  }
0x4c: {  	_ =	shalt  }
0x4d: {  	_ =	shalt  }
0x4e: {  	_ =	shalt  }
0x4f: {  	_ =	shalt  }
0x50: {  	_ =	shalt  }
0x51: {  	_ =	shalt  }
0x52: {  	_ =	shalt  }
0x53: {  	_ =	shalt  }
0x54: {  	_ =	shalt  }
0x55: {  	_ =	shalt  }
0x56: {  	_ =	shalt  }
0x57: {  	_ =	shalt  }
0x58: {  	_ =	shalt  }
0x59: {  	_ =	shalt  }
0x5a: {  	_ =	shalt  }
0x5b: {  	_ =	shalt  }
0x5c: {  	_ =	shalt  }
0x5d: {  	_ =	shalt  }
0x5e: {  	_ =	shalt  }
0x5f: {  	_ =	shalt  }
0x60: {  	_ =	shalt  }
0x61: {  	_ =	shalt  }
0x62: {  	_ =	shalt  }
0x63: {  	_ =	shalt  }
0x64: {  	_ =	shalt  }
0x65: {  	_ =	shalt  }
0x66: {  	_ =	shalt  }
0x67: {  	_ =	shalt  }
0x68: {  	_ =	shalt  }
0x69: {  	_ =	shalt  }
0x6a: {  	_ =	shalt  }
0x6b: {  	_ =	shalt  }
0x6c: {  	_ =	shalt  }
0x6d: {  	_ =	shalt  }
0x6e: {  	_ =	shalt  }
0x6f: {  	_ =	shalt  }
0x70: {  	_ =	shalt  }
0x71: {  	_ =	shalt  }
0x72: {  	_ =	shalt  }
0x73: {  	_ =	shalt  }
0x74: {  	_ =	shalt  }
0x75: {  	_ =	shalt  }
0x76: {  	_ =	shalt  }
0x77: {  	_ =	shalt  }
0x78: {  	_ =	shalt  }
0x79: {  	_ =	shalt  }
0x7a: {  	_ =	shalt  }
0x7b: {  	_ =	shalt  }
0x7c: {  	_ =	shalt  }
0x7d: {  	_ =	shalt  }
0x7e: {  	_ =	shalt  }
0x7f: {  	_ =	shalt  }
0x80: {  	_ =	shalt  }
0x81: {  	_ =	shalt  }
0x82: {  	_ =	shalt  }
0x83: {  	_ =	shalt  }
0x84: {  	_ =	shalt  }
0x85: {  	_ =	shalt  }
0x86: {  	_ =	shalt  }
0x87: {  	_ =	shalt  }
.Lfunc_end0:
.L_simem_size_0:
called_computation.3_lowered:
.L_overlay_start_0:
0x88: {  	s2 =	sld [smem:$0x3FD9]  }
0x89: {  	s3 =	sld [smem:$0x3FFE];
	_ =	sdelay $0x1  }
0x8a: {  	s1 =	srdreg.scid  }
0x8b: {  	s0 =	sand.u32 $0x1, s1  }
0x8c: {  	s17 =	sshll.u32 s0, $0xA;
	s2 =	sadd.s32 s3, s2  }
0x8d: {  	s2 =	sadd.s32 s2, s17  }
0x8e: {  	[smem:$0x3FC0] =	sst s2  }
0x8f: {  	_ = 	snop  }
0x90: {  	s2 =	sld [smem:$0x3FD0];
	(tm) =	ssettm $0x1  }
0x91: {  	s18 =	sld [smem:$0x3FFB];
	_ =	sdelay $0x3  }
0x92: {  	_ =	strace s18  }
0x93: {  	s3 =	sld [smem:$0x3FFC];
	_ =	sdelay $0x3  }
0x94: {  	_ =	strace s3  }
0x95: {  	s3 =	sld [smem:$0x3FFD];
	_ =	sdelay $0x3  }
0x96: {  	_ =	strace s3  }
0x97: {  	_ =	strace $0x8FFFFFFF  }
0x98: {  	s19 =	sld [smem:$0x3FDB];
	_ =	sdelay $0x1  }
0x99: {  	s4 =	simm.s32 $_scs_section_size  }
0x9a: {  	s5 =	simm.s32 $_size__tile_overlayer_lowered;
	s6 =	simm.s32 $_tile_overlayer_lowered  }
0x9b: {  	s22 =	simm.s32 $0x1BFF;
	s21 =	sshll.u32 s6, $0x1;
	s3 =	sadd.s32 s4, s19  }
0x9c: {  	s7 =	simm.s32 $0x0;
	s20 =	sshll.u32 s5, $0x1;
	s5 =	sadd.s32 s21, s3  }
0x9d: {  	[timem:s7], [sflag:s22] =	dma.local [hbm:s5], s20  }
0x9e: {  	_ =	swait.ge [sflag:s22], s20  }
0x9f: {  	s4 =	ssub.s32 $0x0, s20;
	[sflag:s22] =	ssyncset.done $0x0  }
0xa0: {  	[sflag:s22] =	ssyncadd.s32 s4;
	_ =	sdelay $0x1  }
0xa1: {  	s23 =	simm.s32 $0x1B8B  }
0xa2: {  	_ =	swait.ge [sflag:s23], $0x1  }
0xa3: {  	[sflag:s23] =	ssyncset.done $0x0  }
0xa4: {  	s25 =	simm.s32 $0x1B8E;
	s24 =	sld [smem:$0x3FFE];
	[sflag:s23] =	ssyncadd.s32 $0xFFFFFFFF  }
0xa5: {  	s26 =	simm.s32 $execute0_lowered;
	[smem:$0x3FD2] =	sst s25  }
0xa6: {  	s5 =	sshll.u32 s26, $0x1;
	_ =	strace $0x8000004F;
	[dreg:$0x1] =	wrdreg $0xFFFFFFFF  }
0xa7: {  	s28 =	simm.s32 $_size_execute0_lowered;
	s3 =	sadd.s32 s3, s5;
	[dreg:$0x0] =	wrdreg $0x0  }
0xa8: {  	s5 =	sshll.u32 s28, $0x1;
	[dreg:$0x2] =	wrdreg s3  }
0xa9: {  	[dreg:$0x3] =	wrdreg s5  }
0xaa: {  	[dreg:$0x4] =	wrdreg $0xC0  }
0xab: {  	_ =	task [dreg:s7], $0x5FFFF  }
0xac: {  	[dreg:$0x1] =	wrdreg $0xFFFFFFFF  }
0xad: {  	[dreg:$0x0] =	wrdreg $0x60  }
0xae: {  	[dreg:$0x2] =	wrdreg s24  }
0xaf: {  	[dreg:$0x3] =	wrdreg s2  }
0xb0: {  	[dreg:$0x4] =	wrdreg $0x0  }
0xb1: {  	[dreg:$0x5] =	wrdreg $0x9  }
0xb2: {  	_ =	task.clear_ibuf [dreg:s7], $0x6FFFF;
	_ =	strace $0x9000004F  }
0xb3: {  	s29 =	simm.s32 $0x9;
	_ =	strace $0x80000051  }
0xb4: {  	_ =	swait.ge [sflag:s29], $0x1  }
0xb5: {  	[sflag:s29] =	ssyncadd.s32 $0xFFFFFFFF  }
0xb6: {  	_ =	strace $0x90000051  }
0xb7: {  	_ =	sfence  }
0xb8: {  	s30 =	sld [smem:$0x0];
	_ =	sdelay $0x2  }
0xb9: {  	s31 =	sshll.u32 s1, $0xD;
	s1 =	sshrl.u32 s1, $0x2  }
0xba: {  	s3 =	sand.u32 $0x4000, s31;
	s1 =	sadd.s32 s1, s30  }
0xbb: {  	s0 =	sor.u32 s3, s0;
	s1 =	sshll.u32 s1, $0x11  }
0xbc: {  	s0 =	sor.u32 s1, s0  }
0xbd: {  	s0 =	sadd.s32 $0x8F2B, s0  }
0xbe: {  	[sflag:s0] =	ssyncadd.remote.s32 $0x1  }
0xbf: {  	_ =	sfence.sel $0xFFFF  }
0xc0: {  	[dreg:$0x0] =	wrdreg $0xFFFFFFFF;
	(pc) =	sbr.abs _section_cstart, $3  }
0xc1: {  	[dreg:$0x1] =	wrdreg $0xFFFFFFFF  }
0xc2: {  	_ =	task.clear_ibuf [dreg:s7], $0x2FFFF;
	_ =	strace $0x9FFFFFFF  }
0xc3: {  	(tm) =	ssettm $0x7FFFFFFF  }
tec
execute0_lowered:
.L_overlay_start_1:
0x0: {  	(tag) =	ssettag $0x1  }
0x1: {  	s5 =	rddreg [dreg:$0x0]  }
0x2: {  	s13 =	rddreg [dreg:$0x1]  }
0x3: {  	s1 =	rddreg [dreg:$0x2]  }
0x4: {  	s0 =	rddreg [dreg:$0x3];
	s2 =	simm.s32 $0x0  }
0x5: {  	s3 =	srdreg.scid;
	s17 =	simm.s32 $0x80;
	s18 =	simm.s32 $0x13900  }
0x6: {  	s20 =	simm.s32 $0x1;
	[smem:$0x7FF] =	sst s2;
	s10 =	sand.u32 $0x1, s3  }
0x7: {  	s21 =	simm.s32 $0x0;
	s3 =	stileid.u32;
	s19 =	smul.u32 $0x2710, s10  }
0x8: {  	s4 =	sadd.s32 $0xE000, s5;
	_ =	strace $0x80000050;
	s12 =	smul.u32 $0x32000, s3  }
0x9: {  	s6 =	ssub.s32 $0x2, s10;
	s7 =	sshll.u32 s3, $0x4;
	s15 =	smul.u32 $0x27100, s10  }
0xa: {  	p0 =	slt.u32 s3, $0x9;
	s9 =	sshll.u32 s3, $0x6;
	s16 =	smul.u32 $0x1900, s3  }
0xb: {  	s8 =	sshrl.u32 s6, $0x1;
	s14 =	sadd.s32 s7, s5;
	s5 =	sadd.s32 $0xC600, s5  }
0xc: {  	s7 =	simm.s32 $0x2;
	s9 =	sor.u32 $0x1C02, s9;
	s11 =	ssub.s32 s6, s8  }
0xd: {  	s6 =	simm.s32 $0x2;
	s8 =	simm.s32 $0x4F;
	s31 =	sshrl.u32 s12, $0x2  }
0xe: {  	s12 =	sadd.s32 $0x6E00, s14;
	s15 =	sadd.s32 s15, s13;
	s13 =	sadd.s32 $0x1E00, s14  }
0xf: {  	v0 =	vmov s19;
	s19 =	simm.s32 $0x13A00;
	s6 =	simm.s32 @!p0 $0x1;
	p0 =	slt.u32 s3, $0x2  }
0x10: {  	s10 =	smax.u32 s11, $0x1;
	s11 =	sadd.s32 s31, s1;
	s14 =	sadd.s32 s16, s15  }
0x11: {  	s15 =	simm.s32 $0x13880;
	s16 =	simm.s32 $0x13980;
	s8 =	simm.s32 @!p0 $0x4E  }
.LBB2_1:
0x12: {  	p0 =	sne.s32 s6, $0x1  }
.Ltmp0:
0x13: {  	_ = 	snop;
	(pc) =	sbr.rel @!p0 .LBB2_3-.Ltmp0, $4  }
0x14: {  	s22 =	sshrl.u32 s11, $0x3  }
0x15: {  	[spmem:s22], [sflag:s9] =	dma.local [hbm:s5], $0x1900  }
0x16: {  	_ =	swait.ge [sflag:s7], $0x1900  }
0x17: {  	s23 =	sadd.s32 $0xFFFFFFFF, s6;
	s24 =	sadd.s32 $0xC8000, s11;
	[sflag:s7] =	ssyncset.done $0x0  }
.LBB2_2:
0x18: {  	s25 =	sshrl.u32 s24, $0x3;
	[sflag:s7] =	ssyncadd.s32 $0xFFFFE700;
	p1 =	sne.s32 s23, $0x1  }
0x19: {  	[spmem:s25], [sflag:s9] =	dma.local [hbm:s5], $0x1900  }
.Ltmp1:
0x1a: {  	_ = 	snop;
	(pc) =	sbr.rel @p1 .LBB2_2-.Ltmp1, $4  }
0x1b: {  	_ = 	snop  }
0x1c: {  	s23 =	sadd.s32 $0xFFFFFFFF, s23  }
0x1d: {  	_ =	swait.ge [sflag:s7], $0x1900  }
0x1e: {  	s24 =	sadd.s32 $0xC8000, s24;
	[sflag:s7] =	ssyncset.done $0x0  }
.LBB2_3:
0x1f: {  	[sflag:s7] =	ssyncadd.s32 $0xFFFFE700  }
0x20: {  	[bflag:$0x0] =	sbarrier.arrive $0xFFFF  }
0x21: {  	[tilespmem:s15], [sflag:$0x2] =	stream.linear.gather [hbm4b:s13+s2], $0x80, $0x38;
	[tilespmem:$0x17A00] =	vst v63  }
0x22: {  	_ =	swait.ge [sflag:s7], $0x80  }
0x23: {  	[sflag:s7] =	ssyncset.done $0x0  }
0x24: {  	[sflag:s7] =	ssyncadd.s32 $0xFFFFFF80  }
0x25: {  	[tilespmem:s16], [sflag:$0x2] =	stream.linear.gather [hbm4b:s12+s2], $0x80, $0x38;
	[tilespmem:$0x17A00] =	vst v63  }
0x26: {  	_ =	swait.ge [sflag:s7], $0x80  }
0x27: {  	[sflag:s7] =	ssyncset.done $0x0  }
0x28: {  	[sflag:s7] =	ssyncadd.s32 $0xFFFFFF80  }
0x29: {  	v1 =	vld [tilespmem:$0x138F0]  }
0x2a: {  	v2 =	vld [tilespmem:$0x138E0]  }
0x2b: {  	v3 =	vld [tilespmem:$0x138D0]  }
0x2c: {  	v4 =	vld [tilespmem:$0x138B0]  }
0x2d: {  	v5 =	vld [tilespmem:$0x138A0]  }
0x2e: {  	v6 =	vld [tilespmem:$0x13890];
	v1 =	vadd.s32 v0, v1  }
0x2f: {  	v7 =	vld [tilespmem:$0x138C0];
	v2 =	vadd.s32 v0, v2;
	[tilespmem:$0x13970] =	vst v1  }
0x30: {  	v3 =	vadd.s32 v0, v3;
	v1 =	vld [tilespmem:$0x13880];
	[tilespmem:$0x13960] =	vst v2  }
0x31: {  	p1 =	sne.s32 s8, $0x1;
	v2 =	vadd.s32 v0, v4;
	[tilespmem:$0x13950] =	vst v3  }
.Ltmp2:
0x32: {  	v3 =	vadd.s32 v0, v5;
	[tilespmem:$0x13930] =	vst v2;
	(pc) =	sbr.rel @!p1 .LBB2_5-.Ltmp2, $4  }
0x33: {  	v2 =	vadd.s32 v0, v6;
	[tilespmem:$0x13920] =	vst v3  }
0x34: {  	[tilespmem:$0x13910] =	vst v2;
	v2 =	vadd.s32 v0, v7  }
0x35: {  	[tilespmem:$0x13940] =	vst v2;
	v1 =	vadd.s32 v0, v1  }
0x36: {  	s23 =	sadd.s32 $0xFFFFFFFF, s8;
	s24 =	sadd.s32 $0x100, s12;
	s25 =	sadd.s32 $0x100, s13;
	[tilespmem:$0x13900] =	vst v1  }
.LBB2_4:
0x37: {  	[tilespmem:s19], [sflag:$0x1] =	stream.indirect.gather [hbm4b:s4+s17], $0x80, s18, s17, $0xb8;
	[tilespmem:$0x17A00] =	vst v63  }
0x38: {  	p1 =	sne.s32 s23, $0x1;
	s23 =	sadd.s32 $0xFFFFFFFF, s23;
	_ =	swait.ge [sflag:s20], $0x4000  }
0x39: {  	[sflag:s20] =	ssyncset.done $0x0  }
0x3a: {  	[sflag:s20] =	ssyncadd.s32 $0xFFFFC000  }
0x3b: {  	[spmem:s1] =	stream.indirect.scatter.add.f32 [tilespmem:s19], [sflag:$0x2], $0x80, s16, s17, $0xb8;
	[tilespmem:$0x17A00] =	vst v63  }
0x3c: {  	_ =	swait.ge [sflag:s7], $0x4000  }
0x3d: {  	[sflag:s7] =	ssyncset.done $0x0  }
0x3e: {  	[sflag:s7] =	ssyncadd.s32 $0xFFFFC000  }
0x3f: {  	[tilespmem:s15], [sflag:$0x2] =	stream.linear.gather [hbm4b:s25+s2], $0x80, $0x38;
	[tilespmem:$0x17A00] =	vst v63  }
0x40: {  	_ =	swait.ge [sflag:s7], $0x80  }
0x41: {  	[sflag:s7] =	ssyncset.done $0x0  }
0x42: {  	[sflag:s7] =	ssyncadd.s32 $0xFFFFFF80  }
0x43: {  	[tilespmem:s16], [sflag:$0x2] =	stream.linear.gather [hbm4b:s24+s2], $0x80, $0x38;
	[tilespmem:$0x17A00] =	vst v63  }
0x44: {  	_ =	swait.ge [sflag:s7], $0x80  }
0x45: {  	[sflag:s7] =	ssyncset.done $0x0  }
0x46: {  	[sflag:s7] =	ssyncadd.s32 $0xFFFFFF80  }
0x47: {  	v1 =	vld [tilespmem:$0x138F0]  }
0x48: {  	v2 =	vld [tilespmem:$0x138E0]  }
0x49: {  	v3 =	vld [tilespmem:$0x138D0]  }
0x4a: {  	v4 =	vld [tilespmem:$0x138B0]  }
0x4b: {  	v5 =	vld [tilespmem:$0x138A0]  }
0x4c: {  	v6 =	vld [tilespmem:$0x13890];
	v1 =	vadd.s32 v0, v1  }
0x4d: {  	v7 =	vld [tilespmem:$0x138C0];
	v2 =	vadd.s32 v0, v2;
	[tilespmem:$0x13970] =	vst v1  }
0x4e: {  	v1 =	vld [tilespmem:$0x13880];
	v3 =	vadd.s32 v0, v3;
	[tilespmem:$0x13960] =	vst v2  }
0x4f: {  	v2 =	vadd.s32 v0, v4;
	[tilespmem:$0x13950] =	vst v3  }
.Ltmp3:
0x50: {  	v3 =	vadd.s32 v0, v5;
	[tilespmem:$0x13930] =	vst v2;
	(pc) =	sbr.rel @p1 .LBB2_4-.Ltmp3, $4  }
0x51: {  	v2 =	vadd.s32 v0, v6;
	[tilespmem:$0x13920] =	vst v3  }
0x52: {  	[tilespmem:$0x13910] =	vst v2;
	v2 =	vadd.s32 v0, v7  }
0x53: {  	v1 =	vadd.s32 v0, v1;
	[tilespmem:$0x13940] =	vst v2  }
0x54: {  	s25 =	sadd.s32 $0x100, s25;
	s24 =	sadd.s32 $0x100, s24;
	[tilespmem:$0x13900] =	vst v1  }
.LBB2_5:
0x55: {  	[tilespmem:s19], [sflag:$0x1] =	stream.indirect.gather [hbm4b:s4+s17], $0x80, s18, s17, $0xb8;
	[tilespmem:$0x17A00] =	vst v63  }
0x56: {  	_ =	swait.ge [sflag:s20], $0x4000  }
0x57: {  	[sflag:s20] =	ssyncset.done $0x0  }
0x58: {  	[sflag:s20] =	ssyncadd.s32 $0xFFFFC000  }
0x59: {  	[spmem:s1] =	stream.indirect.scatter.add.f32 [tilespmem:s19], [sflag:$0x2], $0x80, s16, s17, $0xb8;
	[tilespmem:$0x17A00] =	vst v63  }
0x5a: {  	_ =	swait.ge [sflag:s7], $0x4000  }
0x5b: {  	[sflag:s7] =	ssyncset.done $0x0  }
.Ltmp4:
0x5c: {  	[sflag:s7] =	ssyncadd.s32 $0xFFFFC000;
	(pc) =	sbr.rel @!p0 .LBB2_7-.Ltmp4, $4  }
0x5d: {  	[bflag:$0x0] =	sbarrier.arrive $0xFFFF  }
0x5e: {  	[hbm:s14], [sflag:s9] =	dma.local [spmem:s22], $0x1900  }
0x5f: {  	s23 =	sadd.s32 $0xC8000, s11;
	_ =	swait.ge [sflag:s7], $0x1900  }
0x60: {  	s24 =	smov.u32 s14;
	s22 =	sadd.s32 $0xFFFFFFFF, s6;
	[sflag:s7] =	ssyncset.done $0x0  }
.LBB2_6:
0x61: {  	s25 =	sshrl.u32 s23, $0x3  }
0x62: {  	[sflag:s7] =	ssyncadd.s32 $0xFFFFE700;
	s24 =	sadd.s32 $0x19000, s24;
	p0 =	sne.s32 s22, $0x1  }
0x63: {  	[hbm:s24], [sflag:s9] =	dma.local [spmem:s25], $0x1900  }
.Ltmp5:
0x64: {  	_ = 	snop;
	(pc) =	sbr.rel @p0 .LBB2_6-.Ltmp5, $4  }
0x65: {  	_ = 	snop  }
0x66: {  	s22 =	sadd.s32 $0xFFFFFFFF, s22  }
0x67: {  	_ =	swait.ge [sflag:s7], $0x1900  }
0x68: {  	s23 =	sadd.s32 $0xC8000, s23;
	[sflag:s7] =	ssyncset.done $0x0  }
.LBB2_7:
0x69: {  	s21 =	sadd.s32 $0x1, s21  }
0x6a: {  	p0 =	sne.s32 s21, s10  }
.Ltmp6:
0x6b: {  	_ = 	snop;
	(pc) =	sbr.rel @p0 .LBB2_1-.Ltmp6, $2  }
0x6c: {  	_ =	sdelay $0x2  }
0x6d: {  	[sflag:s7] =	ssyncadd.s32 $0xFFFFE700  }
0x6e: {  	_ =	sfence.sel $0x180000  }
0x6f: {  	[bflag:$0x0] =	sbarrier.arrive $0xFFFF  }
0x70: {  	p0 =	sne.s32 s3, $0x0;
	_ =	strace $0x90000050  }
0x71: {  	s0 =	sadd.s32 @!p0 $0x100000, s0;
	[bflag:$0x2] =	sbarrier.arrive $0xFFFF  }
0x72: {  	[sflag:s0] =	ssyncadd.tile.s32 @!p0 $0x1;
	_ =	shalt  }
.Lfunc_end2:
_tile_overlayer_lowered:
.L_overlay_start_2:
0x73: {  	(tag) =	ssettag $0x2  }
0x74: {  	s0 =	rddreg [dreg:$0x0];
	s2 =	stileid.u32  }
0x75: {  	s1 =	rddreg [dreg:$0x1];
	p0 =	sne.s32 s2, $0x0  }
0x76: {  	s3 =	rddreg [dreg:$0x2];
	[bflag:$0x3] =	sbarrier.arrive $0xFFFF;
	s2 =	simm.s32 @!p0 $0x1C02  }
0x77: {  	[timem:s3], [sflag:s2] =	dma.local @!p0 [hbm:s0], s1  }
0x78: {  	s0 =	simm.s32 @!p0 $0x2  }
0x79: {  	_ =	swait.ge @!p0 [sflag:s0], s1  }
0x7a: {  	s1 =	ssub.s32 @!p0 $0x0, s1;
	[sflag:s0] =	ssyncset.done @!p0 $0x0  }
0x7b: {  	[sflag:s0] =	ssyncadd.s32 @!p0 s1  }
0x7c: {  	[bflag:$0x3] =	sbarrier.arrive $0xFFFF  }
0x7d: {  	_ =	shalt  }

</sc_bundles>
